<compile_context>
chip_gen: v7x
topology: tpu7x:2x2x1
jax: 0.10.2.dev20260603
libtpu: 0.0.44.dev20260713+nightly
codegen_flags: <defaults>
</compile_context>

<pallas_src>
import functools

import jax
import jax.numpy as jnp
from jax import lax
from jax.experimental import pallas as pl
from jax.experimental.pallas import tpu as pltpu
from jax.experimental.pallas import tpu_sc as plsc

CAT = 1000
D = 200
BATCH = 16384
AW = 640
FCE_OFF = 604
NC, NS = 2, 16
NW = NC * NS
ROWS_PER_W = BATCH // NW
CHUNK = 32
NCHUNK = ROWS_PER_W // CHUNK


def _prep_body(wsim, gsim, mix, wrep, wexp, fce, out_ref):
    a_sim = mix[:, 0:1] * wsim[...] + mix[:, 1:2] * gsim[...]
    z4 = jnp.zeros((CAT, 4), jnp.float32)
    pad = jnp.zeros((CAT, AW - FCE_OFF - 12), jnp.float32)
    out_ref[...] = jnp.concatenate(
        [a_sim, wrep[...], wexp[...], z4, fce[0:CAT, :], pad], axis=1)


def _build_fused_table(wsim, gsim, mix, wrep, wexp, fce):
    return pl.pallas_call(
        _prep_body,
        out_shape=jax.ShapeDtypeStruct((CAT, AW), jnp.float32),
    )(wsim, gsim, mix, wrep, wexp, fce)


def _sc_body(cat_hbm, sim_hbm, rep_hbm, exp_hbm, table_hbm, grep_hbm, gexp_hbm,
             fs_hbm, jsim_hbm,
             idx_v, a_v0, a_v1, sim_v0, sim_v1, rep_v0, rep_v1, exp_v0, exp_v1,
             grep_v, gexp_v, fs_v0, fs_v1, res_v0, res_v1,
             gsem0, gsem1, ssem0, ssem1, osem0, osem1):
    wid = lax.axis_index("s") * NC + lax.axis_index("c")
    a_vs = (a_v0, a_v1)
    sim_vs = (sim_v0, sim_v1)
    rep_vs = (rep_v0, rep_v1)
    exp_vs = (exp_v0, exp_v1)
    fs_vs = (fs_v0, fs_v1)
    res_vs = (res_v0, res_v1)
    gsems = (gsem0, gsem1)
    ssems = (ssem0, ssem1)
    osems = (osem0, osem1)
    tail = jnp.where(lax.iota(jnp.int32, 16) >= 8,
                     jnp.float32(1.0), jnp.float32(0.0))
    lanes = lax.iota(jnp.int32, 16)
    pltpu.sync_copy(grep_hbm, grep_v)
    pltpu.sync_copy(gexp_hbm, gexp_v)
    pltpu.sync_copy(cat_hbm.at[pl.ds(wid * ROWS_PER_W, ROWS_PER_W)], idx_v)
    gr = [grep_v[pl.ds(16 * j, 16)] for j in range(12)]
    ge = [gexp_v[pl.ds(16 * j, 16)] for j in range(12)]
    gr.append(grep_v[pl.ds(184, 16)] * tail)
    ge.append(gexp_v[pl.ds(184, 16)] * tail)

    def in_copies(buf, ci):
        base = wid * ROWS_PER_W + ci * CHUNK
        return (
            pltpu.make_async_copy(
                table_hbm.at[idx_v.at[pl.ds(ci * CHUNK, CHUNK)]],
                a_vs[buf], gsems[buf]),
            pltpu.make_async_copy(sim_hbm.at[pl.ds(base * D, CHUNK * D)],
                                  sim_vs[buf], ssems[buf]),
            pltpu.make_async_copy(rep_hbm.at[pl.ds(base * D, CHUNK * D)],
                                  rep_vs[buf], ssems[buf]),
            pltpu.make_async_copy(exp_hbm.at[pl.ds(base * D, CHUNK * D)],
                                  exp_vs[buf], ssems[buf]),
        )

    def start_in(buf, ci):
        for c in in_copies(buf, ci):
            c.start()

    def wait_in(buf, ci):
        for c in in_copies(buf, ci):
            c.wait()

    def drain_out(buf):
        base = wid * ROWS_PER_W
        pltpu.make_async_copy(fs_hbm.at[pl.ds(base * 16, CHUNK * 16)],
                              fs_vs[buf], osems[buf]).wait()
        pltpu.make_async_copy(jsim_hbm.at[pl.ds(base, CHUNK)], res_vs[buf],
                              osems[buf]).wait()

    def compute_chunk(buf, ci):
        base = wid * ROWS_PER_W + ci * CHUNK
        a_v, sim_v, rep_v, exp_v = a_vs[buf], sim_vs[buf], rep_vs[buf], exp_vs[buf]
        fs_v, res_v = fs_vs[buf], res_vs[buf]

        def grp_body(g, gcarry):
            def row_body(k, dsim):
                r = g * 16 + k
                acc_s = jnp.zeros((16,), jnp.float32)
                acc_r1 = jnp.zeros((16,), jnp.float32)
                acc_r2 = jnp.zeros((16,), jnp.float32)
                acc_e1 = jnp.zeros((16,), jnp.float32)
                acc_e2 = jnp.zeros((16,), jnp.float32)
                rb = r * D
                for j in range(12):
                    o = 16 * j
                    sv = sim_v[pl.ds(rb + o, 16)]
                    rv = rep_v[pl.ds(rb + o, 16)]
                    ev = exp_v[pl.ds(rb + o, 16)]
                    acc_s = acc_s + sv * a_v[r, pl.ds(o, 16)]
                    acc_r1 = acc_r1 + rv * a_v[r, pl.ds(D + o, 16)]
                    acc_r2 = acc_r2 + rv * gr[j]
                    acc_e1 = acc_e1 + ev * a_v[r, pl.ds(2 * D + o, 16)]
                    acc_e2 = acc_e2 + ev * ge[j]
                o = 184
                sv = sim_v[pl.ds(rb + o, 16)] * tail
                rv = rep_v[pl.ds(rb + o, 16)]
                ev = exp_v[pl.ds(rb + o, 16)]
                acc_s = acc_s + sv * a_v[r, pl.ds(o, 16)]
                acc_r1 = acc_r1 + rv * tail * a_v[r, pl.ds(D + o, 16)]
                acc_r2 = acc_r2 + rv * gr[12]
                acc_e1 = acc_e1 + ev * tail * a_v[r, pl.ds(2 * D + o, 16)]
                acc_e2 = acc_e2 + ev * ge[12]
                fsrow = a_v[r, pl.ds(FCE_OFF - 4, 16)]
                fsrow = jnp.where(jnp.equal(lanes, 0), jnp.sum(acc_r1), fsrow)
                fsrow = jnp.where(jnp.equal(lanes, 1), jnp.sum(acc_r2), fsrow)
                fsrow = jnp.where(jnp.equal(lanes, 2), jnp.sum(acc_e1), fsrow)
                fsrow = jnp.where(jnp.equal(lanes, 3), jnp.sum(acc_e2), fsrow)
                fs_v[pl.ds(r * 16, 16)] = fsrow
                dsim = jnp.where(jnp.equal(lanes, k), jnp.sum(acc_s), dsim)
                return dsim

            dsim = lax.fori_loop(0, 16, row_body, jnp.zeros((16,), jnp.float32))
            res_v[pl.ds(16 * g, 16)] = dsim
            return gcarry

        lax.fori_loop(0, CHUNK // 16, grp_body, 0)
        pltpu.async_copy(fs_v, fs_hbm.at[pl.ds(base * 16, CHUNK * 16)],
                         osems[buf])
        pltpu.async_copy(res_v, jsim_hbm.at[pl.ds(base, CHUNK)], osems[buf])

    start_in(0, 0)
    start_in(1, 1)

    def pair_body(t, carry):
        for buf in (0, 1):
            ci = 2 * t + buf
            wait_in(buf, ci)

            @pl.when(t >= 1)
            def _():
                drain_out(buf)

            compute_chunk(buf, ci)

            @pl.when(ci + 2 < NCHUNK)
            def _():
                start_in(buf, ci + 2)

        return carry

    lax.fori_loop(0, NCHUNK // 2, pair_body, 0)
    drain_out(0)
    drain_out(1)


_sc_call = functools.partial(
    pl.kernel,
    out_type=(jax.ShapeDtypeStruct((BATCH * 16,), jnp.float32),
              jax.ShapeDtypeStruct((BATCH,), jnp.float32)),
    mesh=plsc.VectorSubcoreMesh(core_axis_name="c", subcore_axis_name="s",
                                num_cores=NC, num_subcores=NS),
    scratch_types=[
        pltpu.VMEM((ROWS_PER_W,), jnp.int32),
        pltpu.VMEM((CHUNK, AW), jnp.float32),
        pltpu.VMEM((CHUNK, AW), jnp.float32),
        pltpu.VMEM((CHUNK * D,), jnp.float32),
        pltpu.VMEM((CHUNK * D,), jnp.float32),
        pltpu.VMEM((CHUNK * D,), jnp.float32),
        pltpu.VMEM((CHUNK * D,), jnp.float32),
        pltpu.VMEM((CHUNK * D,), jnp.float32),
        pltpu.VMEM((CHUNK * D,), jnp.float32),
        pltpu.VMEM((D,), jnp.float32),
        pltpu.VMEM((D,), jnp.float32),
        pltpu.VMEM((CHUNK * 16,), jnp.float32),
        pltpu.VMEM((CHUNK * 16,), jnp.float32),
        pltpu.VMEM((CHUNK,), jnp.float32),
        pltpu.VMEM((CHUNK,), jnp.float32),
        pltpu.SemaphoreType.DMA,
        pltpu.SemaphoreType.DMA,
        pltpu.SemaphoreType.DMA,
        pltpu.SemaphoreType.DMA,
        pltpu.SemaphoreType.DMA,
        pltpu.SemaphoreType.DMA,
    ],
    compiler_params=pltpu.CompilerParams(needs_layout_passes=False,
                                         use_tc_tiling_on_sc=False),
)(_sc_body)


def _mlp_body(fs, jsim, w1, b1, w2, b2, out_ref):
    h = jnp.dot(fs[...], w1[...], preferred_element_type=jnp.float32) + b1[...]
    jf = jnp.dot(h, w2[...], preferred_element_type=jnp.float32) + b2[...]
    out_ref[...] = jax.nn.sigmoid(jf) * jsim[...]


def _mlp_call(fs, jsim, w1, b1, w2, b2):
    return pl.pallas_call(
        _mlp_body,
        out_shape=jax.ShapeDtypeStruct((BATCH, 1), jnp.float32),
    )(fs, jsim, w1, b1, w2, b2)


def kernel(item, cat, sim_seq, rep_seq, expl_seq, cat_emb, pos_cat_sim_weight,
           pos_global_sim_weight, sim_mix_emb, incat_rep_pos_weight,
           global_rep_pos_weight, incat_exp_pos_weight, global_exp_pos_weight,
           freq_cat_emb, W1, b1, W2, b2):
    table = _build_fused_table(
        pos_cat_sim_weight, pos_global_sim_weight, sim_mix_emb,
        incat_rep_pos_weight, incat_exp_pos_weight, freq_cat_emb)
    fs, jsim = _sc_call(cat.astype(jnp.int32), sim_seq.reshape(-1),
                        rep_seq.reshape(-1), expl_seq.reshape(-1), table,
                        global_rep_pos_weight.reshape(-1),
                        global_exp_pos_weight.reshape(-1))
    return _mlp_call(fs.reshape(BATCH, 16), jsim[:, None], W1, b1[None, :],
                     W2, b2[None, :])

# --- scband reference (transcript-rebuilt; emitter-appended) ---
"""Pipeline reference for scband-rankusr-model-explore-aware-model-25400436588974 (READ-ONLY COPY).

The authoritative reference and input builder live on the scoring server;
editing this copy changes nothing except your own understanding.
"""

import jax, jax.numpy as jnp
import numpy as np

CAT_NUM = 1000
EMB_MAX_LEN = 200
FREQ_MAX_LEN = 200
B = 16384


def setup_inputs(seed: int = 0) -> dict:
    key = jax.random.key(seed)
    ks = jax.random.split(key, 10)
    item = jax.random.randint(ks[0], (B,), 0, CAT_NUM)
    cat = jax.random.randint(ks[1], (B,), 0, CAT_NUM)
    sim_seq = jax.random.uniform(ks[2], (B, EMB_MAX_LEN), dtype=jnp.float32)
    rep_seq = jax.random.uniform(ks[3], (B, FREQ_MAX_LEN), dtype=jnp.float32)
    expl_seq = jax.random.uniform(ks[4], (B, FREQ_MAX_LEN), dtype=jnp.float32)
    cat_emb = jax.random.normal(ks[5], (CAT_NUM + 1, 12), dtype=jnp.float32)
    pos_global_sim_weight = jnp.ones((1, EMB_MAX_LEN), dtype=jnp.float32)
    pos_cat_sim_weight = jnp.ones((CAT_NUM, EMB_MAX_LEN), dtype=jnp.float32)
    sim_mix_emb = jnp.full((CAT_NUM, 2), 0.5, dtype=jnp.float32)
    incat_rep_pos_weight = jnp.full((CAT_NUM, FREQ_MAX_LEN), 0.1, dtype=jnp.float32)
    global_rep_pos_weight = jnp.full((1, FREQ_MAX_LEN), 0.1, dtype=jnp.float32)
    incat_exp_pos_weight = jnp.full((CAT_NUM, FREQ_MAX_LEN), 0.1, dtype=jnp.float32)
    global_exp_pos_weight = jnp.full((1, FREQ_MAX_LEN), 0.1, dtype=jnp.float32)
    freq_cat_emb = jax.random.normal(ks[6], (CAT_NUM + 1, 12), dtype=jnp.float32)
    W1 = jax.random.normal(ks[7], (16, 32), dtype=jnp.float32) * (1.0 / np.sqrt(16.0))
    b1 = jnp.zeros((32,), dtype=jnp.float32)
    W2 = jax.random.normal(ks[8], (32, 1), dtype=jnp.float32) * (1.0 / np.sqrt(32.0))
    b2 = jnp.zeros((1,), dtype=jnp.float32)
    return {
        "item": item, "cat": cat, "sim_seq": sim_seq, "rep_seq": rep_seq, "expl_seq": expl_seq,
        "cat_emb": cat_emb, "pos_cat_sim_weight": pos_cat_sim_weight,
        "pos_global_sim_weight": pos_global_sim_weight, "sim_mix_emb": sim_mix_emb,
        "incat_rep_pos_weight": incat_rep_pos_weight, "global_rep_pos_weight": global_rep_pos_weight,
        "incat_exp_pos_weight": incat_exp_pos_weight, "global_exp_pos_weight": global_exp_pos_weight,
        "freq_cat_emb": freq_cat_emb, "W1": W1, "b1": b1, "W2": W2, "b2": b2,
    }


def reference(item, cat, sim_seq, rep_seq, expl_seq, cat_emb, pos_cat_sim_weight,
              pos_global_sim_weight, sim_mix_emb, incat_rep_pos_weight, global_rep_pos_weight,
              incat_exp_pos_weight, global_exp_pos_weight, freq_cat_emb, W1, b1, W2, b2):
    zeros = jnp.zeros_like(cat)
    cat_sim_weight = jnp.take(pos_cat_sim_weight, cat, axis=0)
    global_sim_weight = jnp.take(pos_global_sim_weight, zeros, axis=0)
    cat_emb_specific = jnp.take(cat_emb, cat, axis=0)  # computed but unused, as in torch forward
    cat_sim_score = jnp.sum(cat_sim_weight * sim_seq, axis=1)[:, None]
    global_sim_score = jnp.sum(global_sim_weight * sim_seq, axis=1)[:, None]
    sim_score = jnp.concatenate([cat_sim_score, global_sim_score], axis=1)
    sim_mix_weight = jnp.take(sim_mix_emb, cat, axis=0)
    joint_sim_score = jnp.sum(sim_score * sim_mix_weight, axis=1)[:, None]
    incat_rep_weight = jnp.take(incat_rep_pos_weight, cat, axis=0)
    incat_exp_weight = jnp.take(incat_exp_pos_weight, cat, axis=0)
    global_rep_weight = jnp.take(global_rep_pos_weight, zeros, axis=0)
    global_exp_weight = jnp.take(global_exp_pos_weight, zeros, axis=0)
    cat_rep_score = jnp.sum(rep_seq * incat_rep_weight, axis=1)[:, None]
    global_rep_score = jnp.sum(rep_seq * global_rep_weight, axis=1)[:, None]
    incat_exp_score = jnp.sum(expl_seq * incat_exp_weight, axis=1)[:, None]
    global_exp_score = jnp.sum(expl_seq * global_exp_weight, axis=1)[:, None]
    fce = jnp.take(freq_cat_emb, cat, axis=0)
    freq_score = jnp.concatenate([cat_rep_score, global_rep_score, incat_exp_score,
                                  global_exp_score, fce], axis=1)
    h = freq_score @ W1 + b1
    joint_freq_score = h @ W2 + b2
    exp_prob = jax.nn.sigmoid(joint_freq_score)
    final_score = exp_prob * joint_sim_score
    return final_score

if __name__ == "__main__":
    import jax
    _d = setup_inputs()
    print(jax.jit(kernel)(*tuple(_d.values())))

</pallas_src>

<mosaic_0001>
#map = affine_map<(d0, d1) -> (0)>
#map1 = affine_map<(d0, d1) -> (0, 0)>
module attributes {stable_mosaic.version = 14 : i64} {
  func.func @_sc_body(%arg0: i32, %arg1: i32, %arg2: memref<16384xi32, #tpu.memory_space<hbm>>, %arg3: memref<3276800xf32, #tpu.memory_space<hbm>>, %arg4: memref<3276800xf32, #tpu.memory_space<hbm>>, %arg5: memref<3276800xf32, #tpu.memory_space<hbm>>, %arg6: memref<1000x640xf32, #tpu.memory_space<hbm>>, %arg7: memref<200xf32, #tpu.memory_space<hbm>>, %arg8: memref<200xf32, #tpu.memory_space<hbm>>, %arg9: memref<262144xf32, #tpu.memory_space<hbm>>, %arg10: memref<16384xf32, #tpu.memory_space<hbm>>, %arg11: memref<512xi32, #tpu.memory_space<vmem>>, %arg12: memref<32x640xf32, #tpu.memory_space<vmem>>, %arg13: memref<32x640xf32, #tpu.memory_space<vmem>>, %arg14: memref<6400xf32, #tpu.memory_space<vmem>>, %arg15: memref<6400xf32, #tpu.memory_space<vmem>>, %arg16: memref<6400xf32, #tpu.memory_space<vmem>>, %arg17: memref<6400xf32, #tpu.memory_space<vmem>>, %arg18: memref<6400xf32, #tpu.memory_space<vmem>>, %arg19: memref<6400xf32, #tpu.memory_space<vmem>>, %arg20: memref<200xf32, #tpu.memory_space<vmem>>, %arg21: memref<200xf32, #tpu.memory_space<vmem>>, %arg22: memref<512xf32, #tpu.memory_space<vmem>>, %arg23: memref<512xf32, #tpu.memory_space<vmem>>, %arg24: memref<32xf32, #tpu.memory_space<vmem>>, %arg25: memref<32xf32, #tpu.memory_space<vmem>>, %arg26: memref<!tpu.dma_semaphore, #tpu.memory_space<semaphore_mem>>, %arg27: memref<!tpu.dma_semaphore, #tpu.memory_space<semaphore_mem>>, %arg28: memref<!tpu.dma_semaphore, #tpu.memory_space<semaphore_mem>>, %arg29: memref<!tpu.dma_semaphore, #tpu.memory_space<semaphore_mem>>, %arg30: memref<!tpu.dma_semaphore, #tpu.memory_space<semaphore_mem>>, %arg31: memref<!tpu.dma_semaphore, #tpu.memory_space<semaphore_mem>>) attributes {dimension_semantics = [#tpu.dimension_semantics<core_parallel>, #tpu.dimension_semantics<subcore_parallel>], iteration_bounds = array<i64: 2, 16>, scalar_prefetch = 0 : i64, scratch_operands = 21 : i64, tpu.core_type = #tpu.core_type<sc_vector_subcore>, window_params = [{transform_indices = #map}, {transform_indices = #map}, {transform_indices = #map}, {transform_indices = #map}, {transform_indices = #map1}, {transform_indices = #map}, {transform_indices = #map}, {transform_indices = #map}, {transform_indices = #map}]} {
    %mul3A = arith.constant 2 : i32
    %mul3A_0 = arith.muli %arg1, %mul3A : i32
    %add3A = arith.addi %mul3A_0, %arg0 : i32
    %iota3A = tpu.iota {dimensions = array<i32: 0>} : vector<16xi32>
    %ge3A = arith.constant 8 : i32
    %ge3A_1 = vector.broadcast %ge3A : i32 to vector<16xi32>
    %ge3A_2 = arith.cmpi sge, %iota3A, %ge3A_1 : vector<16xi32>
    %jit3A = arith.constant 1.000000e+00 : f32
    %jit3A_3 = arith.constant 0.000000e+00 : f32
    %broadcast_in_dim3A = vector.broadcast %jit3A : f32 to vector<16xf32>
    %broadcast_in_dim3A_4 = vector.broadcast %jit3A_3 : f32 to vector<16xf32>
    %select_n3A = arith.select %ge3A_2, %broadcast_in_dim3A, %broadcast_in_dim3A_4 : vector<16xi1>, vector<16xf32>
    %iota3A_5 = tpu.iota {dimensions = array<i32: 0>} : vector<16xi32>
    "tpu.region"() ({
      %run_scoped3A = tpu.sem_alloc : memref<!tpu.dma_semaphore, #tpu.memory_space<semaphore_mem>>
      tpu.enqueue_dma source(%arg7 : memref<200xf32, #tpu.memory_space<hbm>>) target(%arg20 : memref<200xf32, #tpu.memory_space<vmem>>) target_semaphore(%run_scoped3A : memref<!tpu.dma_semaphore, #tpu.memory_space<semaphore_mem>>)
      tpu.wait_dma2 semaphore(%run_scoped3A : memref<!tpu.dma_semaphore, #tpu.memory_space<semaphore_mem>>) src(%arg7 : memref<200xf32, #tpu.memory_space<hbm>>) dst(%arg20 : memref<200xf32, #tpu.memory_space<vmem>>)
      tpu.yield
    }) : () -> ()
    "tpu.region"() ({
      %run_scoped3A = tpu.sem_alloc : memref<!tpu.dma_semaphore, #tpu.memory_space<semaphore_mem>>
      tpu.enqueue_dma source(%arg8 : memref<200xf32, #tpu.memory_space<hbm>>) target(%arg21 : memref<200xf32, #tpu.memory_space<vmem>>) target_semaphore(%run_scoped3A : memref<!tpu.dma_semaphore, #tpu.memory_space<semaphore_mem>>)
      tpu.wait_dma2 semaphore(%run_scoped3A : memref<!tpu.dma_semaphore, #tpu.memory_space<semaphore_mem>>) src(%arg8 : memref<200xf32, #tpu.memory_space<hbm>>) dst(%arg21 : memref<200xf32, #tpu.memory_space<vmem>>)
      tpu.yield
    }) : () -> ()
    %mul3A_6 = arith.constant 512 : i32
    %mul3A_7 = arith.muli %add3A, %mul3A_6 : i32
    "tpu.region"() ({
      %run_scoped3A = tpu.sem_alloc : memref<!tpu.dma_semaphore, #tpu.memory_space<semaphore_mem>>
      %dma_start3A_122 = tpu.memref_slice %arg2[%mul3A_7] : memref<16384xi32, #tpu.memory_space<hbm>> -> memref<512xi32, #tpu.memory_space<hbm>>
      %dma_start3A_123 = tpu.memref_slice %arg2[%mul3A_7] : memref<16384xi32, #tpu.memory_space<hbm>> -> memref<512xi32, #tpu.memory_space<hbm>>
      tpu.enqueue_dma source(%dma_start3A_123 : memref<512xi32, #tpu.memory_space<hbm>>) target(%arg11 : memref<512xi32, #tpu.memory_space<vmem>>) target_semaphore(%run_scoped3A : memref<!tpu.dma_semaphore, #tpu.memory_space<semaphore_mem>>)
      %dma_wait3A_124 = tpu.memref_slice %arg2[%mul3A_7] : memref<16384xi32, #tpu.memory_space<hbm>> -> memref<512xi32, #tpu.memory_space<hbm>>
      %dma_wait3A_125 = tpu.memref_slice %arg2[%mul3A_7] : memref<16384xi32, #tpu.memory_space<hbm>> -> memref<512xi32, #tpu.memory_space<hbm>>
      tpu.wait_dma2 semaphore(%run_scoped3A : memref<!tpu.dma_semaphore, #tpu.memory_space<semaphore_mem>>) src(%dma_wait3A_125 : memref<512xi32, #tpu.memory_space<hbm>>) dst(%arg11 : memref<512xi32, #tpu.memory_space<vmem>>)
      tpu.yield
    }) : () -> ()
    %get3A = arith.constant 0 : index
    %get3A_8 = tpu.vector_load %arg20[%get3A] {strides = array<i32>} : memref<200xf32, #tpu.memory_space<vmem>>, vector<16xf32>,
    %get3A_9 = arith.constant 16 : index
    %get3A_10 = tpu.vector_load %arg20[%get3A_9] {strides = array<i32>} : memref<200xf32, #tpu.memory_space<vmem>>, vector<16xf32>,
    %get3A_11 = arith.constant 32 : index
    %get3A_12 = tpu.vector_load %arg20[%get3A_11] {strides = array<i32>} : memref<200xf32, #tpu.memory_space<vmem>>, vector<16xf32>,
    %get3A_13 = arith.constant 48 : index
    %get3A_14 = tpu.vector_load %arg20[%get3A_13] {strides = array<i32>} : memref<200xf32, #tpu.memory_space<vmem>>, vector<16xf32>,
    %get3A_15 = arith.constant 64 : index
    %get3A_16 = tpu.vector_load %arg20[%get3A_15] {strides = array<i32>} : memref<200xf32, #tpu.memory_space<vmem>>, vector<16xf32>,
    %get3A_17 = arith.constant 80 : index
    %get3A_18 = tpu.vector_load %arg20[%get3A_17] {strides = array<i32>} : memref<200xf32, #tpu.memory_space<vmem>>, vector<16xf32>,
    %get3A_19 = arith.constant 96 : index
    %get3A_20 = tpu.vector_load %arg20[%get3A_19] {strides = array<i32>} : memref<200xf32, #tpu.memory_space<vmem>>, vector<16xf32>,
    %get3A_21 = arith.constant 112 : index
    %get3A_22 = tpu.vector_load %arg20[%get3A_21] {strides = array<i32>} : memref<200xf32, #tpu.memory_space<vmem>>, vector<16xf32>,
    %get3A_23 = arith.constant 128 : index
    %get3A_24 = tpu.vector_load %arg20[%get3A_23] {strides = array<i32>} : memref<200xf32, #tpu.memory_space<vmem>>, vector<16xf32>,
    %get3A_25 = arith.constant 144 : index
    %get3A_26 = tpu.vector_load %arg20[%get3A_25] {strides = array<i32>} : memref<200xf32, #tpu.memory_space<vmem>>, vector<16xf32>,
    %get3A_27 = arith.constant 160 : index
    %get3A_28 = tpu.vector_load %arg20[%get3A_27] {strides = array<i32>} : memref<200xf32, #tpu.memory_space<vmem>>, vector<16xf32>,
    %get3A_29 = arith.constant 176 : index
    %get3A_30 = tpu.vector_load %arg20[%get3A_29] {strides = array<i32>} : memref<200xf32, #tpu.memory_space<vmem>>, vector<16xf32>,
    %get3A_31 = arith.constant 0 : index
    %get3A_32 = tpu.vector_load %arg21[%get3A_31] {strides = array<i32>} : memref<200xf32, #tpu.memory_space<vmem>>, vector<16xf32>,
    %get3A_33 = arith.constant 16 : index
    %get3A_34 = tpu.vector_load %arg21[%get3A_33] {strides = array<i32>} : memref<200xf32, #tpu.memory_space<vmem>>, vector<16xf32>,
    %get3A_35 = arith.constant 32 : index
    %get3A_36 = tpu.vector_load %arg21[%get3A_35] {strides = array<i32>} : memref<200xf32, #tpu.memory_space<vmem>>, vector<16xf32>,
    %get3A_37 = arith.constant 48 : index
    %get3A_38 = tpu.vector_load %arg21[%get3A_37] {strides = array<i32>} : memref<200xf32, #tpu.memory_space<vmem>>, vector<16xf32>,
    %get3A_39 = arith.constant 64 : index
    %get3A_40 = tpu.vector_load %arg21[%get3A_39] {strides = array<i32>} : memref<200xf32, #tpu.memory_space<vmem>>, vector<16xf32>,
    %get3A_41 = arith.constant 80 : index
    %get3A_42 = tpu.vector_load %arg21[%get3A_41] {strides = array<i32>} : memref<200xf32, #tpu.memory_space<vmem>>, vector<16xf32>,
    %get3A_43 = arith.constant 96 : index
    %get3A_44 = tpu.vector_load %arg21[%get3A_43] {strides = array<i32>} : memref<200xf32, #tpu.memory_space<vmem>>, vector<16xf32>,
    %get3A_45 = arith.constant 112 : index
    %get3A_46 = tpu.vector_load %arg21[%get3A_45] {strides = array<i32>} : memref<200xf32, #tpu.memory_space<vmem>>, vector<16xf32>,
    %get3A_47 = arith.constant 128 : index
    %get3A_48 = tpu.vector_load %arg21[%get3A_47] {strides = array<i32>} : memref<200xf32, #tpu.memory_space<vmem>>, vector<16xf32>,
    %get3A_49 = arith.constant 144 : index
    %get3A_50 = tpu.vector_load %arg21[%get3A_49] {strides = array<i32>} : memref<200xf32, #tpu.memory_space<vmem>>, vector<16xf32>,
    %get3A_51 = arith.constant 160 : index
    %get3A_52 = tpu.vector_load %arg21[%get3A_51] {strides = array<i32>} : memref<200xf32, #tpu.memory_space<vmem>>, vector<16xf32>,
    %get3A_53 = arith.constant 176 : index
    %get3A_54 = tpu.vector_load %arg21[%get3A_53] {strides = array<i32>} : memref<200xf32, #tpu.memory_space<vmem>>, vector<16xf32>,
    %get3A_55 = arith.constant 184 : index
    %get3A_56 = tpu.vector_load %arg20[%get3A_55] {strides = array<i32>} : memref<200xf32, #tpu.memory_space<vmem>>, vector<16xf32>,
    %mul3A_57 = arith.mulf %get3A_56, %select_n3A : vector<16xf32>
    %get3A_58 = arith.constant 184 : index
    %get3A_59 = tpu.vector_load %arg21[%get3A_58] {strides = array<i32>} : memref<200xf32, #tpu.memory_space<vmem>>, vector<16xf32>,
    %mul3A_60 = arith.mulf %get3A_59, %select_n3A : vector<16xf32>
    %mul3A_61 = arith.constant 512 : i32
    %mul3A_62 = arith.muli %add3A, %mul3A_61 : i32
    %add3A_63 = arith.constant 0 : i32
    %add3A_64 = arith.addi %mul3A_62, %add3A_63 : i32
    %mul3A_65 = arith.constant 200 : i32
    %mul3A_66 = arith.muli %add3A_64, %mul3A_65 : i32
    %mul3A_67 = arith.constant 200 : i32
    %mul3A_68 = arith.muli %add3A_64, %mul3A_67 : i32
    %mul3A_69 = arith.constant 200 : i32
    %mul3A_70 = arith.muli %add3A_64, %mul3A_69 : i32
    %dma_start3A = arith.constant 0 : i32
    %dma_start3A_71 = tpu.memref_slice %arg11[%dma_start3A] : memref<512xi32, #tpu.memory_space<vmem>> -> memref<32xi32, #tpu.memory_space<vmem>>
    %dma_start3A_72 = arith.constant 0 : i32
    %dma_start3A_73 = arith.constant 0 : i32
    %dma_start3A_74 = tpu.memref_slice %arg6[%dma_start3A_72, %dma_start3A_73] : memref<1000x640xf32, #tpu.memory_space<hbm>> -> memref<1000x640xf32, #tpu.memory_space<hbm>>
    tpu.enqueue_indirect_dma source(%dma_start3A_74 : memref<1000x640xf32, #tpu.memory_space<hbm>>) target(%arg12 : memref<32x640xf32, #tpu.memory_space<vmem>>) offsets(%dma_start3A_71 : memref<32xi32, #tpu.memory_space<vmem>>) semaphore(%arg26 : memref<!tpu.dma_semaphore, #tpu.memory_space<semaphore_mem>>)
    %dma_start3A_75 = tpu.memref_slice %arg3[%mul3A_66] : memref<3276800xf32, #tpu.memory_space<hbm>> -> memref<6400xf32, #tpu.memory_space<hbm>>
    %dma_start3A_76 = tpu.memref_slice %arg3[%mul3A_66] : memref<3276800xf32, #tpu.memory_space<hbm>> -> memref<6400xf32, #tpu.memory_space<hbm>>
    tpu.enqueue_dma source(%dma_start3A_76 : memref<6400xf32, #tpu.memory_space<hbm>>) target(%arg14 : memref<6400xf32, #tpu.memory_space<vmem>>) target_semaphore(%arg28 : memref<!tpu.dma_semaphore, #tpu.memory_space<semaphore_mem>>)
    %dma_start3A_77 = tpu.memref_slice %arg4[%mul3A_68] : memref<3276800xf32, #tpu.memory_space<hbm>> -> memref<6400xf32, #tpu.memory_space<hbm>>
    %dma_start3A_78 = tpu.memref_slice %arg4[%mul3A_68] : memref<3276800xf32, #tpu.memory_space<hbm>> -> memref<6400xf32, #tpu.memory_space<hbm>>
    tpu.enqueue_dma source(%dma_start3A_78 : memref<6400xf32, #tpu.memory_space<hbm>>) target(%arg16 : memref<6400xf32, #tpu.memory_space<vmem>>) target_semaphore(%arg28 : memref<!tpu.dma_semaphore, #tpu.memory_space<semaphore_mem>>)
    %dma_start3A_79 = tpu.memref_slice %arg5[%mul3A_70] : memref<3276800xf32, #tpu.memory_space<hbm>> -> memref<6400xf32, #tpu.memory_space<hbm>>
    %dma_start3A_80 = tpu.memref_slice %arg5[%mul3A_70] : memref<3276800xf32, #tpu.memory_space<hbm>> -> memref<6400xf32, #tpu.memory_space<hbm>>
    tpu.enqueue_dma source(%dma_start3A_80 : memref<6400xf32, #tpu.memory_space<hbm>>) target(%arg18 : memref<6400xf32, #tpu.memory_space<vmem>>) target_semaphore(%arg28 : memref<!tpu.dma_semaphore, #tpu.memory_space<semaphore_mem>>)
    %mul3A_81 = arith.constant 512 : i32
    %mul3A_82 = arith.muli %add3A, %mul3A_81 : i32
    %add3A_83 = arith.constant 32 : i32
    %add3A_84 = arith.addi %mul3A_82, %add3A_83 : i32
    %mul3A_85 = arith.constant 200 : i32
    %mul3A_86 = arith.muli %add3A_84, %mul3A_85 : i32
    %mul3A_87 = arith.constant 200 : i32
    %mul3A_88 = arith.muli %add3A_84, %mul3A_87 : i32
    %mul3A_89 = arith.constant 200 : i32
    %mul3A_90 = arith.muli %add3A_84, %mul3A_89 : i32
    %dma_start3A_91 = arith.constant 32 : i32
    %dma_start3A_92 = tpu.memref_slice %arg11[%dma_start3A_91] : memref<512xi32, #tpu.memory_space<vmem>> -> memref<32xi32, #tpu.memory_space<vmem>>
    %dma_start3A_93 = arith.constant 0 : i32
    %dma_start3A_94 = arith.constant 0 : i32
    %dma_start3A_95 = tpu.memref_slice %arg6[%dma_start3A_93, %dma_start3A_94] : memref<1000x640xf32, #tpu.memory_space<hbm>> -> memref<1000x640xf32, #tpu.memory_space<hbm>>
    tpu.enqueue_indirect_dma source(%dma_start3A_95 : memref<1000x640xf32, #tpu.memory_space<hbm>>) target(%arg13 : memref<32x640xf32, #tpu.memory_space<vmem>>) offsets(%dma_start3A_92 : memref<32xi32, #tpu.memory_space<vmem>>) semaphore(%arg27 : memref<!tpu.dma_semaphore, #tpu.memory_space<semaphore_mem>>)
    %dma_start3A_96 = tpu.memref_slice %arg3[%mul3A_86] : memref<3276800xf32, #tpu.memory_space<hbm>> -> memref<6400xf32, #tpu.memory_space<hbm>>
    %dma_start3A_97 = tpu.memref_slice %arg3[%mul3A_86] : memref<3276800xf32, #tpu.memory_space<hbm>> -> memref<6400xf32, #tpu.memory_space<hbm>>
    tpu.enqueue_dma source(%dma_start3A_97 : memref<6400xf32, #tpu.memory_space<hbm>>) target(%arg15 : memref<6400xf32, #tpu.memory_space<vmem>>) target_semaphore(%arg29 : memref<!tpu.dma_semaphore, #tpu.memory_space<semaphore_mem>>)
    %dma_start3A_98 = tpu.memref_slice %arg4[%mul3A_88] : memref<3276800xf32, #tpu.memory_space<hbm>> -> memref<6400xf32, #tpu.memory_space<hbm>>
    %dma_start3A_99 = tpu.memref_slice %arg4[%mul3A_88] : memref<3276800xf32, #tpu.memory_space<hbm>> -> memref<6400xf32, #tpu.memory_space<hbm>>
    tpu.enqueue_dma source(%dma_start3A_99 : memref<6400xf32, #tpu.memory_space<hbm>>) target(%arg17 : memref<6400xf32, #tpu.memory_space<vmem>>) target_semaphore(%arg29 : memref<!tpu.dma_semaphore, #tpu.memory_space<semaphore_mem>>)
    %dma_start3A_100 = tpu.memref_slice %arg5[%mul3A_90] : memref<3276800xf32, #tpu.memory_space<hbm>> -> memref<6400xf32, #tpu.memory_space<hbm>>
    %dma_start3A_101 = tpu.memref_slice %arg5[%mul3A_90] : memref<3276800xf32, #tpu.memory_space<hbm>> -> memref<6400xf32, #tpu.memory_space<hbm>>
    tpu.enqueue_dma source(%dma_start3A_101 : memref<6400xf32, #tpu.memory_space<hbm>>) target(%arg19 : memref<6400xf32, #tpu.memory_space<vmem>>) target_semaphore(%arg29 : memref<!tpu.dma_semaphore, #tpu.memory_space<semaphore_mem>>)
    %scan3A = arith.constant 0 : i32
    %scan3A_102 = arith.constant 0 : i32
    %scan3A_103 = arith.constant 8 : i32
    %scan3A_104 = arith.addi %scan3A_102, %scan3A_103 : i32
    %scan3A_105 = arith.constant 1 : i32
    scf.for %scan3A_122 = %scan3A_102 to %scan3A_104 step %scan3A_105  : i32 {
      %mul3A_123 = arith.constant 2 : i32
      %mul3A_124 = arith.muli %mul3A_123, %scan3A_122 : i32
      %add3A_125 = arith.constant 0 : i32
      %add3A_126 = arith.addi %mul3A_124, %add3A_125 : i32
      %mul3A_127 = arith.constant 512 : i32
      %mul3A_128 = arith.muli %add3A, %mul3A_127 : i32
      %mul3A_129 = arith.constant 32 : i32
      %mul3A_130 = arith.muli %add3A_126, %mul3A_129 : i32
      %add3A_131 = arith.addi %mul3A_128, %mul3A_130 : i32
      %mul3A_132 = arith.constant 32 : i32
      %mul3A_133 = arith.muli %add3A_126, %mul3A_132 : i32
      %mul3A_134 = arith.constant 200 : i32
      %mul3A_135 = arith.muli %add3A_131, %mul3A_134 : i32
      %mul3A_136 = arith.constant 200 : i32
      %mul3A_137 = arith.muli %add3A_131, %mul3A_136 : i32
      %mul3A_138 = arith.constant 200 : i32
      %mul3A_139 = arith.muli %add3A_131, %mul3A_138 : i32
      %dma_wait3A_140 = tpu.memref_slice %arg11[%mul3A_133] : memref<512xi32, #tpu.memory_space<vmem>> -> memref<32xi32, #tpu.memory_space<vmem>>
      %dma_wait3A_141 = arith.constant 0 : i32
      %dma_wait3A_142 = arith.constant 0 : i32
      %dma_wait3A_143 = tpu.memref_slice %arg6[%dma_wait3A_141, %dma_wait3A_142] : memref<1000x640xf32, #tpu.memory_space<hbm>> -> memref<1000x640xf32, #tpu.memory_space<hbm>>
      tpu.wait_indirect_dma semaphore(%arg26 : memref<!tpu.dma_semaphore, #tpu.memory_space<semaphore_mem>>) src(%dma_wait3A_143 : memref<1000x640xf32, #tpu.memory_space<hbm>>) dst(%arg12 : memref<32x640xf32, #tpu.memory_space<vmem>>)
      %dma_wait3A_144 = tpu.memref_slice %arg3[%mul3A_135] : memref<3276800xf32, #tpu.memory_space<hbm>> -> memref<6400xf32, #tpu.memory_space<hbm>>
      %dma_wait3A_145 = tpu.memref_slice %arg3[%mul3A_135] : memref<3276800xf32, #tpu.memory_space<hbm>> -> memref<6400xf32, #tpu.memory_space<hbm>>
      tpu.wait_dma2 semaphore(%arg28 : memref<!tpu.dma_semaphore, #tpu.memory_space<semaphore_mem>>) src(%dma_wait3A_145 : memref<6400xf32, #tpu.memory_space<hbm>>) dst(%arg14 : memref<6400xf32, #tpu.memory_space<vmem>>)
      %dma_wait3A_146 = tpu.memref_slice %arg4[%mul3A_137] : memref<3276800xf32, #tpu.memory_space<hbm>> -> memref<6400xf32, #tpu.memory_space<hbm>>
      %dma_wait3A_147 = tpu.memref_slice %arg4[%mul3A_137] : memref<3276800xf32, #tpu.memory_space<hbm>> -> memref<6400xf32, #tpu.memory_space<hbm>>
      tpu.wait_dma2 semaphore(%arg28 : memref<!tpu.dma_semaphore, #tpu.memory_space<semaphore_mem>>) src(%dma_wait3A_147 : memref<6400xf32, #tpu.memory_space<hbm>>) dst(%arg16 : memref<6400xf32, #tpu.memory_space<vmem>>)
      %dma_wait3A_148 = tpu.memref_slice %arg5[%mul3A_139] : memref<3276800xf32, #tpu.memory_space<hbm>> -> memref<6400xf32, #tpu.memory_space<hbm>>
      %dma_wait3A_149 = tpu.memref_slice %arg5[%mul3A_139] : memref<3276800xf32, #tpu.memory_space<hbm>> -> memref<6400xf32, #tpu.memory_space<hbm>>
      tpu.wait_dma2 semaphore(%arg28 : memref<!tpu.dma_semaphore, #tpu.memory_space<semaphore_mem>>) src(%dma_wait3A_149 : memref<6400xf32, #tpu.memory_space<hbm>>) dst(%arg18 : memref<6400xf32, #tpu.memory_space<vmem>>)
      %ge3A_150 = arith.constant 1 : i32
      %ge3A_151 = arith.cmpi sge, %scan3A_122, %ge3A_150 : i32
      %convert_element_type3A = arith.extui %ge3A_151 : i1 to i32
      %cond3A = arith.constant 0 : i32
      %cond3A_152 = arith.cmpi ne, %convert_element_type3A, %cond3A : i32
      scf.if %cond3A_152 {
        %mul3A_232 = arith.constant 512 : i32
        %mul3A_233 = arith.muli %add3A, %mul3A_232 : i32
        %mul3A_234 = arith.constant 16 : i32
        %mul3A_235 = arith.muli %mul3A_233, %mul3A_234 : i32
        %dma_wait3A_236 = tpu.memref_slice %arg9[%mul3A_235] : memref<262144xf32, #tpu.memory_space<hbm>> -> memref<512xf32, #tpu.memory_space<hbm>>
        %dma_wait3A_237 = tpu.memref_slice %arg9[%mul3A_235] : memref<262144xf32, #tpu.memory_space<hbm>> -> memref<512xf32, #tpu.memory_space<hbm>>
        tpu.wait_dma2 semaphore(%arg30 : memref<!tpu.dma_semaphore, #tpu.memory_space<semaphore_mem>>) src(%dma_wait3A_237 : memref<512xf32, #tpu.memory_space<hbm>>) dst(%arg22 : memref<512xf32, #tpu.memory_space<vmem>>)
        %dma_wait3A_238 = tpu.memref_slice %arg10[%mul3A_233] : memref<16384xf32, #tpu.memory_space<hbm>> -> memref<32xf32, #tpu.memory_space<hbm>>
        %dma_wait3A_239 = tpu.memref_slice %arg10[%mul3A_233] : memref<16384xf32, #tpu.memory_space<hbm>> -> memref<32xf32, #tpu.memory_space<hbm>>
        tpu.wait_dma2 semaphore(%arg30 : memref<!tpu.dma_semaphore, #tpu.memory_space<semaphore_mem>>) src(%dma_wait3A_239 : memref<32xf32, #tpu.memory_space<hbm>>) dst(%arg24 : memref<32xf32, #tpu.memory_space<vmem>>)
      } else {
      }
      %mul3A_153 = arith.constant 512 : i32
      %mul3A_154 = arith.muli %add3A, %mul3A_153 : i32
      %mul3A_155 = arith.constant 32 : i32
      %mul3A_156 = arith.muli %add3A_126, %mul3A_155 : i32
      %add3A_157 = arith.addi %mul3A_154, %mul3A_156 : i32
      %scan3A_158 = arith.constant 0 : i32
      %scan3A_159 = arith.constant 0 : i32
      %scan3A_160 = arith.constant 2 : i32
      %scan3A_161 = arith.addi %scan3A_159, %scan3A_160 : i32
      %scan3A_162 = arith.constant 1 : i32
      scf.for %scan3A_232 = %scan3A_159 to %scan3A_161 step %scan3A_162  : i32 {
        %broadcast_in_dim3A_233 = arith.constant 0.000000e+00 : f32
        %broadcast_in_dim3A_234 = vector.broadcast %broadcast_in_dim3A_233 : f32 to vector<16xf32>
        %scan3A_235 = arith.constant 0 : i32
        %scan3A_236 = arith.constant 16 : i32
        %scan3A_237 = arith.addi %scan3A_235, %scan3A_236 : i32
        %scan3A_238 = arith.constant 1 : i32
        %scan3A_239 = scf.for %scan3A_244 = %scan3A_235 to %scan3A_237 step %scan3A_238 iter_args(%scan3A_245 = %broadcast_in_dim3A_234) -> (vector<16xf32>)  : i32 {
          %mul3A_246 = arith.constant 16 : i32
          %mul3A_247 = arith.muli %scan3A_232, %mul3A_246 : i32
          %add3A_248 = arith.addi %mul3A_247, %scan3A_244 : i32
          %broadcast_in_dim3A_249 = arith.constant 0.000000e+00 : f32
          %broadcast_in_dim3A_250 = vector.broadcast %broadcast_in_dim3A_249 : f32 to vector<16xf32>
          %broadcast_in_dim3A_251 = arith.constant 0.000000e+00 : f32
          %broadcast_in_dim3A_252 = vector.broadcast %broadcast_in_dim3A_251 : f32 to vector<16xf32>
          %broadcast_in_dim3A_253 = arith.constant 0.000000e+00 : f32
          %broadcast_in_dim3A_254 = vector.broadcast %broadcast_in_dim3A_253 : f32 to vector<16xf32>
          %broadcast_in_dim3A_255 = arith.constant 0.000000e+00 : f32
          %broadcast_in_dim3A_256 = vector.broadcast %broadcast_in_dim3A_255 : f32 to vector<16xf32>
          %broadcast_in_dim3A_257 = arith.constant 0.000000e+00 : f32
          %broadcast_in_dim3A_258 = vector.broadcast %broadcast_in_dim3A_257 : f32 to vector<16xf32>
          %mul3A_259 = arith.constant 200 : i32
          %mul3A_260 = arith.muli %add3A_248, %mul3A_259 : i32
          %add3A_261 = arith.constant 0 : i32
          %add3A_262 = arith.addi %mul3A_260, %add3A_261 : i32
          %get3A_263 = arith.index_cast %add3A_262 : i32 to index
          %get3A_264 = tpu.vector_load %arg14[%get3A_263] {strides = array<i32>} : memref<6400xf32, #tpu.memory_space<vmem>>, vector<16xf32>,
          %add3A_265 = arith.constant 0 : i32
          %add3A_266 = arith.addi %mul3A_260, %add3A_265 : i32
          %get3A_267 = arith.index_cast %add3A_266 : i32 to index
          %get3A_268 = tpu.vector_load %arg16[%get3A_267] {strides = array<i32>} : memref<6400xf32, #tpu.memory_space<vmem>>, vector<16xf32>,
          %add3A_269 = arith.constant 0 : i32
          %add3A_270 = arith.addi %mul3A_260, %add3A_269 : i32
          %get3A_271 = arith.index_cast %add3A_270 : i32 to index
          %get3A_272 = tpu.vector_load %arg18[%get3A_271] {strides = array<i32>} : memref<6400xf32, #tpu.memory_space<vmem>>, vector<16xf32>,
          %get3A_273 = arith.index_cast %add3A_248 : i32 to index
          %get3A_274 = arith.constant 0 : index
          %get3A_275 = tpu.vector_load %arg12[%get3A_273, %get3A_274] {strides = array<i32>} : memref<32x640xf32, #tpu.memory_space<vmem>>, vector<16xf32>,
          %mul3A_276 = arith.mulf %get3A_264, %get3A_275 : vector<16xf32>
          %add3A_277 = arith.addf %broadcast_in_dim3A_250, %mul3A_276 : vector<16xf32>
          %get3A_278 = arith.index_cast %add3A_248 : i32 to index
          %get3A_279 = arith.constant 200 : index
          %get3A_280 = tpu.vector_load %arg12[%get3A_278, %get3A_279] {strides = array<i32>} : memref<32x640xf32, #tpu.memory_space<vmem>>, vector<16xf32>,
          %mul3A_281 = arith.mulf %get3A_268, %get3A_280 : vector<16xf32>
          %add3A_282 = arith.addf %broadcast_in_dim3A_252, %mul3A_281 : vector<16xf32>
          %mul3A_283 = arith.mulf %get3A_268, %get3A_8 : vector<16xf32>
          %add3A_284 = arith.addf %broadcast_in_dim3A_254, %mul3A_283 : vector<16xf32>
          %get3A_285 = arith.index_cast %add3A_248 : i32 to index
          %get3A_286 = arith.constant 400 : index
          %get3A_287 = tpu.vector_load %arg12[%get3A_285, %get3A_286] {strides = array<i32>} : memref<32x640xf32, #tpu.memory_space<vmem>>, vector<16xf32>,
          %mul3A_288 = arith.mulf %get3A_272, %get3A_287 : vector<16xf32>
          %add3A_289 = arith.addf %broadcast_in_dim3A_256, %mul3A_288 : vector<16xf32>
          %mul3A_290 = arith.mulf %get3A_272, %get3A_32 : vector<16xf32>
          %add3A_291 = arith.addf %broadcast_in_dim3A_258, %mul3A_290 : vector<16xf32>
          %add3A_292 = arith.constant 16 : i32
          %add3A_293 = arith.addi %mul3A_260, %add3A_292 : i32
          %get3A_294 = arith.index_cast %add3A_293 : i32 to index
          %get3A_295 = tpu.vector_load %arg14[%get3A_294] {strides = array<i32>} : memref<6400xf32, #tpu.memory_space<vmem>>, vector<16xf32>,
          %add3A_296 = arith.constant 16 : i32
          %add3A_297 = arith.addi %mul3A_260, %add3A_296 : i32
          %get3A_298 = arith.index_cast %add3A_297 : i32 to index
          %get3A_299 = tpu.vector_load %arg16[%get3A_298] {strides = array<i32>} : memref<6400xf32, #tpu.memory_space<vmem>>, vector<16xf32>,
          %add3A_300 = arith.constant 16 : i32
          %add3A_301 = arith.addi %mul3A_260, %add3A_300 : i32
          %get3A_302 = arith.index_cast %add3A_301 : i32 to index
          %get3A_303 = tpu.vector_load %arg18[%get3A_302] {strides = array<i32>} : memref<6400xf32, #tpu.memory_space<vmem>>, vector<16xf32>,
          %get3A_304 = arith.index_cast %add3A_248 : i32 to index
          %get3A_305 = arith.constant 16 : index
          %get3A_306 = tpu.vector_load %arg12[%get3A_304, %get3A_305] {strides = array<i32>} : memref<32x640xf32, #tpu.memory_space<vmem>>, vector<16xf32>,
          %mul3A_307 = arith.mulf %get3A_295, %get3A_306 : vector<16xf32>
          %add3A_308 = arith.addf %add3A_277, %mul3A_307 : vector<16xf32>
          %get3A_309 = arith.index_cast %add3A_248 : i32 to index
          %get3A_310 = arith.constant 216 : index
          %get3A_311 = tpu.vector_load %arg12[%get3A_309, %get3A_310] {strides = array<i32>} : memref<32x640xf32, #tpu.memory_space<vmem>>, vector<16xf32>,
          %mul3A_312 = arith.mulf %get3A_299, %get3A_311 : vector<16xf32>
          %add3A_313 = arith.addf %add3A_282, %mul3A_312 : vector<16xf32>
          %mul3A_314 = arith.mulf %get3A_299, %get3A_10 : vector<16xf32>
          %add3A_315 = arith.addf %add3A_284, %mul3A_314 : vector<16xf32>
          %get3A_316 = arith.index_cast %add3A_248 : i32 to index
          %get3A_317 = arith.constant 416 : index
          %get3A_318 = tpu.vector_load %arg12[%get3A_316, %get3A_317] {strides = array<i32>} : memref<32x640xf32, #tpu.memory_space<vmem>>, vector<16xf32>,
          %mul3A_319 = arith.mulf %get3A_303, %get3A_318 : vector<16xf32>
          %add3A_320 = arith.addf %add3A_289, %mul3A_319 : vector<16xf32>
          %mul3A_321 = arith.mulf %get3A_303, %get3A_34 : vector<16xf32>
          %add3A_322 = arith.addf %add3A_291, %mul3A_321 : vector<16xf32>
          %add3A_323 = arith.constant 32 : i32
          %add3A_324 = arith.addi %mul3A_260, %add3A_323 : i32
          %get3A_325 = arith.index_cast %add3A_324 : i32 to index
          %get3A_326 = tpu.vector_load %arg14[%get3A_325] {strides = array<i32>} : memref<6400xf32, #tpu.memory_space<vmem>>, vector<16xf32>,
          %add3A_327 = arith.constant 32 : i32
          %add3A_328 = arith.addi %mul3A_260, %add3A_327 : i32
          %get3A_329 = arith.index_cast %add3A_328 : i32 to index
          %get3A_330 = tpu.vector_load %arg16[%get3A_329] {strides = array<i32>} : memref<6400xf32, #tpu.memory_space<vmem>>, vector<16xf32>,
          %add3A_331 = arith.constant 32 : i32
          %add3A_332 = arith.addi %mul3A_260, %add3A_331 : i32
          %get3A_333 = arith.index_cast %add3A_332 : i32 to index
          %get3A_334 = tpu.vector_load %arg18[%get3A_333] {strides = array<i32>} : memref<6400xf32, #tpu.memory_space<vmem>>, vector<16xf32>,
          %get3A_335 = arith.index_cast %add3A_248 : i32 to index
          %get3A_336 = arith.constant 32 : index
          %get3A_337 = tpu.vector_load %arg12[%get3A_335, %get3A_336] {strides = array<i32>} : memref<32x640xf32, #tpu.memory_space<vmem>>, vector<16xf32>,
          %mul3A_338 = arith.mulf %get3A_326, %get3A_337 : vector<16xf32>
          %add3A_339 = arith.addf %add3A_308, %mul3A_338 : vector<16xf32>
          %get3A_340 = arith.index_cast %add3A_248 : i32 to index
          %get3A_341 = arith.constant 232 : index
          %get3A_342 = tpu.vector_load %arg12[%get3A_340, %get3A_341] {strides = array<i32>} : memref<32x640xf32, #tpu.memory_space<vmem>>, vector<16xf32>,
          %mul3A_343 = arith.mulf %get3A_330, %get3A_342 : vector<16xf32>
          %add3A_344 = arith.addf %add3A_313, %mul3A_343 : vector<16xf32>
          %mul3A_345 = arith.mulf %get3A_330, %get3A_12 : vector<16xf32>
          %add3A_346 = arith.addf %add3A_315, %mul3A_345 : vector<16xf32>
          %get3A_347 = arith.index_cast %add3A_248 : i32 to index
          %get3A_348 = arith.constant 432 : index
          %get3A_349 = tpu.vector_load %arg12[%get3A_347, %get3A_348] {strides = array<i32>} : memref<32x640xf32, #tpu.memory_space<vmem>>, vector<16xf32>,
          %mul3A_350 = arith.mulf %get3A_334, %get3A_349 : vector<16xf32>
          %add3A_351 = arith.addf %add3A_320, %mul3A_350 : vector<16xf32>
          %mul3A_352 = arith.mulf %get3A_334, %get3A_36 : vector<16xf32>
          %add3A_353 = arith.addf %add3A_322, %mul3A_352 : vector<16xf32>
          %add3A_354 = arith.constant 48 : i32
          %add3A_355 = arith.addi %mul3A_260, %add3A_354 : i32
          %get3A_356 = arith.index_cast %add3A_355 : i32 to index
          %get3A_357 = tpu.vector_load %arg14[%get3A_356] {strides = array<i32>} : memref<6400xf32, #tpu.memory_space<vmem>>, vector<16xf32>,
          %add3A_358 = arith.constant 48 : i32
          %add3A_359 = arith.addi %mul3A_260, %add3A_358 : i32
          %get3A_360 = arith.index_cast %add3A_359 : i32 to index
          %get3A_361 = tpu.vector_load %arg16[%get3A_360] {strides = array<i32>} : memref<6400xf32, #tpu.memory_space<vmem>>, vector<16xf32>,
          %add3A_362 = arith.constant 48 : i32
          %add3A_363 = arith.addi %mul3A_260, %add3A_362 : i32
          %get3A_364 = arith.index_cast %add3A_363 : i32 to index
          %get3A_365 = tpu.vector_load %arg18[%get3A_364] {strides = array<i32>} : memref<6400xf32, #tpu.memory_space<vmem>>, vector<16xf32>,
          %get3A_366 = arith.index_cast %add3A_248 : i32 to index
          %get3A_367 = arith.constant 48 : index
          %get3A_368 = tpu.vector_load %arg12[%get3A_366, %get3A_367] {strides = array<i32>} : memref<32x640xf32, #tpu.memory_space<vmem>>, vector<16xf32>,
          %mul3A_369 = arith.mulf %get3A_357, %get3A_368 : vector<16xf32>
          %add3A_370 = arith.addf %add3A_339, %mul3A_369 : vector<16xf32>
          %get3A_371 = arith.index_cast %add3A_248 : i32 to index
          %get3A_372 = arith.constant 248 : index
          %get3A_373 = tpu.vector_load %arg12[%get3A_371, %get3A_372] {strides = array<i32>} : memref<32x640xf32, #tpu.memory_space<vmem>>, vector<16xf32>,
          %mul3A_374 = arith.mulf %get3A_361, %get3A_373 : vector<16xf32>
          %add3A_375 = arith.addf %add3A_344, %mul3A_374 : vector<16xf32>
          %mul3A_376 = arith.mulf %get3A_361, %get3A_14 : vector<16xf32>
          %add3A_377 = arith.addf %add3A_346, %mul3A_376 : vector<16xf32>
          %get3A_378 = arith.index_cast %add3A_248 : i32 to index
          %get3A_379 = arith.constant 448 : index
          %get3A_380 = tpu.vector_load %arg12[%get3A_378, %get3A_379] {strides = array<i32>} : memref<32x640xf32, #tpu.memory_space<vmem>>, vector<16xf32>,
          %mul3A_381 = arith.mulf %get3A_365, %get3A_380 : vector<16xf32>
          %add3A_382 = arith.addf %add3A_351, %mul3A_381 : vector<16xf32>
          %mul3A_383 = arith.mulf %get3A_365, %get3A_38 : vector<16xf32>
          %add3A_384 = arith.addf %add3A_353, %mul3A_383 : vector<16xf32>
          %add3A_385 = arith.constant 64 : i32
          %add3A_386 = arith.addi %mul3A_260, %add3A_385 : i32
          %get3A_387 = arith.index_cast %add3A_386 : i32 to index
          %get3A_388 = tpu.vector_load %arg14[%get3A_387] {strides = array<i32>} : memref<6400xf32, #tpu.memory_space<vmem>>, vector<16xf32>,
          %add3A_389 = arith.constant 64 : i32
          %add3A_390 = arith.addi %mul3A_260, %add3A_389 : i32
          %get3A_391 = arith.index_cast %add3A_390 : i32 to index
          %get3A_392 = tpu.vector_load %arg16[%get3A_391] {strides = array<i32>} : memref<6400xf32, #tpu.memory_space<vmem>>, vector<16xf32>,
          %add3A_393 = arith.constant 64 : i32
          %add3A_394 = arith.addi %mul3A_260, %add3A_393 : i32
          %get3A_395 = arith.index_cast %add3A_394 : i32 to index
          %get3A_396 = tpu.vector_load %arg18[%get3A_395] {strides = array<i32>} : memref<6400xf32, #tpu.memory_space<vmem>>, vector<16xf32>,
          %get3A_397 = arith.index_cast %add3A_248 : i32 to index
          %get3A_398 = arith.constant 64 : index
          %get3A_399 = tpu.vector_load %arg12[%get3A_397, %get3A_398] {strides = array<i32>} : memref<32x640xf32, #tpu.memory_space<vmem>>, vector<16xf32>,
          %mul3A_400 = arith.mulf %get3A_388, %get3A_399 : vector<16xf32>
          %add3A_401 = arith.addf %add3A_370, %mul3A_400 : vector<16xf32>
          %get3A_402 = arith.index_cast %add3A_248 : i32 to index
          %get3A_403 = arith.constant 264 : index
          %get3A_404 = tpu.vector_load %arg12[%get3A_402, %get3A_403] {strides = array<i32>} : memref<32x640xf32, #tpu.memory_space<vmem>>, vector<16xf32>,
          %mul3A_405 = arith.mulf %get3A_392, %get3A_404 : vector<16xf32>
          %add3A_406 = arith.addf %add3A_375, %mul3A_405 : vector<16xf32>
          %mul3A_407 = arith.mulf %get3A_392, %get3A_16 : vector<16xf32>
          %add3A_408 = arith.addf %add3A_377, %mul3A_407 : vector<16xf32>
          %get3A_409 = arith.index_cast %add3A_248 : i32 to index
          %get3A_410 = arith.constant 464 : index
          %get3A_411 = tpu.vector_load %arg12[%get3A_409, %get3A_410] {strides = array<i32>} : memref<32x640xf32, #tpu.memory_space<vmem>>, vector<16xf32>,
          %mul3A_412 = arith.mulf %get3A_396, %get3A_411 : vector<16xf32>
          %add3A_413 = arith.addf %add3A_382, %mul3A_412 : vector<16xf32>
          %mul3A_414 = arith.mulf %get3A_396, %get3A_40 : vector<16xf32>
          %add3A_415 = arith.addf %add3A_384, %mul3A_414 : vector<16xf32>
          %add3A_416 = arith.constant 80 : i32
          %add3A_417 = arith.addi %mul3A_260, %add3A_416 : i32
          %get3A_418 = arith.index_cast %add3A_417 : i32 to index
          %get3A_419 = tpu.vector_load %arg14[%get3A_418] {strides = array<i32>} : memref<6400xf32, #tpu.memory_space<vmem>>, vector<16xf32>,
          %add3A_420 = arith.constant 80 : i32
          %add3A_421 = arith.addi %mul3A_260, %add3A_420 : i32
          %get3A_422 = arith.index_cast %add3A_421 : i32 to index
          %get3A_423 = tpu.vector_load %arg16[%get3A_422] {strides = array<i32>} : memref<6400xf32, #tpu.memory_space<vmem>>, vector<16xf32>,
          %add3A_424 = arith.constant 80 : i32
          %add3A_425 = arith.addi %mul3A_260, %add3A_424 : i32
          %get3A_426 = arith.index_cast %add3A_425 : i32 to index
          %get3A_427 = tpu.vector_load %arg18[%get3A_426] {strides = array<i32>} : memref<6400xf32, #tpu.memory_space<vmem>>, vector<16xf32>,
          %get3A_428 = arith.index_cast %add3A_248 : i32 to index
          %get3A_429 = arith.constant 80 : index
          %get3A_430 = tpu.vector_load %arg12[%get3A_428, %get3A_429] {strides = array<i32>} : memref<32x640xf32, #tpu.memory_space<vmem>>, vector<16xf32>,
          %mul3A_431 = arith.mulf %get3A_419, %get3A_430 : vector<16xf32>
          %add3A_432 = arith.addf %add3A_401, %mul3A_431 : vector<16xf32>
          %get3A_433 = arith.index_cast %add3A_248 : i32 to index
          %get3A_434 = arith.constant 280 : index
          %get3A_435 = tpu.vector_load %arg12[%get3A_433, %get3A_434] {strides = array<i32>} : memref<32x640xf32, #tpu.memory_space<vmem>>, vector<16xf32>,
          %mul3A_436 = arith.mulf %get3A_423, %get3A_435 : vector<16xf32>
          %add3A_437 = arith.addf %add3A_406, %mul3A_436 : vector<16xf32>
          %mul3A_438 = arith.mulf %get3A_423, %get3A_18 : vector<16xf32>
          %add3A_439 = arith.addf %add3A_408, %mul3A_438 : vector<16xf32>
          %get3A_440 = arith.index_cast %add3A_248 : i32 to index
          %get3A_441 = arith.constant 480 : index
          %get3A_442 = tpu.vector_load %arg12[%get3A_440, %get3A_441] {strides = array<i32>} : memref<32x640xf32, #tpu.memory_space<vmem>>, vector<16xf32>,
          %mul3A_443 = arith.mulf %get3A_427, %get3A_442 : vector<16xf32>
          %add3A_444 = arith.addf %add3A_413, %mul3A_443 : vector<16xf32>
          %mul3A_445 = arith.mulf %get3A_427, %get3A_42 : vector<16xf32>
          %add3A_446 = arith.addf %add3A_415, %mul3A_445 : vector<16xf32>
          %add3A_447 = arith.constant 96 : i32
          %add3A_448 = arith.addi %mul3A_260, %add3A_447 : i32
          %get3A_449 = arith.index_cast %add3A_448 : i32 to index
          %get3A_450 = tpu.vector_load %arg14[%get3A_449] {strides = array<i32>} : memref<6400xf32, #tpu.memory_space<vmem>>, vector<16xf32>,
          %add3A_451 = arith.constant 96 : i32
          %add3A_452 = arith.addi %mul3A_260, %add3A_451 : i32
          %get3A_453 = arith.index_cast %add3A_452 : i32 to index
          %get3A_454 = tpu.vector_load %arg16[%get3A_453] {strides = array<i32>} : memref<6400xf32, #tpu.memory_space<vmem>>, vector<16xf32>,
          %add3A_455 = arith.constant 96 : i32
          %add3A_456 = arith.addi %mul3A_260, %add3A_455 : i32
          %get3A_457 = arith.index_cast %add3A_456 : i32 to index
          %get3A_458 = tpu.vector_load %arg18[%get3A_457] {strides = array<i32>} : memref<6400xf32, #tpu.memory_space<vmem>>, vector<16xf32>,
          %get3A_459 = arith.index_cast %add3A_248 : i32 to index
          %get3A_460 = arith.constant 96 : index
          %get3A_461 = tpu.vector_load %arg12[%get3A_459, %get3A_460] {strides = array<i32>} : memref<32x640xf32, #tpu.memory_space<vmem>>, vector<16xf32>,
          %mul3A_462 = arith.mulf %get3A_450, %get3A_461 : vector<16xf32>
          %add3A_463 = arith.addf %add3A_432, %mul3A_462 : vector<16xf32>
          %get3A_464 = arith.index_cast %add3A_248 : i32 to index
          %get3A_465 = arith.constant 296 : index
          %get3A_466 = tpu.vector_load %arg12[%get3A_464, %get3A_465] {strides = array<i32>} : memref<32x640xf32, #tpu.memory_space<vmem>>, vector<16xf32>,
          %mul3A_467 = arith.mulf %get3A_454, %get3A_466 : vector<16xf32>
          %add3A_468 = arith.addf %add3A_437, %mul3A_467 : vector<16xf32>
          %mul3A_469 = arith.mulf %get3A_454, %get3A_20 : vector<16xf32>
          %add3A_470 = arith.addf %add3A_439, %mul3A_469 : vector<16xf32>
          %get3A_471 = arith.index_cast %add3A_248 : i32 to index
          %get3A_472 = arith.constant 496 : index
          %get3A_473 = tpu.vector_load %arg12[%get3A_471, %get3A_472] {strides = array<i32>} : memref<32x640xf32, #tpu.memory_space<vmem>>, vector<16xf32>,
          %mul3A_474 = arith.mulf %get3A_458, %get3A_473 : vector<16xf32>
          %add3A_475 = arith.addf %add3A_444, %mul3A_474 : vector<16xf32>
          %mul3A_476 = arith.mulf %get3A_458, %get3A_44 : vector<16xf32>
          %add3A_477 = arith.addf %add3A_446, %mul3A_476 : vector<16xf32>
          %add3A_478 = arith.constant 112 : i32
          %add3A_479 = arith.addi %mul3A_260, %add3A_478 : i32
          %get3A_480 = arith.index_cast %add3A_479 : i32 to index
          %get3A_481 = tpu.vector_load %arg14[%get3A_480] {strides = array<i32>} : memref<6400xf32, #tpu.memory_space<vmem>>, vector<16xf32>,
          %add3A_482 = arith.constant 112 : i32
          %add3A_483 = arith.addi %mul3A_260, %add3A_482 : i32
          %get3A_484 = arith.index_cast %add3A_483 : i32 to index
          %get3A_485 = tpu.vector_load %arg16[%get3A_484] {strides = array<i32>} : memref<6400xf32, #tpu.memory_space<vmem>>, vector<16xf32>,
          %add3A_486 = arith.constant 112 : i32
          %add3A_487 = arith.addi %mul3A_260, %add3A_486 : i32
          %get3A_488 = arith.index_cast %add3A_487 : i32 to index
          %get3A_489 = tpu.vector_load %arg18[%get3A_488] {strides = array<i32>} : memref<6400xf32, #tpu.memory_space<vmem>>, vector<16xf32>,
          %get3A_490 = arith.index_cast %add3A_248 : i32 to index
          %get3A_491 = arith.constant 112 : index
          %get3A_492 = tpu.vector_load %arg12[%get3A_490, %get3A_491] {strides = array<i32>} : memref<32x640xf32, #tpu.memory_space<vmem>>, vector<16xf32>,
          %mul3A_493 = arith.mulf %get3A_481, %get3A_492 : vector<16xf32>
          %add3A_494 = arith.addf %add3A_463, %mul3A_493 : vector<16xf32>
          %get3A_495 = arith.index_cast %add3A_248 : i32 to index
          %get3A_496 = arith.constant 312 : index
          %get3A_497 = tpu.vector_load %arg12[%get3A_495, %get3A_496] {strides = array<i32>} : memref<32x640xf32, #tpu.memory_space<vmem>>, vector<16xf32>,
          %mul3A_498 = arith.mulf %get3A_485, %get3A_497 : vector<16xf32>
          %add3A_499 = arith.addf %add3A_468, %mul3A_498 : vector<16xf32>
          %mul3A_500 = arith.mulf %get3A_485, %get3A_22 : vector<16xf32>
          %add3A_501 = arith.addf %add3A_470, %mul3A_500 : vector<16xf32>
          %get3A_502 = arith.index_cast %add3A_248 : i32 to index
          %get3A_503 = arith.constant 512 : index
          %get3A_504 = tpu.vector_load %arg12[%get3A_502, %get3A_503] {strides = array<i32>} : memref<32x640xf32, #tpu.memory_space<vmem>>, vector<16xf32>,
          %mul3A_505 = arith.mulf %get3A_489, %get3A_504 : vector<16xf32>
          %add3A_506 = arith.addf %add3A_475, %mul3A_505 : vector<16xf32>
          %mul3A_507 = arith.mulf %get3A_489, %get3A_46 : vector<16xf32>
          %add3A_508 = arith.addf %add3A_477, %mul3A_507 : vector<16xf32>
          %add3A_509 = arith.constant 128 : i32
          %add3A_510 = arith.addi %mul3A_260, %add3A_509 : i32
          %get3A_511 = arith.index_cast %add3A_510 : i32 to index
          %get3A_512 = tpu.vector_load %arg14[%get3A_511] {strides = array<i32>} : memref<6400xf32, #tpu.memory_space<vmem>>, vector<16xf32>,
          %add3A_513 = arith.constant 128 : i32
          %add3A_514 = arith.addi %mul3A_260, %add3A_513 : i32
          %get3A_515 = arith.index_cast %add3A_514 : i32 to index
          %get3A_516 = tpu.vector_load %arg16[%get3A_515] {strides = array<i32>} : memref<6400xf32, #tpu.memory_space<vmem>>, vector<16xf32>,
          %add3A_517 = arith.constant 128 : i32
          %add3A_518 = arith.addi %mul3A_260, %add3A_517 : i32
          %get3A_519 = arith.index_cast %add3A_518 : i32 to index
          %get3A_520 = tpu.vector_load %arg18[%get3A_519] {strides = array<i32>} : memref<6400xf32, #tpu.memory_space<vmem>>, vector<16xf32>,
          %get3A_521 = arith.index_cast %add3A_248 : i32 to index
          %get3A_522 = arith.constant 128 : index
          %get3A_523 = tpu.vector_load %arg12[%get3A_521, %get3A_522] {strides = array<i32>} : memref<32x640xf32, #tpu.memory_space<vmem>>, vector<16xf32>,
          %mul3A_524 = arith.mulf %get3A_512, %get3A_523 : vector<16xf32>
          %add3A_525 = arith.addf %add3A_494, %mul3A_524 : vector<16xf32>
          %get3A_526 = arith.index_cast %add3A_248 : i32 to index
          %get3A_527 = arith.constant 328 : index
          %get3A_528 = tpu.vector_load %arg12[%get3A_526, %get3A_527] {strides = array<i32>} : memref<32x640xf32, #tpu.memory_space<vmem>>, vector<16xf32>,
          %mul3A_529 = arith.mulf %get3A_516, %get3A_528 : vector<16xf32>
          %add3A_530 = arith.addf %add3A_499, %mul3A_529 : vector<16xf32>
          %mul3A_531 = arith.mulf %get3A_516, %get3A_24 : vector<16xf32>
          %add3A_532 = arith.addf %add3A_501, %mul3A_531 : vector<16xf32>
          %get3A_533 = arith.index_cast %add3A_248 : i32 to index
          %get3A_534 = arith.constant 528 : index
          %get3A_535 = tpu.vector_load %arg12[%get3A_533, %get3A_534] {strides = array<i32>} : memref<32x640xf32, #tpu.memory_space<vmem>>, vector<16xf32>,
          %mul3A_536 = arith.mulf %get3A_520, %get3A_535 : vector<16xf32>
          %add3A_537 = arith.addf %add3A_506, %mul3A_536 : vector<16xf32>
          %mul3A_538 = arith.mulf %get3A_520, %get3A_48 : vector<16xf32>
          %add3A_539 = arith.addf %add3A_508, %mul3A_538 : vector<16xf32>
          %add3A_540 = arith.constant 144 : i32
          %add3A_541 = arith.addi %mul3A_260, %add3A_540 : i32
          %get3A_542 = arith.index_cast %add3A_541 : i32 to index
          %get3A_543 = tpu.vector_load %arg14[%get3A_542] {strides = array<i32>} : memref<6400xf32, #tpu.memory_space<vmem>>, vector<16xf32>,
          %add3A_544 = arith.constant 144 : i32
          %add3A_545 = arith.addi %mul3A_260, %add3A_544 : i32
          %get3A_546 = arith.index_cast %add3A_545 : i32 to index
          %get3A_547 = tpu.vector_load %arg16[%get3A_546] {strides = array<i32>} : memref<6400xf32, #tpu.memory_space<vmem>>, vector<16xf32>,
          %add3A_548 = arith.constant 144 : i32
          %add3A_549 = arith.addi %mul3A_260, %add3A_548 : i32
          %get3A_550 = arith.index_cast %add3A_549 : i32 to index
          %get3A_551 = tpu.vector_load %arg18[%get3A_550] {strides = array<i32>} : memref<6400xf32, #tpu.memory_space<vmem>>, vector<16xf32>,
          %get3A_552 = arith.index_cast %add3A_248 : i32 to index
          %get3A_553 = arith.constant 144 : index
          %get3A_554 = tpu.vector_load %arg12[%get3A_552, %get3A_553] {strides = array<i32>} : memref<32x640xf32, #tpu.memory_space<vmem>>, vector<16xf32>,
          %mul3A_555 = arith.mulf %get3A_543, %get3A_554 : vector<16xf32>
          %add3A_556 = arith.addf %add3A_525, %mul3A_555 : vector<16xf32>
          %get3A_557 = arith.index_cast %add3A_248 : i32 to index
          %get3A_558 = arith.constant 344 : index
          %get3A_559 = tpu.vector_load %arg12[%get3A_557, %get3A_558] {strides = array<i32>} : memref<32x640xf32, #tpu.memory_space<vmem>>, vector<16xf32>,
          %mul3A_560 = arith.mulf %get3A_547, %get3A_559 : vector<16xf32>
          %add3A_561 = arith.addf %add3A_530, %mul3A_560 : vector<16xf32>
          %mul3A_562 = arith.mulf %get3A_547, %get3A_26 : vector<16xf32>
          %add3A_563 = arith.addf %add3A_532, %mul3A_562 : vector<16xf32>
          %get3A_564 = arith.index_cast %add3A_248 : i32 to index
          %get3A_565 = arith.constant 544 : index
          %get3A_566 = tpu.vector_load %arg12[%get3A_564, %get3A_565] {strides = array<i32>} : memref<32x640xf32, #tpu.memory_space<vmem>>, vector<16xf32>,
          %mul3A_567 = arith.mulf %get3A_551, %get3A_566 : vector<16xf32>
          %add3A_568 = arith.addf %add3A_537, %mul3A_567 : vector<16xf32>
          %mul3A_569 = arith.mulf %get3A_551, %get3A_50 : vector<16xf32>
          %add3A_570 = arith.addf %add3A_539, %mul3A_569 : vector<16xf32>
          %add3A_571 = arith.constant 160 : i32
          %add3A_572 = arith.addi %mul3A_260, %add3A_571 : i32
          %get3A_573 = arith.index_cast %add3A_572 : i32 to index
          %get3A_574 = tpu.vector_load %arg14[%get3A_573] {strides = array<i32>} : memref<6400xf32, #tpu.memory_space<vmem>>, vector<16xf32>,
          %add3A_575 = arith.constant 160 : i32
          %add3A_576 = arith.addi %mul3A_260, %add3A_575 : i32
          %get3A_577 = arith.index_cast %add3A_576 : i32 to index
          %get3A_578 = tpu.vector_load %arg16[%get3A_577] {strides = array<i32>} : memref<6400xf32, #tpu.memory_space<vmem>>, vector<16xf32>,
          %add3A_579 = arith.constant 160 : i32
          %add3A_580 = arith.addi %mul3A_260, %add3A_579 : i32
          %get3A_581 = arith.index_cast %add3A_580 : i32 to index
          %get3A_582 = tpu.vector_load %arg18[%get3A_581] {strides = array<i32>} : memref<6400xf32, #tpu.memory_space<vmem>>, vector<16xf32>,
          %get3A_583 = arith.index_cast %add3A_248 : i32 to index
          %get3A_584 = arith.constant 160 : index
          %get3A_585 = tpu.vector_load %arg12[%get3A_583, %get3A_584] {strides = array<i32>} : memref<32x640xf32, #tpu.memory_space<vmem>>, vector<16xf32>,
          %mul3A_586 = arith.mulf %get3A_574, %get3A_585 : vector<16xf32>
          %add3A_587 = arith.addf %add3A_556, %mul3A_586 : vector<16xf32>
          %get3A_588 = arith.index_cast %add3A_248 : i32 to index
          %get3A_589 = arith.constant 360 : index
          %get3A_590 = tpu.vector_load %arg12[%get3A_588, %get3A_589] {strides = array<i32>} : memref<32x640xf32, #tpu.memory_space<vmem>>, vector<16xf32>,
          %mul3A_591 = arith.mulf %get3A_578, %get3A_590 : vector<16xf32>
          %add3A_592 = arith.addf %add3A_561, %mul3A_591 : vector<16xf32>
          %mul3A_593 = arith.mulf %get3A_578, %get3A_28 : vector<16xf32>
          %add3A_594 = arith.addf %add3A_563, %mul3A_593 : vector<16xf32>
          %get3A_595 = arith.index_cast %add3A_248 : i32 to index
          %get3A_596 = arith.constant 560 : index
          %get3A_597 = tpu.vector_load %arg12[%get3A_595, %get3A_596] {strides = array<i32>} : memref<32x640xf32, #tpu.memory_space<vmem>>, vector<16xf32>,
          %mul3A_598 = arith.mulf %get3A_582, %get3A_597 : vector<16xf32>
          %add3A_599 = arith.addf %add3A_568, %mul3A_598 : vector<16xf32>
          %mul3A_600 = arith.mulf %get3A_582, %get3A_52 : vector<16xf32>
          %add3A_601 = arith.addf %add3A_570, %mul3A_600 : vector<16xf32>
          %add3A_602 = arith.constant 176 : i32
          %add3A_603 = arith.addi %mul3A_260, %add3A_602 : i32
          %get3A_604 = arith.index_cast %add3A_603 : i32 to index
          %get3A_605 = tpu.vector_load %arg14[%get3A_604] {strides = array<i32>} : memref<6400xf32, #tpu.memory_space<vmem>>, vector<16xf32>,
          %add3A_606 = arith.constant 176 : i32
          %add3A_607 = arith.addi %mul3A_260, %add3A_606 : i32
          %get3A_608 = arith.index_cast %add3A_607 : i32 to index
          %get3A_609 = tpu.vector_load %arg16[%get3A_608] {strides = array<i32>} : memref<6400xf32, #tpu.memory_space<vmem>>, vector<16xf32>,
          %add3A_610 = arith.constant 176 : i32
          %add3A_611 = arith.addi %mul3A_260, %add3A_610 : i32
          %get3A_612 = arith.index_cast %add3A_611 : i32 to index
          %get3A_613 = tpu.vector_load %arg18[%get3A_612] {strides = array<i32>} : memref<6400xf32, #tpu.memory_space<vmem>>, vector<16xf32>,
          %get3A_614 = arith.index_cast %add3A_248 : i32 to index
          %get3A_615 = arith.constant 176 : index
          %get3A_616 = tpu.vector_load %arg12[%get3A_614, %get3A_615] {strides = array<i32>} : memref<32x640xf32, #tpu.memory_space<vmem>>, vector<16xf32>,
          %mul3A_617 = arith.mulf %get3A_605, %get3A_616 : vector<16xf32>
          %add3A_618 = arith.addf %add3A_587, %mul3A_617 : vector<16xf32>
          %get3A_619 = arith.index_cast %add3A_248 : i32 to index
          %get3A_620 = arith.constant 376 : index
          %get3A_621 = tpu.vector_load %arg12[%get3A_619, %get3A_620] {strides = array<i32>} : memref<32x640xf32, #tpu.memory_space<vmem>>, vector<16xf32>,
          %mul3A_622 = arith.mulf %get3A_609, %get3A_621 : vector<16xf32>
          %add3A_623 = arith.addf %add3A_592, %mul3A_622 : vector<16xf32>
          %mul3A_624 = arith.mulf %get3A_609, %get3A_30 : vector<16xf32>
          %add3A_625 = arith.addf %add3A_594, %mul3A_624 : vector<16xf32>
          %get3A_626 = arith.index_cast %add3A_248 : i32 to index
          %get3A_627 = arith.constant 576 : index
          %get3A_628 = tpu.vector_load %arg12[%get3A_626, %get3A_627] {strides = array<i32>} : memref<32x640xf32, #tpu.memory_space<vmem>>, vector<16xf32>,
          %mul3A_629 = arith.mulf %get3A_613, %get3A_628 : vector<16xf32>
          %add3A_630 = arith.addf %add3A_599, %mul3A_629 : vector<16xf32>
          %mul3A_631 = arith.mulf %get3A_613, %get3A_54 : vector<16xf32>
          %add3A_632 = arith.addf %add3A_601, %mul3A_631 : vector<16xf32>
          %add3A_633 = arith.constant 184 : i32
          %add3A_634 = arith.addi %mul3A_260, %add3A_633 : i32
          %get3A_635 = arith.index_cast %add3A_634 : i32 to index
          %get3A_636 = tpu.vector_load %arg14[%get3A_635] {strides = array<i32>} : memref<6400xf32, #tpu.memory_space<vmem>>, vector<16xf32>,
          %mul3A_637 = arith.mulf %get3A_636, %select_n3A : vector<16xf32>
          %add3A_638 = arith.constant 184 : i32
          %add3A_639 = arith.addi %mul3A_260, %add3A_638 : i32
          %get3A_640 = arith.index_cast %add3A_639 : i32 to index
          %get3A_641 = tpu.vector_load %arg16[%get3A_640] {strides = array<i32>} : memref<6400xf32, #tpu.memory_space<vmem>>, vector<16xf32>,
          %add3A_642 = arith.constant 184 : i32
          %add3A_643 = arith.addi %mul3A_260, %add3A_642 : i32
          %get3A_644 = arith.index_cast %add3A_643 : i32 to index
          %get3A_645 = tpu.vector_load %arg18[%get3A_644] {strides = array<i32>} : memref<6400xf32, #tpu.memory_space<vmem>>, vector<16xf32>,
          %get3A_646 = arith.index_cast %add3A_248 : i32 to index
          %get3A_647 = arith.constant 184 : index
          %get3A_648 = tpu.vector_load %arg12[%get3A_646, %get3A_647] {strides = array<i32>} : memref<32x640xf32, #tpu.memory_space<vmem>>, vector<16xf32>,
          %mul3A_649 = arith.mulf %mul3A_637, %get3A_648 : vector<16xf32>
          %add3A_650 = arith.addf %add3A_618, %mul3A_649 : vector<16xf32>
          %mul3A_651 = arith.mulf %get3A_641, %select_n3A : vector<16xf32>
          %get3A_652 = arith.index_cast %add3A_248 : i32 to index
          %get3A_653 = arith.constant 384 : index
          %get3A_654 = tpu.vector_load %arg12[%get3A_652, %get3A_653] {strides = array<i32>} : memref<32x640xf32, #tpu.memory_space<vmem>>, vector<16xf32>,
          %mul3A_655 = arith.mulf %mul3A_651, %get3A_654 : vector<16xf32>
          %add3A_656 = arith.addf %add3A_623, %mul3A_655 : vector<16xf32>
          %mul3A_657 = arith.mulf %get3A_641, %mul3A_57 : vector<16xf32>
          %add3A_658 = arith.addf %add3A_625, %mul3A_657 : vector<16xf32>
          %mul3A_659 = arith.mulf %get3A_645, %select_n3A : vector<16xf32>
          %get3A_660 = arith.index_cast %add3A_248 : i32 to index
          %get3A_661 = arith.constant 584 : index
          %get3A_662 = tpu.vector_load %arg12[%get3A_660, %get3A_661] {strides = array<i32>} : memref<32x640xf32, #tpu.memory_space<vmem>>, vector<16xf32>,
          %mul3A_663 = arith.mulf %mul3A_659, %get3A_662 : vector<16xf32>
          %add3A_664 = arith.addf %add3A_630, %mul3A_663 : vector<16xf32>
          %mul3A_665 = arith.mulf %get3A_645, %mul3A_60 : vector<16xf32>
          %add3A_666 = arith.addf %add3A_632, %mul3A_665 : vector<16xf32>
          %get3A_667 = arith.index_cast %add3A_248 : i32 to index
          %get3A_668 = arith.constant 600 : index
          %get3A_669 = tpu.vector_load %arg12[%get3A_667, %get3A_668] {strides = array<i32>} : memref<32x640xf32, #tpu.memory_space<vmem>>, vector<16xf32>,
          %eq3A = arith.constant 0 : i32
          %eq3A_670 = vector.broadcast %eq3A : i32 to vector<16xi32>
          %eq3A_671 = arith.cmpi eq, %iota3A_5, %eq3A_670 : vector<16xi32>
          %reduce_sum3A = arith.constant true
          %reduce_sum3A_672 = vector.broadcast %reduce_sum3A : i1 to vector<16xi1>
          %reduce_sum3A_673 = tpu.scan <sum>, %add3A_656 masked %reduce_sum3A_672 : vector<16xf32>, vector<16xi1> -> vector<16xf32>
          %reduce_sum3A_674 = vector.extract %reduce_sum3A_673[15] : f32 from vector<16xf32>
          %broadcast_in_dim3A_675 = vector.broadcast %reduce_sum3A_674 : f32 to vector<16xf32>
          %select_n3A_676 = arith.select %eq3A_671, %broadcast_in_dim3A_675, %get3A_669 : vector<16xi1>, vector<16xf32>
          %eq3A_677 = arith.constant 1 : i32
          %eq3A_678 = vector.broadcast %eq3A_677 : i32 to vector<16xi32>
          %eq3A_679 = arith.cmpi eq, %iota3A_5, %eq3A_678 : vector<16xi32>
          %reduce_sum3A_680 = arith.constant true
          %reduce_sum3A_681 = vector.broadcast %reduce_sum3A_680 : i1 to vector<16xi1>
          %reduce_sum3A_682 = tpu.scan <sum>, %add3A_658 masked %reduce_sum3A_681 : vector<16xf32>, vector<16xi1> -> vector<16xf32>
          %reduce_sum3A_683 = vector.extract %reduce_sum3A_682[15] : f32 from vector<16xf32>
          %broadcast_in_dim3A_684 = vector.broadcast %reduce_sum3A_683 : f32 to vector<16xf32>
          %select_n3A_685 = arith.select %eq3A_679, %broadcast_in_dim3A_684, %select_n3A_676 : vector<16xi1>, vector<16xf32>
          %eq3A_686 = arith.constant 2 : i32
          %eq3A_687 = vector.broadcast %eq3A_686 : i32 to vector<16xi32>
          %eq3A_688 = arith.cmpi eq, %iota3A_5, %eq3A_687 : vector<16xi32>
          %reduce_sum3A_689 = arith.constant true
          %reduce_sum3A_690 = vector.broadcast %reduce_sum3A_689 : i1 to vector<16xi1>
          %reduce_sum3A_691 = tpu.scan <sum>, %add3A_664 masked %reduce_sum3A_690 : vector<16xf32>, vector<16xi1> -> vector<16xf32>
          %reduce_sum3A_692 = vector.extract %reduce_sum3A_691[15] : f32 from vector<16xf32>
          %broadcast_in_dim3A_693 = vector.broadcast %reduce_sum3A_692 : f32 to vector<16xf32>
          %select_n3A_694 = arith.select %eq3A_688, %broadcast_in_dim3A_693, %select_n3A_685 : vector<16xi1>, vector<16xf32>
          %eq3A_695 = arith.constant 3 : i32
          %eq3A_696 = vector.broadcast %eq3A_695 : i32 to vector<16xi32>
          %eq3A_697 = arith.cmpi eq, %iota3A_5, %eq3A_696 : vector<16xi32>
          %reduce_sum3A_698 = arith.constant true
          %reduce_sum3A_699 = vector.broadcast %reduce_sum3A_698 : i1 to vector<16xi1>
          %reduce_sum3A_700 = tpu.scan <sum>, %add3A_666 masked %reduce_sum3A_699 : vector<16xf32>, vector<16xi1> -> vector<16xf32>
          %reduce_sum3A_701 = vector.extract %reduce_sum3A_700[15] : f32 from vector<16xf32>
          %broadcast_in_dim3A_702 = vector.broadcast %reduce_sum3A_701 : f32 to vector<16xf32>
          %select_n3A_703 = arith.select %eq3A_697, %broadcast_in_dim3A_702, %select_n3A_694 : vector<16xi1>, vector<16xf32>
          %mul3A_704 = arith.constant 16 : i32
          %mul3A_705 = arith.muli %add3A_248, %mul3A_704 : i32
          %swap3A_706 = arith.index_cast %mul3A_705 : i32 to index
          %swap3A_707 = tpu.vector_load %arg22[%swap3A_706] {strides = array<i32>} : memref<512xf32, #tpu.memory_space<vmem>>, vector<16xf32>,
          tpu.vector_store %arg22[%swap3A_706], %select_n3A_703 {strides = array<i32>} : memref<512xf32, #tpu.memory_space<vmem>>, vector<16xf32>,
          %eq3A_708 = vector.broadcast %scan3A_244 : i32 to vector<16xi32>
          %eq3A_709 = arith.cmpi eq, %iota3A_5, %eq3A_708 : vector<16xi32>
          %reduce_sum3A_710 = arith.constant true
          %reduce_sum3A_711 = vector.broadcast %reduce_sum3A_710 : i1 to vector<16xi1>
          %reduce_sum3A_712 = tpu.scan <sum>, %add3A_650 masked %reduce_sum3A_711 : vector<16xf32>, vector<16xi1> -> vector<16xf32>
          %reduce_sum3A_713 = vector.extract %reduce_sum3A_712[15] : f32 from vector<16xf32>
          %broadcast_in_dim3A_714 = vector.broadcast %reduce_sum3A_713 : f32 to vector<16xf32>
          %select_n3A_715 = arith.select %eq3A_709, %broadcast_in_dim3A_714, %scan3A_245 : vector<16xi1>, vector<16xf32>
          scf.yield %select_n3A_715 : vector<16xf32>
        }
        %scan3A_240 = arith.constant 16 : i32
        %mul3A_241 = arith.constant 16 : i32
        %mul3A_242 = arith.muli %mul3A_241, %scan3A_232 : i32
        %swap3A = arith.index_cast %mul3A_242 : i32 to index
        %swap3A_243 = tpu.vector_load %arg24[%swap3A] {strides = array<i32>} : memref<32xf32, #tpu.memory_space<vmem>>, vector<16xf32>,
        tpu.vector_store %arg24[%swap3A], %scan3A_239 {strides = array<i32>} : memref<32xf32, #tpu.memory_space<vmem>>, vector<16xf32>,
      }
      %scan3A_163 = arith.constant 2 : i32
      %mul3A_164 = arith.constant 16 : i32
      %mul3A_165 = arith.muli %add3A_157, %mul3A_164 : i32
      %dma_start3A_166 = tpu.memref_slice %arg9[%mul3A_165] : memref<262144xf32, #tpu.memory_space<hbm>> -> memref<512xf32, #tpu.memory_space<hbm>>
      %dma_start3A_167 = tpu.memref_slice %arg9[%mul3A_165] : memref<262144xf32, #tpu.memory_space<hbm>> -> memref<512xf32, #tpu.memory_space<hbm>>
      tpu.enqueue_dma source(%arg22 : memref<512xf32, #tpu.memory_space<vmem>>) target(%dma_start3A_167 : memref<512xf32, #tpu.memory_space<hbm>>) target_semaphore(%arg30 : memref<!tpu.dma_semaphore, #tpu.memory_space<semaphore_mem>>)
      %dma_start3A_168 = tpu.memref_slice %arg10[%add3A_157] : memref<16384xf32, #tpu.memory_space<hbm>> -> memref<32xf32, #tpu.memory_space<hbm>>
      %dma_start3A_169 = tpu.memref_slice %arg10[%add3A_157] : memref<16384xf32, #tpu.memory_space<hbm>> -> memref<32xf32, #tpu.memory_space<hbm>>
      tpu.enqueue_dma source(%arg24 : memref<32xf32, #tpu.memory_space<vmem>>) target(%dma_start3A_169 : memref<32xf32, #tpu.memory_space<hbm>>) target_semaphore(%arg30 : memref<!tpu.dma_semaphore, #tpu.memory_space<semaphore_mem>>)
      %add3A_170 = arith.constant 2 : i32
      %add3A_171 = arith.addi %add3A_126, %add3A_170 : i32
      %lt3A = arith.constant 16 : i32
      %lt3A_172 = arith.cmpi slt, %add3A_171, %lt3A : i32
      %convert_element_type3A_173 = arith.extui %lt3A_172 : i1 to i32
      %cond3A_174 = arith.constant 0 : i32
      %cond3A_175 = arith.cmpi ne, %convert_element_type3A_173, %cond3A_174 : i32
      scf.if %cond3A_175 {
        %add3A_232 = arith.constant 2 : i32
        %add3A_233 = arith.addi %add3A_126, %add3A_232 : i32
        %mul3A_234 = arith.constant 512 : i32
        %mul3A_235 = arith.muli %add3A, %mul3A_234 : i32
        %mul3A_236 = arith.constant 32 : i32
        %mul3A_237 = arith.muli %add3A_233, %mul3A_236 : i32
        %add3A_238 = arith.addi %mul3A_235, %mul3A_237 : i32
        %mul3A_239 = arith.constant 32 : i32
        %mul3A_240 = arith.muli %add3A_233, %mul3A_239 : i32
        %mul3A_241 = arith.constant 200 : i32
        %mul3A_242 = arith.muli %add3A_238, %mul3A_241 : i32
        %mul3A_243 = arith.constant 200 : i32
        %mul3A_244 = arith.muli %add3A_238, %mul3A_243 : i32
        %mul3A_245 = arith.constant 200 : i32
        %mul3A_246 = arith.muli %add3A_238, %mul3A_245 : i32
        %dma_start3A_247 = tpu.memref_slice %arg11[%mul3A_240] : memref<512xi32, #tpu.memory_space<vmem>> -> memref<32xi32, #tpu.memory_space<vmem>>
        %dma_start3A_248 = arith.constant 0 : i32
        %dma_start3A_249 = arith.constant 0 : i32
        %dma_start3A_250 = tpu.memref_slice %arg6[%dma_start3A_248, %dma_start3A_249] : memref<1000x640xf32, #tpu.memory_space<hbm>> -> memref<1000x640xf32, #tpu.memory_space<hbm>>
        tpu.enqueue_indirect_dma source(%dma_start3A_250 : memref<1000x640xf32, #tpu.memory_space<hbm>>) target(%arg12 : memref<32x640xf32, #tpu.memory_space<vmem>>) offsets(%dma_start3A_247 : memref<32xi32, #tpu.memory_space<vmem>>) semaphore(%arg26 : memref<!tpu.dma_semaphore, #tpu.memory_space<semaphore_mem>>)
        %dma_start3A_251 = tpu.memref_slice %arg3[%mul3A_242] : memref<3276800xf32, #tpu.memory_space<hbm>> -> memref<6400xf32, #tpu.memory_space<hbm>>
        %dma_start3A_252 = tpu.memref_slice %arg3[%mul3A_242] : memref<3276800xf32, #tpu.memory_space<hbm>> -> memref<6400xf32, #tpu.memory_space<hbm>>
        tpu.enqueue_dma source(%dma_start3A_252 : memref<6400xf32, #tpu.memory_space<hbm>>) target(%arg14 : memref<6400xf32, #tpu.memory_space<vmem>>) target_semaphore(%arg28 : memref<!tpu.dma_semaphore, #tpu.memory_space<semaphore_mem>>)
        %dma_start3A_253 = tpu.memref_slice %arg4[%mul3A_244] : memref<3276800xf32, #tpu.memory_space<hbm>> -> memref<6400xf32, #tpu.memory_space<hbm>>
        %dma_start3A_254 = tpu.memref_slice %arg4[%mul3A_244] : memref<3276800xf32, #tpu.memory_space<hbm>> -> memref<6400xf32, #tpu.memory_space<hbm>>
        tpu.enqueue_dma source(%dma_start3A_254 : memref<6400xf32, #tpu.memory_space<hbm>>) target(%arg16 : memref<6400xf32, #tpu.memory_space<vmem>>) target_semaphore(%arg28 : memref<!tpu.dma_semaphore, #tpu.memory_space<semaphore_mem>>)
        %dma_start3A_255 = tpu.memref_slice %arg5[%mul3A_246] : memref<3276800xf32, #tpu.memory_space<hbm>> -> memref<6400xf32, #tpu.memory_space<hbm>>
        %dma_start3A_256 = tpu.memref_slice %arg5[%mul3A_246] : memref<3276800xf32, #tpu.memory_space<hbm>> -> memref<6400xf32, #tpu.memory_space<hbm>>
        tpu.enqueue_dma source(%dma_start3A_256 : memref<6400xf32, #tpu.memory_space<hbm>>) target(%arg18 : memref<6400xf32, #tpu.memory_space<vmem>>) target_semaphore(%arg28 : memref<!tpu.dma_semaphore, #tpu.memory_space<semaphore_mem>>)
      } else {
      }
      %mul3A_176 = arith.constant 2 : i32
      %mul3A_177 = arith.muli %mul3A_176, %scan3A_122 : i32
      %add3A_178 = arith.constant 1 : i32
      %add3A_179 = arith.addi %mul3A_177, %add3A_178 : i32
      %mul3A_180 = arith.constant 512 : i32
      %mul3A_181 = arith.muli %add3A, %mul3A_180 : i32
      %mul3A_182 = arith.constant 32 : i32
      %mul3A_183 = arith.muli %add3A_179, %mul3A_182 : i32
      %add3A_184 = arith.addi %mul3A_181, %mul3A_183 : i32
      %mul3A_185 = arith.constant 32 : i32
      %mul3A_186 = arith.muli %add3A_179, %mul3A_185 : i32
      %mul3A_187 = arith.constant 200 : i32
      %mul3A_188 = arith.muli %add3A_184, %mul3A_187 : i32
      %mul3A_189 = arith.constant 200 : i32
      %mul3A_190 = arith.muli %add3A_184, %mul3A_189 : i32
      %mul3A_191 = arith.constant 200 : i32
      %mul3A_192 = arith.muli %add3A_184, %mul3A_191 : i32
      %dma_wait3A_193 = tpu.memref_slice %arg11[%mul3A_186] : memref<512xi32, #tpu.memory_space<vmem>> -> memref<32xi32, #tpu.memory_space<vmem>>
      %dma_wait3A_194 = arith.constant 0 : i32
      %dma_wait3A_195 = arith.constant 0 : i32
      %dma_wait3A_196 = tpu.memref_slice %arg6[%dma_wait3A_194, %dma_wait3A_195] : memref<1000x640xf32, #tpu.memory_space<hbm>> -> memref<1000x640xf32, #tpu.memory_space<hbm>>
      tpu.wait_indirect_dma semaphore(%arg27 : memref<!tpu.dma_semaphore, #tpu.memory_space<semaphore_mem>>) src(%dma_wait3A_196 : memref<1000x640xf32, #tpu.memory_space<hbm>>) dst(%arg13 : memref<32x640xf32, #tpu.memory_space<vmem>>)
      %dma_wait3A_197 = tpu.memref_slice %arg3[%mul3A_188] : memref<3276800xf32, #tpu.memory_space<hbm>> -> memref<6400xf32, #tpu.memory_space<hbm>>
      %dma_wait3A_198 = tpu.memref_slice %arg3[%mul3A_188] : memref<3276800xf32, #tpu.memory_space<hbm>> -> memref<6400xf32, #tpu.memory_space<hbm>>
      tpu.wait_dma2 semaphore(%arg29 : memref<!tpu.dma_semaphore, #tpu.memory_space<semaphore_mem>>) src(%dma_wait3A_198 : memref<6400xf32, #tpu.memory_space<hbm>>) dst(%arg15 : memref<6400xf32, #tpu.memory_space<vmem>>)
      %dma_wait3A_199 = tpu.memref_slice %arg4[%mul3A_190] : memref<3276800xf32, #tpu.memory_space<hbm>> -> memref<6400xf32, #tpu.memory_space<hbm>>
      %dma_wait3A_200 = tpu.memref_slice %arg4[%mul3A_190] : memref<3276800xf32, #tpu.memory_space<hbm>> -> memref<6400xf32, #tpu.memory_space<hbm>>
      tpu.wait_dma2 semaphore(%arg29 : memref<!tpu.dma_semaphore, #tpu.memory_space<semaphore_mem>>) src(%dma_wait3A_200 : memref<6400xf32, #tpu.memory_space<hbm>>) dst(%arg17 : memref<6400xf32, #tpu.memory_space<vmem>>)
      %dma_wait3A_201 = tpu.memref_slice %arg5[%mul3A_192] : memref<3276800xf32, #tpu.memory_space<hbm>> -> memref<6400xf32, #tpu.memory_space<hbm>>
      %dma_wait3A_202 = tpu.memref_slice %arg5[%mul3A_192] : memref<3276800xf32, #tpu.memory_space<hbm>> -> memref<6400xf32, #tpu.memory_space<hbm>>
      tpu.wait_dma2 semaphore(%arg29 : memref<!tpu.dma_semaphore, #tpu.memory_space<semaphore_mem>>) src(%dma_wait3A_202 : memref<6400xf32, #tpu.memory_space<hbm>>) dst(%arg19 : memref<6400xf32, #tpu.memory_space<vmem>>)
      %ge3A_203 = arith.constant 1 : i32
      %ge3A_204 = arith.cmpi sge, %scan3A_122, %ge3A_203 : i32
      %convert_element_type3A_205 = arith.extui %ge3A_204 : i1 to i32
      %cond3A_206 = arith.constant 0 : i32
      %cond3A_207 = arith.cmpi ne, %convert_element_type3A_205, %cond3A_206 : i32
      scf.if %cond3A_207 {
        %mul3A_232 = arith.constant 512 : i32
        %mul3A_233 = arith.muli %add3A, %mul3A_232 : i32
        %mul3A_234 = arith.constant 16 : i32
        %mul3A_235 = arith.muli %mul3A_233, %mul3A_234 : i32
        %dma_wait3A_236 = tpu.memref_slice %arg9[%mul3A_235] : memref<262144xf32, #tpu.memory_space<hbm>> -> memref<512xf32, #tpu.memory_space<hbm>>
        %dma_wait3A_237 = tpu.memref_slice %arg9[%mul3A_235] : memref<262144xf32, #tpu.memory_space<hbm>> -> memref<512xf32, #tpu.memory_space<hbm>>
        tpu.wait_dma2 semaphore(%arg31 : memref<!tpu.dma_semaphore, #tpu.memory_space<semaphore_mem>>) src(%dma_wait3A_237 : memref<512xf32, #tpu.memory_space<hbm>>) dst(%arg23 : memref<512xf32, #tpu.memory_space<vmem>>)
        %dma_wait3A_238 = tpu.memref_slice %arg10[%mul3A_233] : memref<16384xf32, #tpu.memory_space<hbm>> -> memref<32xf32, #tpu.memory_space<hbm>>
        %dma_wait3A_239 = tpu.memref_slice %arg10[%mul3A_233] : memref<16384xf32, #tpu.memory_space<hbm>> -> memref<32xf32, #tpu.memory_space<hbm>>
        tpu.wait_dma2 semaphore(%arg31 : memref<!tpu.dma_semaphore, #tpu.memory_space<semaphore_mem>>) src(%dma_wait3A_239 : memref<32xf32, #tpu.memory_space<hbm>>) dst(%arg25 : memref<32xf32, #tpu.memory_space<vmem>>)
      } else {
      }
      %mul3A_208 = arith.constant 512 : i32
      %mul3A_209 = arith.muli %add3A, %mul3A_208 : i32
      %mul3A_210 = arith.constant 32 : i32
      %mul3A_211 = arith.muli %add3A_179, %mul3A_210 : i32
      %add3A_212 = arith.addi %mul3A_209, %mul3A_211 : i32
      %scan3A_213 = arith.constant 0 : i32
      %scan3A_214 = arith.constant 0 : i32
      %scan3A_215 = arith.constant 2 : i32
      %scan3A_216 = arith.addi %scan3A_214, %scan3A_215 : i32
      %scan3A_217 = arith.constant 1 : i32
      scf.for %scan3A_232 = %scan3A_214 to %scan3A_216 step %scan3A_217  : i32 {
        %broadcast_in_dim3A_233 = arith.constant 0.000000e+00 : f32
        %broadcast_in_dim3A_234 = vector.broadcast %broadcast_in_dim3A_233 : f32 to vector<16xf32>
        %scan3A_235 = arith.constant 0 : i32
        %scan3A_236 = arith.constant 16 : i32
        %scan3A_237 = arith.addi %scan3A_235, %scan3A_236 : i32
        %scan3A_238 = arith.constant 1 : i32
        %scan3A_239 = scf.for %scan3A_244 = %scan3A_235 to %scan3A_237 step %scan3A_238 iter_args(%scan3A_245 = %broadcast_in_dim3A_234) -> (vector<16xf32>)  : i32 {
          %mul3A_246 = arith.constant 16 : i32
          %mul3A_247 = arith.muli %scan3A_232, %mul3A_246 : i32
          %add3A_248 = arith.addi %mul3A_247, %scan3A_244 : i32
          %broadcast_in_dim3A_249 = arith.constant 0.000000e+00 : f32
          %broadcast_in_dim3A_250 = vector.broadcast %broadcast_in_dim3A_249 : f32 to vector<16xf32>
          %broadcast_in_dim3A_251 = arith.constant 0.000000e+00 : f32
          %broadcast_in_dim3A_252 = vector.broadcast %broadcast_in_dim3A_251 : f32 to vector<16xf32>
          %broadcast_in_dim3A_253 = arith.constant 0.000000e+00 : f32
          %broadcast_in_dim3A_254 = vector.broadcast %broadcast_in_dim3A_253 : f32 to vector<16xf32>
          %broadcast_in_dim3A_255 = arith.constant 0.000000e+00 : f32
          %broadcast_in_dim3A_256 = vector.broadcast %broadcast_in_dim3A_255 : f32 to vector<16xf32>
          %broadcast_in_dim3A_257 = arith.constant 0.000000e+00 : f32
          %broadcast_in_dim3A_258 = vector.broadcast %broadcast_in_dim3A_257 : f32 to vector<16xf32>
          %mul3A_259 = arith.constant 200 : i32
          %mul3A_260 = arith.muli %add3A_248, %mul3A_259 : i32
          %add3A_261 = arith.constant 0 : i32
          %add3A_262 = arith.addi %mul3A_260, %add3A_261 : i32
          %get3A_263 = arith.index_cast %add3A_262 : i32 to index
          %get3A_264 = tpu.vector_load %arg15[%get3A_263] {strides = array<i32>} : memref<6400xf32, #tpu.memory_space<vmem>>, vector<16xf32>,
          %add3A_265 = arith.constant 0 : i32
          %add3A_266 = arith.addi %mul3A_260, %add3A_265 : i32
          %get3A_267 = arith.index_cast %add3A_266 : i32 to index
          %get3A_268 = tpu.vector_load %arg17[%get3A_267] {strides = array<i32>} : memref<6400xf32, #tpu.memory_space<vmem>>, vector<16xf32>,
          %add3A_269 = arith.constant 0 : i32
          %add3A_270 = arith.addi %mul3A_260, %add3A_269 : i32
          %get3A_271 = arith.index_cast %add3A_270 : i32 to index
          %get3A_272 = tpu.vector_load %arg19[%get3A_271] {strides = array<i32>} : memref<6400xf32, #tpu.memory_space<vmem>>, vector<16xf32>,
          %get3A_273 = arith.index_cast %add3A_248 : i32 to index
          %get3A_274 = arith.constant 0 : index
          %get3A_275 = tpu.vector_load %arg13[%get3A_273, %get3A_274] {strides = array<i32>} : memref<32x640xf32, #tpu.memory_space<vmem>>, vector<16xf32>,
          %mul3A_276 = arith.mulf %get3A_264, %get3A_275 : vector<16xf32>
          %add3A_277 = arith.addf %broadcast_in_dim3A_250, %mul3A_276 : vector<16xf32>
          %get3A_278 = arith.index_cast %add3A_248 : i32 to index
          %get3A_279 = arith.constant 200 : index
          %get3A_280 = tpu.vector_load %arg13[%get3A_278, %get3A_279] {strides = array<i32>} : memref<32x640xf32, #tpu.memory_space<vmem>>, vector<16xf32>,
          %mul3A_281 = arith.mulf %get3A_268, %get3A_280 : vector<16xf32>
          %add3A_282 = arith.addf %broadcast_in_dim3A_252, %mul3A_281 : vector<16xf32>
          %mul3A_283 = arith.mulf %get3A_268, %get3A_8 : vector<16xf32>
          %add3A_284 = arith.addf %broadcast_in_dim3A_254, %mul3A_283 : vector<16xf32>
          %get3A_285 = arith.index_cast %add3A_248 : i32 to index
          %get3A_286 = arith.constant 400 : index
          %get3A_287 = tpu.vector_load %arg13[%get3A_285, %get3A_286] {strides = array<i32>} : memref<32x640xf32, #tpu.memory_space<vmem>>, vector<16xf32>,
          %mul3A_288 = arith.mulf %get3A_272, %get3A_287 : vector<16xf32>
          %add3A_289 = arith.addf %broadcast_in_dim3A_256, %mul3A_288 : vector<16xf32>
          %mul3A_290 = arith.mulf %get3A_272, %get3A_32 : vector<16xf32>
          %add3A_291 = arith.addf %broadcast_in_dim3A_258, %mul3A_290 : vector<16xf32>
          %add3A_292 = arith.constant 16 : i32
          %add3A_293 = arith.addi %mul3A_260, %add3A_292 : i32
          %get3A_294 = arith.index_cast %add3A_293 : i32 to index
          %get3A_295 = tpu.vector_load %arg15[%get3A_294] {strides = array<i32>} : memref<6400xf32, #tpu.memory_space<vmem>>, vector<16xf32>,
          %add3A_296 = arith.constant 16 : i32
          %add3A_297 = arith.addi %mul3A_260, %add3A_296 : i32
          %get3A_298 = arith.index_cast %add3A_297 : i32 to index
          %get3A_299 = tpu.vector_load %arg17[%get3A_298] {strides = array<i32>} : memref<6400xf32, #tpu.memory_space<vmem>>, vector<16xf32>,
          %add3A_300 = arith.constant 16 : i32
          %add3A_301 = arith.addi %mul3A_260, %add3A_300 : i32
          %get3A_302 = arith.index_cast %add3A_301 : i32 to index
          %get3A_303 = tpu.vector_load %arg19[%get3A_302] {strides = array<i32>} : memref<6400xf32, #tpu.memory_space<vmem>>, vector<16xf32>,
          %get3A_304 = arith.index_cast %add3A_248 : i32 to index
          %get3A_305 = arith.constant 16 : index
          %get3A_306 = tpu.vector_load %arg13[%get3A_304, %get3A_305] {strides = array<i32>} : memref<32x640xf32, #tpu.memory_space<vmem>>, vector<16xf32>,
          %mul3A_307 = arith.mulf %get3A_295, %get3A_306 : vector<16xf32>
          %add3A_308 = arith.addf %add3A_277, %mul3A_307 : vector<16xf32>
          %get3A_309 = arith.index_cast %add3A_248 : i32 to index
          %get3A_310 = arith.constant 216 : index
          %get3A_311 = tpu.vector_load %arg13[%get3A_309, %get3A_310] {strides = array<i32>} : memref<32x640xf32, #tpu.memory_space<vmem>>, vector<16xf32>,
          %mul3A_312 = arith.mulf %get3A_299, %get3A_311 : vector<16xf32>
          %add3A_313 = arith.addf %add3A_282, %mul3A_312 : vector<16xf32>
          %mul3A_314 = arith.mulf %get3A_299, %get3A_10 : vector<16xf32>
          %add3A_315 = arith.addf %add3A_284, %mul3A_314 : vector<16xf32>
          %get3A_316 = arith.index_cast %add3A_248 : i32 to index
          %get3A_317 = arith.constant 416 : index
          %get3A_318 = tpu.vector_load %arg13[%get3A_316, %get3A_317] {strides = array<i32>} : memref<32x640xf32, #tpu.memory_space<vmem>>, vector<16xf32>,
          %mul3A_319 = arith.mulf %get3A_303, %get3A_318 : vector<16xf32>
          %add3A_320 = arith.addf %add3A_289, %mul3A_319 : vector<16xf32>
          %mul3A_321 = arith.mulf %get3A_303, %get3A_34 : vector<16xf32>
          %add3A_322 = arith.addf %add3A_291, %mul3A_321 : vector<16xf32>
          %add3A_323 = arith.constant 32 : i32
          %add3A_324 = arith.addi %mul3A_260, %add3A_323 : i32
          %get3A_325 = arith.index_cast %add3A_324 : i32 to index
          %get3A_326 = tpu.vector_load %arg15[%get3A_325] {strides = array<i32>} : memref<6400xf32, #tpu.memory_space<vmem>>, vector<16xf32>,
          %add3A_327 = arith.constant 32 : i32
          %add3A_328 = arith.addi %mul3A_260, %add3A_327 : i32
          %get3A_329 = arith.index_cast %add3A_328 : i32 to index
          %get3A_330 = tpu.vector_load %arg17[%get3A_329] {strides = array<i32>} : memref<6400xf32, #tpu.memory_space<vmem>>, vector<16xf32>,
          %add3A_331 = arith.constant 32 : i32
          %add3A_332 = arith.addi %mul3A_260, %add3A_331 : i32
          %get3A_333 = arith.index_cast %add3A_332 : i32 to index
          %get3A_334 = tpu.vector_load %arg19[%get3A_333] {strides = array<i32>} : memref<6400xf32, #tpu.memory_space<vmem>>, vector<16xf32>,
          %get3A_335 = arith.index_cast %add3A_248 : i32 to index
          %get3A_336 = arith.constant 32 : index
          %get3A_337 = tpu.vector_load %arg13[%get3A_335, %get3A_336] {strides = array<i32>} : memref<32x640xf32, #tpu.memory_space<vmem>>, vector<16xf32>,
          %mul3A_338 = arith.mulf %get3A_326, %get3A_337 : vector<16xf32>
          %add3A_339 = arith.addf %add3A_308, %mul3A_338 : vector<16xf32>
          %get3A_340 = arith.index_cast %add3A_248 : i32 to index
          %get3A_341 = arith.constant 232 : index
          %get3A_342 = tpu.vector_load %arg13[%get3A_340, %get3A_341] {strides = array<i32>} : memref<32x640xf32, #tpu.memory_space<vmem>>, vector<16xf32>,
          %mul3A_343 = arith.mulf %get3A_330, %get3A_342 : vector<16xf32>
          %add3A_344 = arith.addf %add3A_313, %mul3A_343 : vector<16xf32>
          %mul3A_345 = arith.mulf %get3A_330, %get3A_12 : vector<16xf32>
          %add3A_346 = arith.addf %add3A_315, %mul3A_345 : vector<16xf32>
          %get3A_347 = arith.index_cast %add3A_248 : i32 to index
          %get3A_348 = arith.constant 432 : index
          %get3A_349 = tpu.vector_load %arg13[%get3A_347, %get3A_348] {strides = array<i32>} : memref<32x640xf32, #tpu.memory_space<vmem>>, vector<16xf32>,
          %mul3A_350 = arith.mulf %get3A_334, %get3A_349 : vector<16xf32>
          %add3A_351 = arith.addf %add3A_320, %mul3A_350 : vector<16xf32>
          %mul3A_352 = arith.mulf %get3A_334, %get3A_36 : vector<16xf32>
          %add3A_353 = arith.addf %add3A_322, %mul3A_352 : vector<16xf32>
          %add3A_354 = arith.constant 48 : i32
          %add3A_355 = arith.addi %mul3A_260, %add3A_354 : i32
          %get3A_356 = arith.index_cast %add3A_355 : i32 to index
          %get3A_357 = tpu.vector_load %arg15[%get3A_356] {strides = array<i32>} : memref<6400xf32, #tpu.memory_space<vmem>>, vector<16xf32>,
          %add3A_358 = arith.constant 48 : i32
          %add3A_359 = arith.addi %mul3A_260, %add3A_358 : i32
          %get3A_360 = arith.index_cast %add3A_359 : i32 to index
          %get3A_361 = tpu.vector_load %arg17[%get3A_360] {strides = array<i32>} : memref<6400xf32, #tpu.memory_space<vmem>>, vector<16xf32>,
          %add3A_362 = arith.constant 48 : i32
          %add3A_363 = arith.addi %mul3A_260, %add3A_362 : i32
          %get3A_364 = arith.index_cast %add3A_363 : i32 to index
          %get3A_365 = tpu.vector_load %arg19[%get3A_364] {strides = array<i32>} : memref<6400xf32, #tpu.memory_space<vmem>>, vector<16xf32>,
          %get3A_366 = arith.index_cast %add3A_248 : i32 to index
          %get3A_367 = arith.constant 48 : index
          %get3A_368 = tpu.vector_load %arg13[%get3A_366, %get3A_367] {strides = array<i32>} : memref<32x640xf32, #tpu.memory_space<vmem>>, vector<16xf32>,
          %mul3A_369 = arith.mulf %get3A_357, %get3A_368 : vector<16xf32>
          %add3A_370 = arith.addf %add3A_339, %mul3A_369 : vector<16xf32>
          %get3A_371 = arith.index_cast %add3A_248 : i32 to index
          %get3A_372 = arith.constant 248 : index
          %get3A_373 = tpu.vector_load %arg13[%get3A_371, %get3A_372] {strides = array<i32>} : memref<32x640xf32, #tpu.memory_space<vmem>>, vector<16xf32>,
          %mul3A_374 = arith.mulf %get3A_361, %get3A_373 : vector<16xf32>
          %add3A_375 = arith.addf %add3A_344, %mul3A_374 : vector<16xf32>
          %mul3A_376 = arith.mulf %get3A_361, %get3A_14 : vector<16xf32>
          %add3A_377 = arith.addf %add3A_346, %mul3A_376 : vector<16xf32>
          %get3A_378 = arith.index_cast %add3A_248 : i32 to index
          %get3A_379 = arith.constant 448 : index
          %get3A_380 = tpu.vector_load %arg13[%get3A_378, %get3A_379] {strides = array<i32>} : memref<32x640xf32, #tpu.memory_space<vmem>>, vector<16xf32>,
          %mul3A_381 = arith.mulf %get3A_365, %get3A_380 : vector<16xf32>
          %add3A_382 = arith.addf %add3A_351, %mul3A_381 : vector<16xf32>
          %mul3A_383 = arith.mulf %get3A_365, %get3A_38 : vector<16xf32>
          %add3A_384 = arith.addf %add3A_353, %mul3A_383 : vector<16xf32>
          %add3A_385 = arith.constant 64 : i32
          %add3A_386 = arith.addi %mul3A_260, %add3A_385 : i32
          %get3A_387 = arith.index_cast %add3A_386 : i32 to index
          %get3A_388 = tpu.vector_load %arg15[%get3A_387] {strides = array<i32>} : memref<6400xf32, #tpu.memory_space<vmem>>, vector<16xf32>,
          %add3A_389 = arith.constant 64 : i32
          %add3A_390 = arith.addi %mul3A_260, %add3A_389 : i32
          %get3A_391 = arith.index_cast %add3A_390 : i32 to index
          %get3A_392 = tpu.vector_load %arg17[%get3A_391] {strides = array<i32>} : memref<6400xf32, #tpu.memory_space<vmem>>, vector<16xf32>,
          %add3A_393 = arith.constant 64 : i32
          %add3A_394 = arith.addi %mul3A_260, %add3A_393 : i32
          %get3A_395 = arith.index_cast %add3A_394 : i32 to index
          %get3A_396 = tpu.vector_load %arg19[%get3A_395] {strides = array<i32>} : memref<6400xf32, #tpu.memory_space<vmem>>, vector<16xf32>,
          %get3A_397 = arith.index_cast %add3A_248 : i32 to index
          %get3A_398 = arith.constant 64 : index
          %get3A_399 = tpu.vector_load %arg13[%get3A_397, %get3A_398] {strides = array<i32>} : memref<32x640xf32, #tpu.memory_space<vmem>>, vector<16xf32>,
          %mul3A_400 = arith.mulf %get3A_388, %get3A_399 : vector<16xf32>
          %add3A_401 = arith.addf %add3A_370, %mul3A_400 : vector<16xf32>
          %get3A_402 = arith.index_cast %add3A_248 : i32 to index
          %get3A_403 = arith.constant 264 : index
          %get3A_404 = tpu.vector_load %arg13[%get3A_402, %get3A_403] {strides = array<i32>} : memref<32x640xf32, #tpu.memory_space<vmem>>, vector<16xf32>,
          %mul3A_405 = arith.mulf %get3A_392, %get3A_404 : vector<16xf32>
          %add3A_406 = arith.addf %add3A_375, %mul3A_405 : vector<16xf32>
          %mul3A_407 = arith.mulf %get3A_392, %get3A_16 : vector<16xf32>
          %add3A_408 = arith.addf %add3A_377, %mul3A_407 : vector<16xf32>
          %get3A_409 = arith.index_cast %add3A_248 : i32 to index
          %get3A_410 = arith.constant 464 : index
          %get3A_411 = tpu.vector_load %arg13[%get3A_409, %get3A_410] {strides = array<i32>} : memref<32x640xf32, #tpu.memory_space<vmem>>, vector<16xf32>,
          %mul3A_412 = arith.mulf %get3A_396, %get3A_411 : vector<16xf32>
          %add3A_413 = arith.addf %add3A_382, %mul3A_412 : vector<16xf32>
          %mul3A_414 = arith.mulf %get3A_396, %get3A_40 : vector<16xf32>
          %add3A_415 = arith.addf %add3A_384, %mul3A_414 : vector<16xf32>
          %add3A_416 = arith.constant 80 : i32
          %add3A_417 = arith.addi %mul3A_260, %add3A_416 : i32
          %get3A_418 = arith.index_cast %add3A_417 : i32 to index
          %get3A_419 = tpu.vector_load %arg15[%get3A_418] {strides = array<i32>} : memref<6400xf32, #tpu.memory_space<vmem>>, vector<16xf32>,
          %add3A_420 = arith.constant 80 : i32
          %add3A_421 = arith.addi %mul3A_260, %add3A_420 : i32
          %get3A_422 = arith.index_cast %add3A_421 : i32 to index
          %get3A_423 = tpu.vector_load %arg17[%get3A_422] {strides = array<i32>} : memref<6400xf32, #tpu.memory_space<vmem>>, vector<16xf32>,
          %add3A_424 = arith.constant 80 : i32
          %add3A_425 = arith.addi %mul3A_260, %add3A_424 : i32
          %get3A_426 = arith.index_cast %add3A_425 : i32 to index
          %get3A_427 = tpu.vector_load %arg19[%get3A_426] {strides = array<i32>} : memref<6400xf32, #tpu.memory_space<vmem>>, vector<16xf32>,
          %get3A_428 = arith.index_cast %add3A_248 : i32 to index
          %get3A_429 = arith.constant 80 : index
          %get3A_430 = tpu.vector_load %arg13[%get3A_428, %get3A_429] {strides = array<i32>} : memref<32x640xf32, #tpu.memory_space<vmem>>, vector<16xf32>,
          %mul3A_431 = arith.mulf %get3A_419, %get3A_430 : vector<16xf32>
          %add3A_432 = arith.addf %add3A_401, %mul3A_431 : vector<16xf32>
          %get3A_433 = arith.index_cast %add3A_248 : i32 to index
          %get3A_434 = arith.constant 280 : index
          %get3A_435 = tpu.vector_load %arg13[%get3A_433, %get3A_434] {strides = array<i32>} : memref<32x640xf32, #tpu.memory_space<vmem>>, vector<16xf32>,
          %mul3A_436 = arith.mulf %get3A_423, %get3A_435 : vector<16xf32>
          %add3A_437 = arith.addf %add3A_406, %mul3A_436 : vector<16xf32>
          %mul3A_438 = arith.mulf %get3A_423, %get3A_18 : vector<16xf32>
          %add3A_439 = arith.addf %add3A_408, %mul3A_438 : vector<16xf32>
          %get3A_440 = arith.index_cast %add3A_248 : i32 to index
          %get3A_441 = arith.constant 480 : index
          %get3A_442 = tpu.vector_load %arg13[%get3A_440, %get3A_441] {strides = array<i32>} : memref<32x640xf32, #tpu.memory_space<vmem>>, vector<16xf32>,
          %mul3A_443 = arith.mulf %get3A_427, %get3A_442 : vector<16xf32>
          %add3A_444 = arith.addf %add3A_413, %mul3A_443 : vector<16xf32>
          %mul3A_445 = arith.mulf %get3A_427, %get3A_42 : vector<16xf32>
          %add3A_446 = arith.addf %add3A_415, %mul3A_445 : vector<16xf32>
          %add3A_447 = arith.constant 96 : i32
          %add3A_448 = arith.addi %mul3A_260, %add3A_447 : i32
          %get3A_449 = arith.index_cast %add3A_448 : i32 to index
          %get3A_450 = tpu.vector_load %arg15[%get3A_449] {strides = array<i32>} : memref<6400xf32, #tpu.memory_space<vmem>>, vector<16xf32>,
          %add3A_451 = arith.constant 96 : i32
          %add3A_452 = arith.addi %mul3A_260, %add3A_451 : i32
          %get3A_453 = arith.index_cast %add3A_452 : i32 to index
          %get3A_454 = tpu.vector_load %arg17[%get3A_453] {strides = array<i32>} : memref<6400xf32, #tpu.memory_space<vmem>>, vector<16xf32>,
          %add3A_455 = arith.constant 96 : i32
          %add3A_456 = arith.addi %mul3A_260, %add3A_455 : i32
          %get3A_457 = arith.index_cast %add3A_456 : i32 to index
          %get3A_458 = tpu.vector_load %arg19[%get3A_457] {strides = array<i32>} : memref<6400xf32, #tpu.memory_space<vmem>>, vector<16xf32>,
          %get3A_459 = arith.index_cast %add3A_248 : i32 to index
          %get3A_460 = arith.constant 96 : index
          %get3A_461 = tpu.vector_load %arg13[%get3A_459, %get3A_460] {strides = array<i32>} : memref<32x640xf32, #tpu.memory_space<vmem>>, vector<16xf32>,
          %mul3A_462 = arith.mulf %get3A_450, %get3A_461 : vector<16xf32>
          %add3A_463 = arith.addf %add3A_432, %mul3A_462 : vector<16xf32>
          %get3A_464 = arith.index_cast %add3A_248 : i32 to index
          %get3A_465 = arith.constant 296 : index
          %get3A_466 = tpu.vector_load %arg13[%get3A_464, %get3A_465] {strides = array<i32>} : memref<32x640xf32, #tpu.memory_space<vmem>>, vector<16xf32>,
          %mul3A_467 = arith.mulf %get3A_454, %get3A_466 : vector<16xf32>
          %add3A_468 = arith.addf %add3A_437, %mul3A_467 : vector<16xf32>
          %mul3A_469 = arith.mulf %get3A_454, %get3A_20 : vector<16xf32>
          %add3A_470 = arith.addf %add3A_439, %mul3A_469 : vector<16xf32>
          %get3A_471 = arith.index_cast %add3A_248 : i32 to index
          %get3A_472 = arith.constant 496 : index
          %get3A_473 = tpu.vector_load %arg13[%get3A_471, %get3A_472] {strides = array<i32>} : memref<32x640xf32, #tpu.memory_space<vmem>>, vector<16xf32>,
          %mul3A_474 = arith.mulf %get3A_458, %get3A_473 : vector<16xf32>
          %add3A_475 = arith.addf %add3A_444, %mul3A_474 : vector<16xf32>
          %mul3A_476 = arith.mulf %get3A_458, %get3A_44 : vector<16xf32>
          %add3A_477 = arith.addf %add3A_446, %mul3A_476 : vector<16xf32>
          %add3A_478 = arith.constant 112 : i32
          %add3A_479 = arith.addi %mul3A_260, %add3A_478 : i32
          %get3A_480 = arith.index_cast %add3A_479 : i32 to index
          %get3A_481 = tpu.vector_load %arg15[%get3A_480] {strides = array<i32>} : memref<6400xf32, #tpu.memory_space<vmem>>, vector<16xf32>,
          %add3A_482 = arith.constant 112 : i32
          %add3A_483 = arith.addi %mul3A_260, %add3A_482 : i32
          %get3A_484 = arith.index_cast %add3A_483 : i32 to index
          %get3A_485 = tpu.vector_load %arg17[%get3A_484] {strides = array<i32>} : memref<6400xf32, #tpu.memory_space<vmem>>, vector<16xf32>,
          %add3A_486 = arith.constant 112 : i32
          %add3A_487 = arith.addi %mul3A_260, %add3A_486 : i32
          %get3A_488 = arith.index_cast %add3A_487 : i32 to index
          %get3A_489 = tpu.vector_load %arg19[%get3A_488] {strides = array<i32>} : memref<6400xf32, #tpu.memory_space<vmem>>, vector<16xf32>,
          %get3A_490 = arith.index_cast %add3A_248 : i32 to index
          %get3A_491 = arith.constant 112 : index
          %get3A_492 = tpu.vector_load %arg13[%get3A_490, %get3A_491] {strides = array<i32>} : memref<32x640xf32, #tpu.memory_space<vmem>>, vector<16xf32>,
          %mul3A_493 = arith.mulf %get3A_481, %get3A_492 : vector<16xf32>
          %add3A_494 = arith.addf %add3A_463, %mul3A_493 : vector<16xf32>
          %get3A_495 = arith.index_cast %add3A_248 : i32 to index
          %get3A_496 = arith.constant 312 : index
          %get3A_497 = tpu.vector_load %arg13[%get3A_495, %get3A_496] {strides = array<i32>} : memref<32x640xf32, #tpu.memory_space<vmem>>, vector<16xf32>,
          %mul3A_498 = arith.mulf %get3A_485, %get3A_497 : vector<16xf32>
          %add3A_499 = arith.addf %add3A_468, %mul3A_498 : vector<16xf32>
          %mul3A_500 = arith.mulf %get3A_485, %get3A_22 : vector<16xf32>
          %add3A_501 = arith.addf %add3A_470, %mul3A_500 : vector<16xf32>
          %get3A_502 = arith.index_cast %add3A_248 : i32 to index
          %get3A_503 = arith.constant 512 : index
          %get3A_504 = tpu.vector_load %arg13[%get3A_502, %get3A_503] {strides = array<i32>} : memref<32x640xf32, #tpu.memory_space<vmem>>, vector<16xf32>,
          %mul3A_505 = arith.mulf %get3A_489, %get3A_504 : vector<16xf32>
          %add3A_506 = arith.addf %add3A_475, %mul3A_505 : vector<16xf32>
          %mul3A_507 = arith.mulf %get3A_489, %get3A_46 : vector<16xf32>
          %add3A_508 = arith.addf %add3A_477, %mul3A_507 : vector<16xf32>
          %add3A_509 = arith.constant 128 : i32
          %add3A_510 = arith.addi %mul3A_260, %add3A_509 : i32
          %get3A_511 = arith.index_cast %add3A_510 : i32 to index
          %get3A_512 = tpu.vector_load %arg15[%get3A_511] {strides = array<i32>} : memref<6400xf32, #tpu.memory_space<vmem>>, vector<16xf32>,
          %add3A_513 = arith.constant 128 : i32
          %add3A_514 = arith.addi %mul3A_260, %add3A_513 : i32
          %get3A_515 = arith.index_cast %add3A_514 : i32 to index
          %get3A_516 = tpu.vector_load %arg17[%get3A_515] {strides = array<i32>} : memref<6400xf32, #tpu.memory_space<vmem>>, vector<16xf32>,
          %add3A_517 = arith.constant 128 : i32
          %add3A_518 = arith.addi %mul3A_260, %add3A_517 : i32
          %get3A_519 = arith.index_cast %add3A_518 : i32 to index
          %get3A_520 = tpu.vector_load %arg19[%get3A_519] {strides = array<i32>} : memref<6400xf32, #tpu.memory_space<vmem>>, vector<16xf32>,
          %get3A_521 = arith.index_cast %add3A_248 : i32 to index
          %get3A_522 = arith.constant 128 : index
          %get3A_523 = tpu.vector_load %arg13[%get3A_521, %get3A_522] {strides = array<i32>} : memref<32x640xf32, #tpu.memory_space<vmem>>, vector<16xf32>,
          %mul3A_524 = arith.mulf %get3A_512, %get3A_523 : vector<16xf32>
          %add3A_525 = arith.addf %add3A_494, %mul3A_524 : vector<16xf32>
          %get3A_526 = arith.index_cast %add3A_248 : i32 to index
          %get3A_527 = arith.constant 328 : index
          %get3A_528 = tpu.vector_load %arg13[%get3A_526, %get3A_527] {strides = array<i32>} : memref<32x640xf32, #tpu.memory_space<vmem>>, vector<16xf32>,
          %mul3A_529 = arith.mulf %get3A_516, %get3A_528 : vector<16xf32>
          %add3A_530 = arith.addf %add3A_499, %mul3A_529 : vector<16xf32>
          %mul3A_531 = arith.mulf %get3A_516, %get3A_24 : vector<16xf32>
          %add3A_532 = arith.addf %add3A_501, %mul3A_531 : vector<16xf32>
          %get3A_533 = arith.index_cast %add3A_248 : i32 to index
          %get3A_534 = arith.constant 528 : index
          %get3A_535 = tpu.vector_load %arg13[%get3A_533, %get3A_534] {strides = array<i32>} : memref<32x640xf32, #tpu.memory_space<vmem>>, vector<16xf32>,
          %mul3A_536 = arith.mulf %get3A_520, %get3A_535 : vector<16xf32>
          %add3A_537 = arith.addf %add3A_506, %mul3A_536 : vector<16xf32>
          %mul3A_538 = arith.mulf %get3A_520, %get3A_48 : vector<16xf32>
          %add3A_539 = arith.addf %add3A_508, %mul3A_538 : vector<16xf32>
          %add3A_540 = arith.constant 144 : i32
          %add3A_541 = arith.addi %mul3A_260, %add3A_540 : i32
          %get3A_542 = arith.index_cast %add3A_541 : i32 to index
          %get3A_543 = tpu.vector_load %arg15[%get3A_542] {strides = array<i32>} : memref<6400xf32, #tpu.memory_space<vmem>>, vector<16xf32>,
          %add3A_544 = arith.constant 144 : i32
          %add3A_545 = arith.addi %mul3A_260, %add3A_544 : i32
          %get3A_546 = arith.index_cast %add3A_545 : i32 to index
          %get3A_547 = tpu.vector_load %arg17[%get3A_546] {strides = array<i32>} : memref<6400xf32, #tpu.memory_space<vmem>>, vector<16xf32>,
          %add3A_548 = arith.constant 144 : i32
          %add3A_549 = arith.addi %mul3A_260, %add3A_548 : i32
          %get3A_550 = arith.index_cast %add3A_549 : i32 to index
          %get3A_551 = tpu.vector_load %arg19[%get3A_550] {strides = array<i32>} : memref<6400xf32, #tpu.memory_space<vmem>>, vector<16xf32>,
          %get3A_552 = arith.index_cast %add3A_248 : i32 to index
          %get3A_553 = arith.constant 144 : index
          %get3A_554 = tpu.vector_load %arg13[%get3A_552, %get3A_553] {strides = array<i32>} : memref<32x640xf32, #tpu.memory_space<vmem>>, vector<16xf32>,
          %mul3A_555 = arith.mulf %get3A_543, %get3A_554 : vector<16xf32>
          %add3A_556 = arith.addf %add3A_525, %mul3A_555 : vector<16xf32>
          %get3A_557 = arith.index_cast %add3A_248 : i32 to index
          %get3A_558 = arith.constant 344 : index
          %get3A_559 = tpu.vector_load %arg13[%get3A_557, %get3A_558] {strides = array<i32>} : memref<32x640xf32, #tpu.memory_space<vmem>>, vector<16xf32>,
          %mul3A_560 = arith.mulf %get3A_547, %get3A_559 : vector<16xf32>
          %add3A_561 = arith.addf %add3A_530, %mul3A_560 : vector<16xf32>
          %mul3A_562 = arith.mulf %get3A_547, %get3A_26 : vector<16xf32>
          %add3A_563 = arith.addf %add3A_532, %mul3A_562 : vector<16xf32>
          %get3A_564 = arith.index_cast %add3A_248 : i32 to index
          %get3A_565 = arith.constant 544 : index
          %get3A_566 = tpu.vector_load %arg13[%get3A_564, %get3A_565] {strides = array<i32>} : memref<32x640xf32, #tpu.memory_space<vmem>>, vector<16xf32>,
          %mul3A_567 = arith.mulf %get3A_551, %get3A_566 : vector<16xf32>
          %add3A_568 = arith.addf %add3A_537, %mul3A_567 : vector<16xf32>
          %mul3A_569 = arith.mulf %get3A_551, %get3A_50 : vector<16xf32>
          %add3A_570 = arith.addf %add3A_539, %mul3A_569 : vector<16xf32>
          %add3A_571 = arith.constant 160 : i32
          %add3A_572 = arith.addi %mul3A_260, %add3A_571 : i32
          %get3A_573 = arith.index_cast %add3A_572 : i32 to index
          %get3A_574 = tpu.vector_load %arg15[%get3A_573] {strides = array<i32>} : memref<6400xf32, #tpu.memory_space<vmem>>, vector<16xf32>,
          %add3A_575 = arith.constant 160 : i32
          %add3A_576 = arith.addi %mul3A_260, %add3A_575 : i32
          %get3A_577 = arith.index_cast %add3A_576 : i32 to index
          %get3A_578 = tpu.vector_load %arg17[%get3A_577] {strides = array<i32>} : memref<6400xf32, #tpu.memory_space<vmem>>, vector<16xf32>,
          %add3A_579 = arith.constant 160 : i32
          %add3A_580 = arith.addi %mul3A_260, %add3A_579 : i32
          %get3A_581 = arith.index_cast %add3A_580 : i32 to index
          %get3A_582 = tpu.vector_load %arg19[%get3A_581] {strides = array<i32>} : memref<6400xf32, #tpu.memory_space<vmem>>, vector<16xf32>,
          %get3A_583 = arith.index_cast %add3A_248 : i32 to index
          %get3A_584 = arith.constant 160 : index
          %get3A_585 = tpu.vector_load %arg13[%get3A_583, %get3A_584] {strides = array<i32>} : memref<32x640xf32, #tpu.memory_space<vmem>>, vector<16xf32>,
          %mul3A_586 = arith.mulf %get3A_574, %get3A_585 : vector<16xf32>
          %add3A_587 = arith.addf %add3A_556, %mul3A_586 : vector<16xf32>
          %get3A_588 = arith.index_cast %add3A_248 : i32 to index
          %get3A_589 = arith.constant 360 : index
          %get3A_590 = tpu.vector_load %arg13[%get3A_588, %get3A_589] {strides = array<i32>} : memref<32x640xf32, #tpu.memory_space<vmem>>, vector<16xf32>,
          %mul3A_591 = arith.mulf %get3A_578, %get3A_590 : vector<16xf32>
          %add3A_592 = arith.addf %add3A_561, %mul3A_591 : vector<16xf32>
          %mul3A_593 = arith.mulf %get3A_578, %get3A_28 : vector<16xf32>
          %add3A_594 = arith.addf %add3A_563, %mul3A_593 : vector<16xf32>
          %get3A_595 = arith.index_cast %add3A_248 : i32 to index
          %get3A_596 = arith.constant 560 : index
          %get3A_597 = tpu.vector_load %arg13[%get3A_595, %get3A_596] {strides = array<i32>} : memref<32x640xf32, #tpu.memory_space<vmem>>, vector<16xf32>,
          %mul3A_598 = arith.mulf %get3A_582, %get3A_597 : vector<16xf32>
          %add3A_599 = arith.addf %add3A_568, %mul3A_598 : vector<16xf32>
          %mul3A_600 = arith.mulf %get3A_582, %get3A_52 : vector<16xf32>
          %add3A_601 = arith.addf %add3A_570, %mul3A_600 : vector<16xf32>
          %add3A_602 = arith.constant 176 : i32
          %add3A_603 = arith.addi %mul3A_260, %add3A_602 : i32
          %get3A_604 = arith.index_cast %add3A_603 : i32 to index
          %get3A_605 = tpu.vector_load %arg15[%get3A_604] {strides = array<i32>} : memref<6400xf32, #tpu.memory_space<vmem>>, vector<16xf32>,
          %add3A_606 = arith.constant 176 : i32
          %add3A_607 = arith.addi %mul3A_260, %add3A_606 : i32
          %get3A_608 = arith.index_cast %add3A_607 : i32 to index
          %get3A_609 = tpu.vector_load %arg17[%get3A_608] {strides = array<i32>} : memref<6400xf32, #tpu.memory_space<vmem>>, vector<16xf32>,
          %add3A_610 = arith.constant 176 : i32
          %add3A_611 = arith.addi %mul3A_260, %add3A_610 : i32
          %get3A_612 = arith.index_cast %add3A_611 : i32 to index
          %get3A_613 = tpu.vector_load %arg19[%get3A_612] {strides = array<i32>} : memref<6400xf32, #tpu.memory_space<vmem>>, vector<16xf32>,
          %get3A_614 = arith.index_cast %add3A_248 : i32 to index
          %get3A_615 = arith.constant 176 : index
          %get3A_616 = tpu.vector_load %arg13[%get3A_614, %get3A_615] {strides = array<i32>} : memref<32x640xf32, #tpu.memory_space<vmem>>, vector<16xf32>,
          %mul3A_617 = arith.mulf %get3A_605, %get3A_616 : vector<16xf32>
          %add3A_618 = arith.addf %add3A_587, %mul3A_617 : vector<16xf32>
          %get3A_619 = arith.index_cast %add3A_248 : i32 to index
          %get3A_620 = arith.constant 376 : index
          %get3A_621 = tpu.vector_load %arg13[%get3A_619, %get3A_620] {strides = array<i32>} : memref<32x640xf32, #tpu.memory_space<vmem>>, vector<16xf32>,
          %mul3A_622 = arith.mulf %get3A_609, %get3A_621 : vector<16xf32>
          %add3A_623 = arith.addf %add3A_592, %mul3A_622 : vector<16xf32>
          %mul3A_624 = arith.mulf %get3A_609, %get3A_30 : vector<16xf32>
          %add3A_625 = arith.addf %add3A_594, %mul3A_624 : vector<16xf32>
          %get3A_626 = arith.index_cast %add3A_248 : i32 to index
          %get3A_627 = arith.constant 576 : index
          %get3A_628 = tpu.vector_load %arg13[%get3A_626, %get3A_627] {strides = array<i32>} : memref<32x640xf32, #tpu.memory_space<vmem>>, vector<16xf32>,
          %mul3A_629 = arith.mulf %get3A_613, %get3A_628 : vector<16xf32>
          %add3A_630 = arith.addf %add3A_599, %mul3A_629 : vector<16xf32>
          %mul3A_631 = arith.mulf %get3A_613, %get3A_54 : vector<16xf32>
          %add3A_632 = arith.addf %add3A_601, %mul3A_631 : vector<16xf32>
          %add3A_633 = arith.constant 184 : i32
          %add3A_634 = arith.addi %mul3A_260, %add3A_633 : i32
          %get3A_635 = arith.index_cast %add3A_634 : i32 to index
          %get3A_636 = tpu.vector_load %arg15[%get3A_635] {strides = array<i32>} : memref<6400xf32, #tpu.memory_space<vmem>>, vector<16xf32>,
          %mul3A_637 = arith.mulf %get3A_636, %select_n3A : vector<16xf32>
          %add3A_638 = arith.constant 184 : i32
          %add3A_639 = arith.addi %mul3A_260, %add3A_638 : i32
          %get3A_640 = arith.index_cast %add3A_639 : i32 to index
          %get3A_641 = tpu.vector_load %arg17[%get3A_640] {strides = array<i32>} : memref<6400xf32, #tpu.memory_space<vmem>>, vector<16xf32>,
          %add3A_642 = arith.constant 184 : i32
          %add3A_643 = arith.addi %mul3A_260, %add3A_642 : i32
          %get3A_644 = arith.index_cast %add3A_643 : i32 to index
          %get3A_645 = tpu.vector_load %arg19[%get3A_644] {strides = array<i32>} : memref<6400xf32, #tpu.memory_space<vmem>>, vector<16xf32>,
          %get3A_646 = arith.index_cast %add3A_248 : i32 to index
          %get3A_647 = arith.constant 184 : index
          %get3A_648 = tpu.vector_load %arg13[%get3A_646, %get3A_647] {strides = array<i32>} : memref<32x640xf32, #tpu.memory_space<vmem>>, vector<16xf32>,
          %mul3A_649 = arith.mulf %mul3A_637, %get3A_648 : vector<16xf32>
          %add3A_650 = arith.addf %add3A_618, %mul3A_649 : vector<16xf32>
          %mul3A_651 = arith.mulf %get3A_641, %select_n3A : vector<16xf32>
          %get3A_652 = arith.index_cast %add3A_248 : i32 to index
          %get3A_653 = arith.constant 384 : index
          %get3A_654 = tpu.vector_load %arg13[%get3A_652, %get3A_653] {strides = array<i32>} : memref<32x640xf32, #tpu.memory_space<vmem>>, vector<16xf32>,
          %mul3A_655 = arith.mulf %mul3A_651, %get3A_654 : vector<16xf32>
          %add3A_656 = arith.addf %add3A_623, %mul3A_655 : vector<16xf32>
          %mul3A_657 = arith.mulf %get3A_641, %mul3A_57 : vector<16xf32>
          %add3A_658 = arith.addf %add3A_625, %mul3A_657 : vector<16xf32>
          %mul3A_659 = arith.mulf %get3A_645, %select_n3A : vector<16xf32>
          %get3A_660 = arith.index_cast %add3A_248 : i32 to index
          %get3A_661 = arith.constant 584 : index
          %get3A_662 = tpu.vector_load %arg13[%get3A_660, %get3A_661] {strides = array<i32>} : memref<32x640xf32, #tpu.memory_space<vmem>>, vector<16xf32>,
          %mul3A_663 = arith.mulf %mul3A_659, %get3A_662 : vector<16xf32>
          %add3A_664 = arith.addf %add3A_630, %mul3A_663 : vector<16xf32>
          %mul3A_665 = arith.mulf %get3A_645, %mul3A_60 : vector<16xf32>
          %add3A_666 = arith.addf %add3A_632, %mul3A_665 : vector<16xf32>
          %get3A_667 = arith.index_cast %add3A_248 : i32 to index
          %get3A_668 = arith.constant 600 : index
          %get3A_669 = tpu.vector_load %arg13[%get3A_667, %get3A_668] {strides = array<i32>} : memref<32x640xf32, #tpu.memory_space<vmem>>, vector<16xf32>,
          %eq3A = arith.constant 0 : i32
          %eq3A_670 = vector.broadcast %eq3A : i32 to vector<16xi32>
          %eq3A_671 = arith.cmpi eq, %iota3A_5, %eq3A_670 : vector<16xi32>
          %reduce_sum3A = arith.constant true
          %reduce_sum3A_672 = vector.broadcast %reduce_sum3A : i1 to vector<16xi1>
          %reduce_sum3A_673 = tpu.scan <sum>, %add3A_656 masked %reduce_sum3A_672 : vector<16xf32>, vector<16xi1> -> vector<16xf32>
          %reduce_sum3A_674 = vector.extract %reduce_sum3A_673[15] : f32 from vector<16xf32>
          %broadcast_in_dim3A_675 = vector.broadcast %reduce_sum3A_674 : f32 to vector<16xf32>
          %select_n3A_676 = arith.select %eq3A_671, %broadcast_in_dim3A_675, %get3A_669 : vector<16xi1>, vector<16xf32>
          %eq3A_677 = arith.constant 1 : i32
          %eq3A_678 = vector.broadcast %eq3A_677 : i32 to vector<16xi32>
          %eq3A_679 = arith.cmpi eq, %iota3A_5, %eq3A_678 : vector<16xi32>
          %reduce_sum3A_680 = arith.constant true
          %reduce_sum3A_681 = vector.broadcast %reduce_sum3A_680 : i1 to vector<16xi1>
          %reduce_sum3A_682 = tpu.scan <sum>, %add3A_658 masked %reduce_sum3A_681 : vector<16xf32>, vector<16xi1> -> vector<16xf32>
          %reduce_sum3A_683 = vector.extract %reduce_sum3A_682[15] : f32 from vector<16xf32>
          %broadcast_in_dim3A_684 = vector.broadcast %reduce_sum3A_683 : f32 to vector<16xf32>
          %select_n3A_685 = arith.select %eq3A_679, %broadcast_in_dim3A_684, %select_n3A_676 : vector<16xi1>, vector<16xf32>
          %eq3A_686 = arith.constant 2 : i32
          %eq3A_687 = vector.broadcast %eq3A_686 : i32 to vector<16xi32>
          %eq3A_688 = arith.cmpi eq, %iota3A_5, %eq3A_687 : vector<16xi32>
          %reduce_sum3A_689 = arith.constant true
          %reduce_sum3A_690 = vector.broadcast %reduce_sum3A_689 : i1 to vector<16xi1>
          %reduce_sum3A_691 = tpu.scan <sum>, %add3A_664 masked %reduce_sum3A_690 : vector<16xf32>, vector<16xi1> -> vector<16xf32>
          %reduce_sum3A_692 = vector.extract %reduce_sum3A_691[15] : f32 from vector<16xf32>
          %broadcast_in_dim3A_693 = vector.broadcast %reduce_sum3A_692 : f32 to vector<16xf32>
          %select_n3A_694 = arith.select %eq3A_688, %broadcast_in_dim3A_693, %select_n3A_685 : vector<16xi1>, vector<16xf32>
          %eq3A_695 = arith.constant 3 : i32
          %eq3A_696 = vector.broadcast %eq3A_695 : i32 to vector<16xi32>
          %eq3A_697 = arith.cmpi eq, %iota3A_5, %eq3A_696 : vector<16xi32>
          %reduce_sum3A_698 = arith.constant true
          %reduce_sum3A_699 = vector.broadcast %reduce_sum3A_698 : i1 to vector<16xi1>
          %reduce_sum3A_700 = tpu.scan <sum>, %add3A_666 masked %reduce_sum3A_699 : vector<16xf32>, vector<16xi1> -> vector<16xf32>
          %reduce_sum3A_701 = vector.extract %reduce_sum3A_700[15] : f32 from vector<16xf32>
          %broadcast_in_dim3A_702 = vector.broadcast %reduce_sum3A_701 : f32 to vector<16xf32>
          %select_n3A_703 = arith.select %eq3A_697, %broadcast_in_dim3A_702, %select_n3A_694 : vector<16xi1>, vector<16xf32>
          %mul3A_704 = arith.constant 16 : i32
          %mul3A_705 = arith.muli %add3A_248, %mul3A_704 : i32
          %swap3A_706 = arith.index_cast %mul3A_705 : i32 to index
          %swap3A_707 = tpu.vector_load %arg23[%swap3A_706] {strides = array<i32>} : memref<512xf32, #tpu.memory_space<vmem>>, vector<16xf32>,
          tpu.vector_store %arg23[%swap3A_706], %select_n3A_703 {strides = array<i32>} : memref<512xf32, #tpu.memory_space<vmem>>, vector<16xf32>,
          %eq3A_708 = vector.broadcast %scan3A_244 : i32 to vector<16xi32>
          %eq3A_709 = arith.cmpi eq, %iota3A_5, %eq3A_708 : vector<16xi32>
          %reduce_sum3A_710 = arith.constant true
          %reduce_sum3A_711 = vector.broadcast %reduce_sum3A_710 : i1 to vector<16xi1>
          %reduce_sum3A_712 = tpu.scan <sum>, %add3A_650 masked %reduce_sum3A_711 : vector<16xf32>, vector<16xi1> -> vector<16xf32>
          %reduce_sum3A_713 = vector.extract %reduce_sum3A_712[15] : f32 from vector<16xf32>
          %broadcast_in_dim3A_714 = vector.broadcast %reduce_sum3A_713 : f32 to vector<16xf32>
          %select_n3A_715 = arith.select %eq3A_709, %broadcast_in_dim3A_714, %scan3A_245 : vector<16xi1>, vector<16xf32>
          scf.yield %select_n3A_715 : vector<16xf32>
        }
        %scan3A_240 = arith.constant 16 : i32
        %mul3A_241 = arith.constant 16 : i32
        %mul3A_242 = arith.muli %mul3A_241, %scan3A_232 : i32
        %swap3A = arith.index_cast %mul3A_242 : i32 to index
        %swap3A_243 = tpu.vector_load %arg25[%swap3A] {strides = array<i32>} : memref<32xf32, #tpu.memory_space<vmem>>, vector<16xf32>,
        tpu.vector_store %arg25[%swap3A], %scan3A_239 {strides = array<i32>} : memref<32xf32, #tpu.memory_space<vmem>>, vector<16xf32>,
      }
      %scan3A_218 = arith.constant 2 : i32
      %mul3A_219 = arith.constant 16 : i32
      %mul3A_220 = arith.muli %add3A_212, %mul3A_219 : i32
      %dma_start3A_221 = tpu.memref_slice %arg9[%mul3A_220] : memref<262144xf32, #tpu.memory_space<hbm>> -> memref<512xf32, #tpu.memory_space<hbm>>
      %dma_start3A_222 = tpu.memref_slice %arg9[%mul3A_220] : memref<262144xf32, #tpu.memory_space<hbm>> -> memref<512xf32, #tpu.memory_space<hbm>>
      tpu.enqueue_dma source(%arg23 : memref<512xf32, #tpu.memory_space<vmem>>) target(%dma_start3A_222 : memref<512xf32, #tpu.memory_space<hbm>>) target_semaphore(%arg31 : memref<!tpu.dma_semaphore, #tpu.memory_space<semaphore_mem>>)
      %dma_start3A_223 = tpu.memref_slice %arg10[%add3A_212] : memref<16384xf32, #tpu.memory_space<hbm>> -> memref<32xf32, #tpu.memory_space<hbm>>
      %dma_start3A_224 = tpu.memref_slice %arg10[%add3A_212] : memref<16384xf32, #tpu.memory_space<hbm>> -> memref<32xf32, #tpu.memory_space<hbm>>
      tpu.enqueue_dma source(%arg25 : memref<32xf32, #tpu.memory_space<vmem>>) target(%dma_start3A_224 : memref<32xf32, #tpu.memory_space<hbm>>) target_semaphore(%arg31 : memref<!tpu.dma_semaphore, #tpu.memory_space<semaphore_mem>>)
      %add3A_225 = arith.constant 2 : i32
      %add3A_226 = arith.addi %add3A_179, %add3A_225 : i32
      %lt3A_227 = arith.constant 16 : i32
      %lt3A_228 = arith.cmpi slt, %add3A_226, %lt3A_227 : i32
      %convert_element_type3A_229 = arith.extui %lt3A_228 : i1 to i32
      %cond3A_230 = arith.constant 0 : i32
      %cond3A_231 = arith.cmpi ne, %convert_element_type3A_229, %cond3A_230 : i32
      scf.if %cond3A_231 {
        %add3A_232 = arith.constant 2 : i32
        %add3A_233 = arith.addi %add3A_179, %add3A_232 : i32
        %mul3A_234 = arith.constant 512 : i32
        %mul3A_235 = arith.muli %add3A, %mul3A_234 : i32
        %mul3A_236 = arith.constant 32 : i32
        %mul3A_237 = arith.muli %add3A_233, %mul3A_236 : i32
        %add3A_238 = arith.addi %mul3A_235, %mul3A_237 : i32
        %mul3A_239 = arith.constant 32 : i32
        %mul3A_240 = arith.muli %add3A_233, %mul3A_239 : i32
        %mul3A_241 = arith.constant 200 : i32
        %mul3A_242 = arith.muli %add3A_238, %mul3A_241 : i32
        %mul3A_243 = arith.constant 200 : i32
        %mul3A_244 = arith.muli %add3A_238, %mul3A_243 : i32
        %mul3A_245 = arith.constant 200 : i32
        %mul3A_246 = arith.muli %add3A_238, %mul3A_245 : i32
        %dma_start3A_247 = tpu.memref_slice %arg11[%mul3A_240] : memref<512xi32, #tpu.memory_space<vmem>> -> memref<32xi32, #tpu.memory_space<vmem>>
        %dma_start3A_248 = arith.constant 0 : i32
        %dma_start3A_249 = arith.constant 0 : i32
        %dma_start3A_250 = tpu.memref_slice %arg6[%dma_start3A_248, %dma_start3A_249] : memref<1000x640xf32, #tpu.memory_space<hbm>> -> memref<1000x640xf32, #tpu.memory_space<hbm>>
        tpu.enqueue_indirect_dma source(%dma_start3A_250 : memref<1000x640xf32, #tpu.memory_space<hbm>>) target(%arg13 : memref<32x640xf32, #tpu.memory_space<vmem>>) offsets(%dma_start3A_247 : memref<32xi32, #tpu.memory_space<vmem>>) semaphore(%arg27 : memref<!tpu.dma_semaphore, #tpu.memory_space<semaphore_mem>>)
        %dma_start3A_251 = tpu.memref_slice %arg3[%mul3A_242] : memref<3276800xf32, #tpu.memory_space<hbm>> -> memref<6400xf32, #tpu.memory_space<hbm>>
        %dma_start3A_252 = tpu.memref_slice %arg3[%mul3A_242] : memref<3276800xf32, #tpu.memory_space<hbm>> -> memref<6400xf32, #tpu.memory_space<hbm>>
        tpu.enqueue_dma source(%dma_start3A_252 : memref<6400xf32, #tpu.memory_space<hbm>>) target(%arg15 : memref<6400xf32, #tpu.memory_space<vmem>>) target_semaphore(%arg29 : memref<!tpu.dma_semaphore, #tpu.memory_space<semaphore_mem>>)
        %dma_start3A_253 = tpu.memref_slice %arg4[%mul3A_244] : memref<3276800xf32, #tpu.memory_space<hbm>> -> memref<6400xf32, #tpu.memory_space<hbm>>
        %dma_start3A_254 = tpu.memref_slice %arg4[%mul3A_244] : memref<3276800xf32, #tpu.memory_space<hbm>> -> memref<6400xf32, #tpu.memory_space<hbm>>
        tpu.enqueue_dma source(%dma_start3A_254 : memref<6400xf32, #tpu.memory_space<hbm>>) target(%arg17 : memref<6400xf32, #tpu.memory_space<vmem>>) target_semaphore(%arg29 : memref<!tpu.dma_semaphore, #tpu.memory_space<semaphore_mem>>)
        %dma_start3A_255 = tpu.memref_slice %arg5[%mul3A_246] : memref<3276800xf32, #tpu.memory_space<hbm>> -> memref<6400xf32, #tpu.memory_space<hbm>>
        %dma_start3A_256 = tpu.memref_slice %arg5[%mul3A_246] : memref<3276800xf32, #tpu.memory_space<hbm>> -> memref<6400xf32, #tpu.memory_space<hbm>>
        tpu.enqueue_dma source(%dma_start3A_256 : memref<6400xf32, #tpu.memory_space<hbm>>) target(%arg19 : memref<6400xf32, #tpu.memory_space<vmem>>) target_semaphore(%arg29 : memref<!tpu.dma_semaphore, #tpu.memory_space<semaphore_mem>>)
      } else {
      }
    }
    %scan3A_106 = arith.constant 8 : i32
    %mul3A_107 = arith.constant 512 : i32
    %mul3A_108 = arith.muli %add3A, %mul3A_107 : i32
    %mul3A_109 = arith.constant 16 : i32
    %mul3A_110 = arith.muli %mul3A_108, %mul3A_109 : i32
    %dma_wait3A = tpu.memref_slice %arg9[%mul3A_110] : memref<262144xf32, #tpu.memory_space<hbm>> -> memref<512xf32, #tpu.memory_space<hbm>>
    %dma_wait3A_111 = tpu.memref_slice %arg9[%mul3A_110] : memref<262144xf32, #tpu.memory_space<hbm>> -> memref<512xf32, #tpu.memory_space<hbm>>
    tpu.wait_dma2 semaphore(%arg30 : memref<!tpu.dma_semaphore, #tpu.memory_space<semaphore_mem>>) src(%dma_wait3A_111 : memref<512xf32, #tpu.memory_space<hbm>>) dst(%arg22 : memref<512xf32, #tpu.memory_space<vmem>>)
    %dma_wait3A_112 = tpu.memref_slice %arg10[%mul3A_108] : memref<16384xf32, #tpu.memory_space<hbm>> -> memref<32xf32, #tpu.memory_space<hbm>>
    %dma_wait3A_113 = tpu.memref_slice %arg10[%mul3A_108] : memref<16384xf32, #tpu.memory_space<hbm>> -> memref<32xf32, #tpu.memory_space<hbm>>
    tpu.wait_dma2 semaphore(%arg30 : memref<!tpu.dma_semaphore, #tpu.memory_space<semaphore_mem>>) src(%dma_wait3A_113 : memref<32xf32, #tpu.memory_space<hbm>>) dst(%arg24 : memref<32xf32, #tpu.memory_space<vmem>>)
    %mul3A_114 = arith.constant 512 : i32
    %mul3A_115 = arith.muli %add3A, %mul3A_114 : i32
    %mul3A_116 = arith.constant 16 : i32
    %mul3A_117 = arith.muli %mul3A_115, %mul3A_116 : i32
    %dma_wait3A_118 = tpu.memref_slice %arg9[%mul3A_117] : memref<262144xf32, #tpu.memory_space<hbm>> -> memref<512xf32, #tpu.memory_space<hbm>>
    %dma_wait3A_119 = tpu.memref_slice %arg9[%mul3A_117] : memref<262144xf32, #tpu.memory_space<hbm>> -> memref<512xf32, #tpu.memory_space<hbm>>
    tpu.wait_dma2 semaphore(%arg31 : memref<!tpu.dma_semaphore, #tpu.memory_space<semaphore_mem>>) src(%dma_wait3A_119 : memref<512xf32, #tpu.memory_space<hbm>>) dst(%arg23 : memref<512xf32, #tpu.memory_space<vmem>>)
    %dma_wait3A_120 = tpu.memref_slice %arg10[%mul3A_115] : memref<16384xf32, #tpu.memory_space<hbm>> -> memref<32xf32, #tpu.memory_space<hbm>>
    %dma_wait3A_121 = tpu.memref_slice %arg10[%mul3A_115] : memref<16384xf32, #tpu.memory_space<hbm>> -> memref<32xf32, #tpu.memory_space<hbm>>
    tpu.wait_dma2 semaphore(%arg31 : memref<!tpu.dma_semaphore, #tpu.memory_space<semaphore_mem>>) src(%dma_wait3A_121 : memref<32xf32, #tpu.memory_space<hbm>>) dst(%arg25 : memref<32xf32, #tpu.memory_space<vmem>>)
    return
  }
}

module attributes {stable_mosaic.version = 14 : i64} {
  func.func @_prep_body(%arg0: memref<1000x200xf32, #tpu.memory_space<vmem>>, %arg1: memref<1x200xf32, #tpu.memory_space<vmem>>, %arg2: memref<1000x2xf32, #tpu.memory_space<vmem>>, %arg3: memref<1000x200xf32, #tpu.memory_space<vmem>>, %arg4: memref<1000x200xf32, #tpu.memory_space<vmem>>, %arg5: memref<1001x12xf32, #tpu.memory_space<vmem>>, %arg6: memref<1000x640xf32, #tpu.memory_space<vmem>>) attributes {dimension_semantics = [], scalar_prefetch = 0 : i64, scratch_operands = 0 : i64, tpu.core_type = #tpu.core_type<tc>} {
    %get3A = arith.constant 0 : index
    %get3A_0 = arith.constant 0 : index
    %get3A_1 = vector.load %arg2[%get3A, %get3A_0] : memref<1000x2xf32, #tpu.memory_space<vmem>>, vector<1000x1xf32>
    %get3A_2 = arith.constant 0 : index
    %get3A_3 = arith.constant 0 : index
    %get3A_4 = vector.load %arg0[%get3A_2, %get3A_3] : memref<1000x200xf32, #tpu.memory_space<vmem>>, vector<1000x200xf32>
    %mul3A = vector.broadcast %get3A_1 : vector<1000x1xf32> to vector<1000x200xf32>
    %mul3A_5 = arith.mulf %mul3A, %get3A_4 : vector<1000x200xf32>
    %get3A_6 = arith.constant 0 : index
    %get3A_7 = arith.constant 1 : index
    %get3A_8 = vector.load %arg2[%get3A_6, %get3A_7] : memref<1000x2xf32, #tpu.memory_space<vmem>>, vector<1000x1xf32>
    %get3A_9 = arith.constant 0 : index
    %get3A_10 = arith.constant 0 : index
    %get3A_11 = vector.load %arg1[%get3A_9, %get3A_10] : memref<1x200xf32, #tpu.memory_space<vmem>>, vector<1x200xf32>
    %mul3A_12 = vector.broadcast %get3A_8 : vector<1000x1xf32> to vector<1000x200xf32>
    %mul3A_13 = vector.broadcast %get3A_11 : vector<1x200xf32> to vector<1000x200xf32>
    %mul3A_14 = arith.mulf %mul3A_12, %mul3A_13 : vector<1000x200xf32>
    %add3A = arith.addf %mul3A_5, %mul3A_14 : vector<1000x200xf32>
    %broadcast_in_dim3A = arith.constant 0.000000e+00 : f32
    %broadcast_in_dim3A_15 = vector.broadcast %broadcast_in_dim3A : f32 to vector<1000x4xf32>
    %broadcast_in_dim3A_16 = arith.constant 0.000000e+00 : f32
    %broadcast_in_dim3A_17 = vector.broadcast %broadcast_in_dim3A_16 : f32 to vector<1000x24xf32>
    %get3A_18 = arith.constant 0 : index
    %get3A_19 = arith.constant 0 : index
    %get3A_20 = vector.load %arg3[%get3A_18, %get3A_19] : memref<1000x200xf32, #tpu.memory_space<vmem>>, vector<1000x200xf32>
    %get3A_21 = arith.constant 0 : index
    %get3A_22 = arith.constant 0 : index
    %get3A_23 = vector.load %arg4[%get3A_21, %get3A_22] : memref<1000x200xf32, #tpu.memory_space<vmem>>, vector<1000x200xf32>
    %get3A_24 = arith.constant 0 : index
    %get3A_25 = arith.constant 0 : index
    %get3A_26 = vector.load %arg5[%get3A_24, %get3A_25] : memref<1001x12xf32, #tpu.memory_space<vmem>>, vector<1000x12xf32>
    %concatenate3A = tpu.concatenate %add3A, %get3A_20, %get3A_23, %broadcast_in_dim3A_15, %get3A_26, %broadcast_in_dim3A_17 in 1 : vector<1000x200xf32>, vector<1000x200xf32>, vector<1000x200xf32>, vector<1000x4xf32>, vector<1000x12xf32>, vector<1000x24xf32> -> vector<1000x640xf32>
    %swap3A = arith.constant 0 : index
    %swap3A_27 = arith.constant 0 : index
    %swap3A_28 = vector.load %arg6[%swap3A, %swap3A_27] : memref<1000x640xf32, #tpu.memory_space<vmem>>, vector<1000x640xf32>
    tpu.vector_store %arg6[%swap3A, %swap3A_27], %concatenate3A {strides = array<i32>} : memref<1000x640xf32, #tpu.memory_space<vmem>>, vector<1000x640xf32>,
    return
  }
}

module attributes {stable_mosaic.version = 14 : i64} {
  func.func @_mlp_body(%arg0: memref<16384x16xf32, #tpu.memory_space<vmem>>, %arg1: memref<16384x1xf32, #tpu.memory_space<vmem>>, %arg2: memref<16x32xf32, #tpu.memory_space<vmem>>, %arg3: memref<1x32xf32, #tpu.memory_space<vmem>>, %arg4: memref<32x1xf32, #tpu.memory_space<vmem>>, %arg5: memref<1x1xf32, #tpu.memory_space<vmem>>, %arg6: memref<16384x1xf32, #tpu.memory_space<vmem>>) attributes {dimension_semantics = [], scalar_prefetch = 0 : i64, scratch_operands = 0 : i64, tpu.core_type = #tpu.core_type<tc>} {
    %get3A = arith.constant 0 : index
    %get3A_0 = arith.constant 0 : index
    %get3A_1 = vector.load %arg0[%get3A, %get3A_0] : memref<16384x16xf32, #tpu.memory_space<vmem>>, vector<16384x16xf32>
    %get3A_2 = arith.constant 0 : index
    %get3A_3 = arith.constant 0 : index
    %get3A_4 = vector.load %arg2[%get3A_2, %get3A_3] : memref<16x32xf32, #tpu.memory_space<vmem>>, vector<16x32xf32>
    %dot_general3A = arith.constant dense<0.000000e+00> : vector<16384x32xf32>
    %dot_general3A_5 = tpu.matmul %get3A_1, %get3A_4, %dot_general3A {dimension_numbers = #tpu.dot_dimension_numbers<[1], [0], [0], [1], [0, 0, 1, 1], [], []>, transpose_lhs_hint = false} : vector<16384x16xf32>, vector<16x32xf32>, vector<16384x32xf32> -> vector<16384x32xf32>
    %get3A_6 = arith.constant 0 : index
    %get3A_7 = arith.constant 0 : index
    %get3A_8 = vector.load %arg3[%get3A_6, %get3A_7] : memref<1x32xf32, #tpu.memory_space<vmem>>, vector<1x32xf32>
    %add3A = vector.broadcast %get3A_8 : vector<1x32xf32> to vector<16384x32xf32>
    %add3A_9 = arith.addf %dot_general3A_5, %add3A : vector<16384x32xf32>
    %get3A_10 = arith.constant 0 : index
    %get3A_11 = arith.constant 0 : index
    %get3A_12 = vector.load %arg4[%get3A_10, %get3A_11] : memref<32x1xf32, #tpu.memory_space<vmem>>, vector<32x1xf32>
    %dot_general3A_13 = arith.constant dense<0.000000e+00> : vector<16384x1xf32>
    %dot_general3A_14 = tpu.matmul %add3A_9, %get3A_12, %dot_general3A_13 {dimension_numbers = #tpu.dot_dimension_numbers<[1], [0], [0], [1], [0, 0, 1, 1], [], []>, transpose_lhs_hint = false} : vector<16384x32xf32>, vector<32x1xf32>, vector<16384x1xf32> -> vector<16384x1xf32>
    %get3A_15 = arith.constant 0 : index
    %get3A_16 = arith.constant 0 : index
    %get3A_17 = vector.load %arg5[%get3A_15, %get3A_16] : memref<1x1xf32, #tpu.memory_space<vmem>>, vector<1x1xf32>
    %add3A_18 = vector.broadcast %get3A_17 : vector<1x1xf32> to vector<16384x1xf32>
    %add3A_19 = arith.addf %dot_general3A_14, %add3A_18 : vector<16384x1xf32>
    %logistic3A = arith.negf %add3A_19 : vector<16384x1xf32>
    %logistic3A_20 = math.exp %logistic3A : vector<16384x1xf32>
    %logistic3A_21 = arith.constant 1.000000e+00 : f32
    %logistic3A_22 = vector.broadcast %logistic3A_21 : f32 to vector<16384x1xf32>
    %logistic3A_23 = arith.addf %logistic3A_22, %logistic3A_20 : vector<16384x1xf32>
    %logistic3A_24 = arith.divf %logistic3A_22, %logistic3A_23 : vector<16384x1xf32>
    %get3A_25 = arith.constant 0 : index
    %get3A_26 = arith.constant 0 : index
    %get3A_27 = vector.load %arg1[%get3A_25, %get3A_26] : memref<16384x1xf32, #tpu.memory_space<vmem>>, vector<16384x1xf32>
    %mul3A = arith.mulf %logistic3A_24, %get3A_27 : vector<16384x1xf32>
    %swap3A = arith.constant 0 : index
    %swap3A_28 = arith.constant 0 : index
    %swap3A_29 = vector.load %arg6[%swap3A, %swap3A_28] : memref<16384x1xf32, #tpu.memory_space<vmem>>, vector<16384x1xf32>
    tpu.vector_store %arg6[%swap3A, %swap3A_28], %mul3A {strides = array<i32>} : memref<16384x1xf32, #tpu.memory_space<vmem>>, vector<16384x1xf32>,
    return
  }
}

</mosaic_0001>

<sc_bundles>
// kernel: kernel.5.cloned.1.call-start
scs
__scs_entry_jumppad:
0x0: {  	(pc) =	sbr.rel $0x88, $3  }
0x1: {  	(tag) =	ssettag $0x0;
	lr =	simm.s32 $0x1  }
0x2: {  	[smem:$0x3F91] =	sst lr;
	_ =	strace $0xD0000000  }
0x3: {  	_ = 	snop  }
0x4: {  	_ = 	snop  }
0x5: {  	_ = 	snop  }
0x6: {  	_ = 	snop  }
0x7: {  	_ = 	snop  }
__scs_overlays_trampoline_lowered:
0x8: {  	[smem:$0x3FA0] =	sst s0  }
0x9: {  	[smem:$0x3FA1] =	sst s1  }
0xa: {  	[smem:$0x3FA2] =	sst s2  }
0xb: {  	[smem:$0x3FA3] =	sst s3  }
0xc: {  	[smem:$0x3FA4] =	sst s4  }
0xd: {  	[smem:$0x3FA5] =	sst s5  }
0xe: {  	[smem:$0x3FA6] =	sst s6  }
0xf: {  	[smem:$0x3FA7] =	sst s7  }
0x10: {  	[smem:$0x3FA8] =	sst s8  }
0x11: {  	[smem:$0x3FA9] =	sst s9;
	s0 =	simm.s32 @!p0 $0x0  }
0x12: {  	s1 =	sld [smem:$0x3F8F];
	s0 =	simm.s32 @p0 $0x1  }
0x13: {  	[smem:$0x3FAA] =	sst s0;
	s0 =	simm.s32 @!p1 $0x0  }
0x14: {  	s2 =	sld [smem:$0x3F8E];
	s0 =	simm.s32 @p1 $0x1  }
0x15: {  	[smem:$0x3FAB] =	sst s0;
	s0 =	simm.s32 @!p2 $0x0  }
0x16: {  	s3 =	sld [smem:$0x3FDB];
	s0 =	simm.s32 @p2 $0x1  }
0x17: {  	s4 =	simm.s32 $0x1BF5;
	[smem:$0x3FAD] =	sst s0  }
0x18: {  	s0 =	sld [smem:$0x3F90];
	_ =	swait.ge [sflag:s4], $0x0  }
0x19: {  	s7 =	sld [smem:$0x3F91]  }
0x1a: {  	s8 =	sadd.s32 $0xFFFFE003, lr  }
0x1b: {  	s9 =	sadd.s32 $0xFFFFFEF7, lr;
	s5 =	simm.s32 $0xFFFFFFFF;
	p2 =	slt.u32 s8, $0xFFFFF086  }
0x1c: {  	p1 =	slt.u32 s9, $0xF7A;
	s5 =	simm.s32 @!p2 $0x0  }
0x1d: {  	s5 =	simm.s32 @p1 $0x1;
	p0 =	seq.s32 s7, s2  }
0x1e: {  	s7 =	smul.u32 @!p0 $0xF7A, s2;
	p2 =	seq.s32 @!p0 s5, $0x0  }
0x1f: {  	s9 =	smul.u32 $0xF7A, s1;
	s8 =	simm.s32 @!p0 $0x1BF5;
	p2 =	por !p2, p0  }
0x20: {  	[sflag:s8] =	ssyncset.s32 @!p0 $0xFFFFF086;
	s6 =	sadd.s32 @!p0 s3, s7;
	s7 =	simm.s32 @!p0 $0x108  }
0x21: {  	s3 =	sadd.s32 s3, s9;
	s6 =	sadd.s32 @!p0 $0x88, s6;
	s7 =	simm.s32 @p2 $0x1082  }
0x22: {  	[simem:s7], [sflag:s8] =	dma.local @!p0 [hbm:s6], $0xF7A  }
0x23: {  	s9 =	sor.u32 $0xD0000000, s2;
	s6 =	simm.s32 $0x108;
	_ =	swait.ge @!p0 [sflag:s8], $0x0  }
0x24: {  	s3 =	sadd.s32 $0x88, s3;
	s6 =	simm.s32 @!p1 $0x1082;
	[sflag:s4] =	ssyncset.s32 $0xFFFFF086  }
0x25: {  	[simem:s6], [sflag:s4] =	dma.local [hbm:s3], $0xF7A  }
0x26: {  	[smem:$0x3F91] =	sst s1;
	(tag) =	ssettag s2;
	_ =	strace s9  }
0x27: {  	s1 =	sld [smem:$0x3FA1]  }
0x28: {  	s2 =	sld [smem:$0x3FA2]  }
0x29: {  	s4 =	sld [smem:$0x3FA4]  }
0x2a: {  	p0 =	seq.s32 s5, $0x0;
	s5 =	sld [smem:$0x3FA5]  }
0x2b: {  	s6 =	sld [smem:$0x3FA6]  }
0x2c: {  	s7 =	sld [smem:$0x3FA7]  }
0x2d: {  	s3 =	simm.s32 $0x108;
	s8 =	sld [smem:$0x3FA8]  }
0x2e: {  	s3 =	simm.s32 @!p0 $0x1082;
	s9 =	sld [smem:$0x3FA9]  }
0x2f: {  	lr =	sadd.s32 s0, s3;
	s0 =	sld [smem:$0x3FA0]  }
0x30: {  	s3 =	sld [smem:$0x3FA3]  }
0x31: {  	[smem:$0x3FAC] =	sst s10  }
0x32: {  	s10 =	sld [smem:$0x3FAA];
	_ =	sdelay $0x3  }
0x33: {  	p0 =	seq.s32 s10, $0x1;
	s10 =	sld [smem:$0x3FAC];
	_ =	sdelay $0x3  }
0x34: {  	[smem:$0x3FAC] =	sst s10  }
0x35: {  	s10 =	sld [smem:$0x3FAB];
	_ =	sdelay $0x3  }
0x36: {  	p1 =	seq.s32 s10, $0x1;
	s10 =	sld [smem:$0x3FAC];
	_ =	sdelay $0x3  }
0x37: {  	[smem:$0x3FAC] =	sst s10  }
0x38: {  	s10 =	sld [smem:$0x3FAD]  }
0x39: {  	_ = 	snop;
	(pc) =	sbr.ind lr, $3  }
0x3a: {  	_ = 	snop  }
0x3b: {  	_ = 	snop  }
0x3c: {  	p2 =	seq.s32 s10, $0x1;
	s10 =	sld [smem:$0x3FAC]  }
0x3d: {  	_ =	shalt  }
0x3e: {  	_ =	shalt  }
0x3f: {  	_ =	shalt  }
0x40: {  	_ =	shalt  }
0x41: {  	_ =	shalt  }
0x42: {  	_ =	shalt  }
0x43: {  	_ =	shalt  }
0x44: {  	_ =	shalt  }
0x45: {  	_ =	shalt  }
0x46: {  	_ =	shalt  }
0x47: {  	_ =	shalt  }
0x48: {  	_ =	shalt  }
0x49: {  	_ =	shalt  }
0x4a: {  	_ =	shalt  }
0x4b: {  	_ =	shalt  }
0x4c: {  	_ =	shalt  }
0x4d: {  	_ =	shalt  }
0x4e: {  	_ =	shalt  }
0x4f: {  	_ =	shalt  }
0x50: {  	_ =	shalt  }
0x51: {  	_ =	shalt  }
0x52: {  	_ =	shalt  }
0x53: {  	_ =	shalt  }
0x54: {  	_ =	shalt  }
0x55: {  	_ =	shalt  }
0x56: {  	_ =	shalt  }
0x57: {  	_ =	shalt  }
0x58: {  	_ =	shalt  }
0x59: {  	_ =	shalt  }
0x5a: {  	_ =	shalt  }
0x5b: {  	_ =	shalt  }
0x5c: {  	_ =	shalt  }
0x5d: {  	_ =	shalt  }
0x5e: {  	_ =	shalt  }
0x5f: {  	_ =	shalt  }
0x60: {  	_ =	shalt  }
0x61: {  	_ =	shalt  }
0x62: {  	_ =	shalt  }
0x63: {  	_ =	shalt  }
0x64: {  	_ =	shalt  }
0x65: {  	_ =	shalt  }
0x66: {  	_ =	shalt  }
0x67: {  	_ =	shalt  }
0x68: {  	_ =	shalt  }
0x69: {  	_ =	shalt  }
0x6a: {  	_ =	shalt  }
0x6b: {  	_ =	shalt  }
0x6c: {  	_ =	shalt  }
0x6d: {  	_ =	shalt  }
0x6e: {  	_ =	shalt  }
0x6f: {  	_ =	shalt  }
0x70: {  	_ =	shalt  }
0x71: {  	_ =	shalt  }
0x72: {  	_ =	shalt  }
0x73: {  	_ =	shalt  }
0x74: {  	_ =	shalt  }
0x75: {  	_ =	shalt  }
0x76: {  	_ =	shalt  }
0x77: {  	_ =	shalt  }
0x78: {  	_ =	shalt  }
0x79: {  	_ =	shalt  }
0x7a: {  	_ =	shalt  }
0x7b: {  	_ =	shalt  }
0x7c: {  	_ =	shalt  }
0x7d: {  	_ =	shalt  }
0x7e: {  	_ =	shalt  }
0x7f: {  	_ =	shalt  }
0x80: {  	_ =	shalt  }
0x81: {  	_ =	shalt  }
0x82: {  	_ =	shalt  }
0x83: {  	_ =	shalt  }
0x84: {  	_ =	shalt  }
0x85: {  	_ =	shalt  }
0x86: {  	_ =	shalt  }
0x87: {  	_ =	shalt  }
.Lfunc_end0:
.L_simem_size_0:
called_computation_lowered:
.L_overlay_start_0:
0x88: {  	s2 =	sld [smem:$0x3FD9]  }
0x89: {  	s3 =	sld [smem:$0x3FFE];
	_ =	sdelay $0x1  }
0x8a: {  	s1 =	srdreg.scid  }
0x8b: {  	s0 =	sand.u32 $0x1, s1  }
0x8c: {  	s17 =	sshll.u32 s0, $0xA;
	s2 =	sadd.s32 s3, s2  }
0x8d: {  	s2 =	sadd.s32 s2, s17  }
0x8e: {  	[smem:$0x3FB8] =	sst s2  }
0x8f: {  	_ = 	snop  }
0x90: {  	s2 =	sld [smem:$0x3FC9]  }
0x91: {  	s18 =	sld [smem:$0x3FC1]  }
0x92: {  	s4 =	sld [smem:$0x3FBF]  }
0x93: {  	s5 =	sld [smem:$0x3FD0];
	(tm) =	ssettm $0x1  }
0x94: {  	s6 =	sld [smem:$0x3FFB];
	_ =	sdelay $0x3  }
0x95: {  	_ =	strace s6  }
0x96: {  	s6 =	sld [smem:$0x3FFC];
	_ =	sdelay $0x3  }
0x97: {  	_ =	strace s6  }
0x98: {  	s6 =	sld [smem:$0x3FFD];
	_ =	sdelay $0x3  }
0x99: {  	_ =	strace s6  }
0x9a: {  	_ =	strace $0x8FFFFFFF  }
0x9b: {  	s19 =	sld [smem:$0x3FDB];
	_ =	sdelay $0x1  }
0x9c: {  	s7 =	simm.s32 $_scs_section_size  }
0x9d: {  	s8 =	simm.s32 $_size__tile_overlayer_lowered;
	s9 =	simm.s32 $_tile_overlayer_lowered  }
0x9e: {  	s22 =	simm.s32 $0x1BFF;
	s21 =	sshll.u32 s9, $0x1;
	s6 =	sadd.s32 s7, s19  }
0x9f: {  	s10 =	simm.s32 $0x0;
	s20 =	sshll.u32 s8, $0x1;
	s8 =	sadd.s32 s21, s6  }
0xa0: {  	[timem:s10], [sflag:s22] =	dma.local [hbm:s8], s20  }
0xa1: {  	_ =	swait.ge [sflag:s22], s20  }
0xa2: {  	s7 =	ssub.s32 $0x0, s20;
	[sflag:s22] =	ssyncset.done $0x0  }
0xa3: {  	[sflag:s22] =	ssyncadd.s32 s7;
	_ =	sdelay $0x1  }
0xa4: {  	s23 =	simm.s32 $0x1B8B  }
0xa5: {  	_ =	swait.ge [sflag:s23], $0x1  }
0xa6: {  	[sflag:s23] =	ssyncset.done $0x0  }
0xa7: {  	s25 =	simm.s32 $0x1B8E;
	s24 =	sld [smem:$0x3FFE];
	[sflag:s23] =	ssyncadd.s32 $0xFFFFFFFF  }
0xa8: {  	s26 =	simm.s32 $execute0_lowered;
	[smem:$0x3FD2] =	sst s25  }
0xa9: {  	s8 =	sshll.u32 s26, $0x1;
	_ =	strace $0x80000046;
	[dreg:$0x1] =	wrdreg $0xFFFFFFFF  }
0xaa: {  	s28 =	simm.s32 $_size_execute0_lowered;
	s6 =	sadd.s32 s6, s8;
	[dreg:$0x0] =	wrdreg $0x0  }
0xab: {  	s8 =	sshll.u32 s28, $0x1;
	[dreg:$0x2] =	wrdreg s6  }
0xac: {  	[dreg:$0x3] =	wrdreg s8  }
0xad: {  	[dreg:$0x4] =	wrdreg $0xC0  }
0xae: {  	_ =	task [dreg:s10], $0x5FFFF  }
0xaf: {  	[dreg:$0x1] =	wrdreg $0xFFFFFFFF  }
0xb0: {  	[dreg:$0x0] =	wrdreg $0x60  }
0xb1: {  	[dreg:$0x2] =	wrdreg s2  }
0xb2: {  	[dreg:$0x3] =	wrdreg s24  }
0xb3: {  	[dreg:$0x4] =	wrdreg s18  }
0xb4: {  	[dreg:$0x5] =	wrdreg s4  }
0xb5: {  	[dreg:$0x6] =	wrdreg s5  }
0xb6: {  	[dreg:$0x7] =	wrdreg $0x9  }
0xb7: {  	_ =	task.clear_ibuf [dreg:s10], $0x8FFFF;
	_ =	strace $0x90000046  }
0xb8: {  	s29 =	simm.s32 $0x9;
	_ =	strace $0x80000048  }
0xb9: {  	_ =	swait.ge [sflag:s29], $0x1  }
0xba: {  	[sflag:s29] =	ssyncadd.s32 $0xFFFFFFFF  }
0xbb: {  	_ =	strace $0x90000048  }
0xbc: {  	_ =	sfence  }
0xbd: {  	s30 =	sld [smem:$0x0];
	_ =	sdelay $0x2  }
0xbe: {  	s31 =	sshll.u32 s1, $0xD;
	s1 =	sshrl.u32 s1, $0x2  }
0xbf: {  	s3 =	sand.u32 $0x4000, s31;
	s1 =	sadd.s32 s1, s30  }
0xc0: {  	s0 =	sor.u32 s3, s0;
	s1 =	sshll.u32 s1, $0x11  }
0xc1: {  	s0 =	sor.u32 s1, s0  }
0xc2: {  	s0 =	sadd.s32 $0x8F2B, s0  }
0xc3: {  	[sflag:s0] =	ssyncadd.remote.s32 $0x1  }
0xc4: {  	_ =	sfence.sel $0xFFFF  }
0xc5: {  	[dreg:$0x0] =	wrdreg $0xFFFFFFFF;
	(pc) =	sbr.abs _section_cstart, $3  }
0xc6: {  	[dreg:$0x1] =	wrdreg $0xFFFFFFFF  }
0xc7: {  	_ =	task.clear_ibuf [dreg:s10], $0x2FFFF;
	_ =	strace $0x9FFFFFFF  }
0xc8: {  	(tm) =	ssettm $0x7FFFFFFF  }
0xc9: {  	_ =	shalt  }
tec
execute0_lowered:
.L_overlay_start_1:
0x0: {  	(tag) =	ssettag $0x1  }
0x1: {  	s0 =	rddreg [dreg:$0x0]  }
0x2: {  	s1 =	rddreg [dreg:$0x1]  }
0x3: {  	s3 =	rddreg [dreg:$0x4]  }
0x4: {  	s5 =	simm.s32 $0x0;
	s2 =	srdreg.scid;
	s4 =	stileid.u32  }
0x5: {  	s31 =	simm.s32 $0xED00;
	s20 =	simm.s32 $0x13D90;
	s14 =	simm.s32 $0x0  }
0x6: {  	[smem:$0x7FF] =	sst s5;
	s6 =	sadd.s32 $0xCAA00, s1;
	s2 =	sand.u32 $0x1, s2  }
0x7: {  	s4 =	sshll.u32 s4, $0x1;
	s7 =	sadd.s32 $0x66A00, s1;
	s8 =	sadd.s32 $0x2A00, s1  }
0x8: {  	s9 =	sadd.s32 $0x12EA00, s1;
	s10 =	sadd.s32 $0x142400, s1;
	s4 =	sor.u32 s2, s4  }
0x9: {  	_ =	strace $0x80000047;
	s2 =	ssub.s32 $0x2, s2;
	s12 =	smul.u32 $0x3200, s4  }
0xa: {  	s21 =	sshrl.u32 s2, $0x1;
	s13 =	smul.u32 $0x19000, s4;
	s11 =	sshll.u32 s4, $0x9  }
0xb: {  	s22 =	sshll.u32 s4, $0x6;
	s4 =	simm.s32 $0x1;
	s1 =	ssub.s32 s2, s21  }
0xc: {  	s0 =	sadd.s32 s0, s22;
	s2 =	simm.s32 $0x13990;
	s22 =	simm.s32 $0x2  }
0xd: {  	[dreg:$0x6] =	wrdreg s0;
	s23 =	sadd.s32 s6, s12;
	s24 =	sshrl.u32 s13, $0x3  }
0xe: {  	s25 =	sadd.s32 s7, s12;
	s26 =	sadd.s32 s8, s12;
	[dreg:$0x7] =	wrdreg s23  }
0xf: {  	s30 =	smax.u32 s1, $0x1;
	s1 =	simm.s32 $0x3;
	[dreg:$0x8] =	wrdreg s25  }
.Ltmp0:
0x10: {  	[dreg:$0x9] =	wrdreg s26;
	s0 =	sadd.s32 $0x320, s24;
	(pc) =	sbr.rel .LBB2_1-.Ltmp0, $4  }
0x11: {  	[dreg:$0xd] =	wrdreg s30;
	s23 =	simm.s32 $0x20;
	s28 =	sadd.s32 s6, s0  }
0x12: {  	v0 =	vimm.f32 $1.000000000e+00;
	s24 =	simm.s32 $0x4;
	s29 =	sadd.s32 s7, s0;
	[dreg:$0xa] =	wrdreg s28  }
0x13: {  	vm0 =	vcmask $0x1F00;
	vm1 =	vcmask $0x310;
	vm2 =	vcmask $0x710;
	s25 =	simm.s32 $0x13B90;
	s0 =	sadd.s32 s8, s0;
	[dreg:$0xb] =	wrdreg s29  }
0x14: {  	vm3 =	vcmask $0xB10;
	v0 =	vsel vm0, $0x0, v0;
	vm0 =	vmmov $0x1;
	s26 =	simm.s32 $0x13DB0;
	[dreg:$0xc] =	wrdreg s0;
	s0 =	simm.s32 $0x11F00  }
.LBB2_12:
0x15: {  	s12 =	simm.s32 $0x5  }
0x16: {  	_ =	swait.ge [sflag:s12], $0x200  }
0x17: {  	[sflag:s12] =	ssyncset.done $0x0  }
0x18: {  	[sflag:s12] =	ssyncadd.s32 $0xFFFFFE00  }
0x19: {  	_ =	swait.ge [sflag:s12], $0x20  }
0x1a: {  	[sflag:s12] =	ssyncset.done $0x0  }
0x1b: {  	s13 =	simm.s32 $0x6;
	[sflag:s12] =	ssyncadd.s32 $0xFFFFFFE0  }
0x1c: {  	_ =	swait.ge [sflag:s13], $0x200  }
0x1d: {  	[sflag:s13] =	ssyncset.done $0x0  }
0x1e: {  	[sflag:s13] =	ssyncadd.s32 $0xFFFFFE00  }
0x1f: {  	_ =	swait.ge [sflag:s13], $0x20  }
0x20: {  	s14 =	rddreg [dreg:$0xe]  }
0x21: {  	s30 =	rddreg [dreg:$0xd];
	s14 =	sadd.s32 $0x1, s14  }
0x22: {  	p0 =	sne.s32 s14, s30  }
.Ltmp1:
0x23: {  	_ = 	snop;
	(pc) =	sbr.rel @!p0 .LBB2_13-.Ltmp1, $3  }
0x24: {  	_ =	sdelay $0x1  }
0x25: {  	[sflag:s13] =	ssyncset.done $0x0  }
0x26: {  	[sflag:s13] =	ssyncadd.s32 $0xFFFFFFE0  }
.LBB2_1:
0x27: {  	[dreg:$0xe] =	wrdreg s14  }
0x28: {  	s12 =	rddreg [dreg:$0x2];
	s13 =	simm.s32 $0x13800;
	s19 =	simm.s32 $0x7  }
0x29: {  	[tilespmem:s13], [sflag:$0x7] =	stream.linear.gather [hbm4b:s12+s5], $0xC8, $0x38;
	[tilespmem:$0x13DD0] =	vst v63  }
0x2a: {  	_ =	swait.ge [sflag:s19], $0xC8  }
0x2b: {  	[sflag:s19] =	ssyncset.done $0x0  }
0x2c: {  	[sflag:s19] =	ssyncadd.s32 $0xFFFFFF38  }
0x2d: {  	s28 =	simm.s32 $0x138C8;
	s21 =	rddreg [dreg:$0x3]  }
0x2e: {  	[tilespmem:s28], [sflag:$0x7] =	stream.linear.gather [hbm4b:s21+s5], $0xC8, $0x38;
	[tilespmem:$0x13DD0] =	vst v63  }
0x2f: {  	_ =	swait.ge [sflag:s19], $0xC8  }
0x30: {  	[sflag:s19] =	ssyncset.done $0x0  }
0x31: {  	s29 =	rddreg [dreg:$0x6];
	[sflag:s19] =	ssyncadd.s32 $0xFFFFFF38  }
0x32: {  	[tilespmem:s5], [sflag:$0x7] =	stream.linear.gather [hbm4b:s29+s5], $0x200, $0x38;
	[tilespmem:$0x13DD0] =	vst v63  }
0x33: {  	_ =	swait.ge [sflag:s19], $0x200  }
0x34: {  	[sflag:s19] =	ssyncset.done $0x0  }
0x35: {  	[sflag:s19] =	ssyncadd.s32 $0xFFFFFE00  }
0x36: {  	v1 =	vld [tilespmem:$0x13800]  }
0x37: {  	v62 =	vld [tilespmem:$0x13810]  }
0x38: {  	v16 =	vld [tilespmem:$0x13820]  }
0x39: {  	v22 =	vld [tilespmem:$0x13978]  }
0x3a: {  	v21 =	vld [tilespmem:$0x13968]  }
0x3b: {  	v20 =	vld [tilespmem:$0x13958]  }
0x3c: {  	v23 =	vld [tilespmem:$0x13948]  }
0x3d: {  	v18 =	vld [tilespmem:$0x13918];
	[tilespmem:$0x1FE60] =	vst v1  }
0x3e: {  	v31 =	vld [tilespmem:$0x13860];
	[tilespmem:$0x1FE90] =	vst v22  }
0x3f: {  	v27 =	vld [tilespmem:$0x13928];
	[tilespmem:$0x1FEA0] =	vst v21  }
0x40: {  	v57 =	vld [tilespmem:$0x13850];
	[tilespmem:$0x1FEB0] =	vst v20  }
0x41: {  	v63 =	vld [tilespmem:$0x13938];
	[tilespmem:$0x1FEC0] =	vst v23  }
0x42: {  	v56 =	vld [tilespmem:$0x13908];
	[tilespmem:$0x1FED0] =	vst v18  }
0x43: {  	v60 =	vld [tilespmem:$0x138F8];
	[tilespmem:$0x1FEE0] =	vst v31  }
0x44: {  	v4 =	vld [tilespmem:$0x138D8];
	[tilespmem:$0x1FEF0] =	vst v27  }
0x45: {  	v12 =	vld [tilespmem:$0x138E8];
	[tilespmem:$0x1FF00] =	vst v57  }
0x46: {  	v28 =	vld [tilespmem:$0x13830];
	[tilespmem:$0x1FF10] =	vst v63  }
0x47: {  	v3 =	vld [tilespmem:$0x13840];
	[tilespmem:$0x1FF20] =	vst v56  }
0x48: {  	v58 =	vld [tilespmem:$0x13880];
	[tilespmem:$0x1FF30] =	vst v60  }
0x49: {  	v53 =	vld [tilespmem:$0x138C8];
	[tilespmem:$0x1FF40] =	vst v4  }
0x4a: {  	v1 =	vld [tilespmem:$0x13870];
	[tilespmem:$0x1FF50] =	vst v12  }
0x4b: {  	v29 =	vld [tilespmem:$0x13890];
	[tilespmem:$0x1FF60] =	vst v62  }
0x4c: {  	v25 =	vld [tilespmem:$0x138A0];
	[tilespmem:$0x1FF70] =	vst v16  }
0x4d: {  	v30 =	vld [tilespmem:$0x138B0];
	[tilespmem:$0x1FF80] =	vst v28  }
0x4e: {  	s30 =	simm.s32 $0x200;
	v2 =	vld [tilespmem:$0x13980];
	[tilespmem:$0x1FF90] =	vst v53  }
0x4f: {  	[tilespmem:$0x1FE70] =	vst v1;
	v1 =	vld [tilespmem:$0x138B8];
	[tilespmem:s30], [sflag:$0x1] =	stream.indirect.gather [hbm4b:s9+s23], $0x280, s5, s23, $0xb8  }
0x50: {  	s14 =	simm.s32 $0xA200;
	s13 =	rddreg [dreg:$0x7];
	[tilespmem:$0x1FFA0] =	vst v3  }
0x51: {  	[tilespmem:s14], [sflag:$0x3] =	stream.linear.gather [hbm4b:s13+s5], $0x1900, $0x38;
	[tilespmem:$0x13DD0] =	vst v63  }
0x52: {  	s16 =	simm.s32 $0xD400;
	s15 =	rddreg [dreg:$0x8];
	[tilespmem:$0x1FFC0] =	vst v30  }
0x53: {  	[tilespmem:s16], [sflag:$0x3] =	stream.linear.gather [hbm4b:s15+s5], $0x1900, $0x38;
	[tilespmem:$0x13DD0] =	vst v63  }
0x54: {  	s18 =	simm.s32 $0x10600;
	s17 =	rddreg [dreg:$0x9];
	[tilespmem:$0x1FFD0] =	vst v25  }
0x55: {  	[tilespmem:s18], [sflag:$0x3] =	stream.linear.gather [hbm4b:s17+s5], $0x1900, $0x38;
	[tilespmem:$0x13DD0] =	vst v63  }
0x56: {  	s19 =	simm.s32 $0x5200;
	[tilespmem:$0x1FFE0] =	vst v29  }
0x57: {  	[tilespmem:s19], [sflag:$0x2] =	stream.indirect.gather [hbm4b:s9+s23], $0x280, s23, s23, $0xb8;
	[tilespmem:$0x13DD0] =	vst v63  }
0x58: {  	s28 =	simm.s32 $0xBB00;
	s21 =	rddreg [dreg:$0xa];
	v24 =	vmul.f32 v0, v2;
	[tilespmem:$0x1FFF0] =	vst v58  }
0x59: {  	[tilespmem:s28], [sflag:$0x4] =	stream.linear.gather [hbm4b:s21+s5], $0x1900, $0x38;
	[tilespmem:$0x13DD0] =	vst v63  }
0x5a: {  	s29 =	rddreg [dreg:$0xb];
	[tilespmem:$0x1FE80] =	vst v24;
	v52 =	vmul.f32 v0, v1  }
0x5b: {  	[tilespmem:s31], [sflag:$0x4] =	stream.linear.gather [hbm4b:s29+s5], $0x1900, $0x38;
	[tilespmem:$0x13DD0] =	vst v63  }
0x5c: {  	s30 =	rddreg [dreg:$0xc];
	s14 =	simm.s32 $0x0;
	[tilespmem:$0x1FFB0] =	vst v52  }
0x5d: {  	v1 =	vmov v3;
	[tilespmem:s0], [sflag:$0x4] =	stream.linear.gather [hbm4b:s30+s5], $0x1900, $0x38;
	[tilespmem:$0x13DD0] =	vst v63  }
.LBB2_2:
0x5e: {  	_ =	swait.ge [sflag:s4], $0x5000  }
0x5f: {  	[sflag:s4] =	ssyncset.done $0x0  }
0x60: {  	[sflag:s4] =	ssyncadd.s32 $0xFFFFB000  }
0x61: {  	_ =	swait.ge [sflag:s1], $0x1900  }
0x62: {  	[sflag:s1] =	ssyncset.done $0x0  }
0x63: {  	[sflag:s1] =	ssyncadd.s32 $0xFFFFE700  }
0x64: {  	_ =	swait.ge [sflag:s1], $0x1900  }
0x65: {  	[sflag:s1] =	ssyncset.done $0x0  }
0x66: {  	[sflag:s1] =	ssyncadd.s32 $0xFFFFE700  }
0x67: {  	_ =	swait.ge [sflag:s1], $0x1900  }
0x68: {  	p0 =	seq.s32 s14, $0x0;
	[sflag:s1] =	ssyncset.done $0x0  }
0x69: {  	s12 =	simm.s32 @!p0 $0x5;
	[sflag:s1] =	ssyncadd.s32 $0xFFFFE700  }
0x6a: {  	_ =	swait.ge @!p0 [sflag:s12], $0x200  }
0x6b: {  	[sflag:s12] =	ssyncset.done @!p0 $0x0  }
0x6c: {  	[sflag:s12] =	ssyncadd.s32 @!p0 $0xFFFFFE00  }
0x6d: {  	_ =	swait.ge @!p0 [sflag:s12], $0x20  }
0x6e: {  	s15 =	sshll.u32 s14, $0x6;
	s17 =	simm.s32 $0x0;
	[sflag:s12] =	ssyncset.done @!p0 $0x0  }
0x6f: {  	p2 =	por $0x1, $0x1;
	s16 =	sor.u32 s11, s15;
	v61 =	vld [tilespmem:$0x1FE60];
	[sflag:s12] =	ssyncadd.s32 @!p0 $0xFFFFFFE0  }
.LBB2_3:
0x70: {  	s12 =	smul.u32 $0xA000, s17;
	_ =	sdelay $0x1  }
0x71: {  	s12 =	sshra.s32 s12, $0x2  }
0x72: {  	s12 =	sor.u32 $0x338, s12  }
0x73: {  	s13 =	smul.u32 $0x3200, s17;
	v2 =	vld [tilespmem:s12+$0x110]  }
0x74: {  	v3 =	vld [tilespmem:s12+$0x108]  }
0x75: {  	s18 =	sshra.s32 s13, $0x2;
	v6 =	vld [tilespmem:s12+$0xD8]  }
0x76: {  	s13 =	sadd.s32 $0x10660, s18;
	v7 =	vld [tilespmem:s12+$0xC8]  }
0x77: {  	v14 =	vld [tilespmem:s13+$0x58]  }
0x78: {  	v8 =	vld [tilespmem:s12+$0xB8]  }
0x79: {  	v15 =	vld [tilespmem:s13+$0x50]  }
0x7a: {  	s21 =	sadd.s32 $0xD460, s18;
	v9 =	vld [tilespmem:s12+$0xA8]  }
0x7b: {  	v10 =	vld [tilespmem:s21+$0x50]  }
0x7c: {  	v32 =	vld [tilespmem:s12+$0x98]  }
0x7d: {  	v33 =	vld [tilespmem:s12+$0x88]  }
0x7e: {  	v35 =	vld [tilespmem:s12+$0x78]  }
0x7f: {  	v37 =	vld [tilespmem:s12+$0x68]  }
0x80: {  	v39 =	vld [tilespmem:s12+$0x58]  }
0x81: {  	v40 =	vld [tilespmem:s13+$0x20]  }
0x82: {  	v41 =	vld [tilespmem:s12+$0xFFFFFF90]  }
0x83: {  	v42 =	vld [tilespmem:s21+$0x20]  }
0x84: {  	v43 =	vld [tilespmem:s13+$0x10]  }
0x85: {  	v45 =	vld [tilespmem:s13+$0x0]  }
0x86: {  	v47 =	vld [tilespmem:s13+$0xFFFFFFA0]  }
0x87: {  	v49 =	vld [tilespmem:s13+$0xFFFFFFB0]  }
0x88: {  	v50 =	vld [tilespmem:s21+$0xFFFFFFA0]  }
0x89: {  	v51 =	vld [tilespmem:s13+$0xFFFFFFC0];
	v48 =	vmul.f32 v0, v14  }
0x8a: {  	v54 =	vld [tilespmem:s21+$0xFFFFFFB0]  }
0x8b: {  	v55 =	vld [tilespmem:s13+$0xFFFFFFD0];
	v2 =	vmul.f32 v2, v48  }
0x8c: {  	v19 =	vmov v57;
	v57 =	vld [tilespmem:s21+$0xFFFFFFC0];
	v39 =	vmul.f32 v39, v47  }
0x8d: {  	v59 =	vld [tilespmem:s12+$0xFFFFFFA0];
	v3 =	vmul.f32 v3, v15;
	[tilespmem:$0x1FE30] =	vst v2;
	v2 =	vmul.f32 v10, v30  }
0x8e: {  	v26 =	vmovc v60;
	v60 =	vld [tilespmem:s13+$0xFFFFFFE0];
	v37 =	vmul.f32 v37, v49;
	v6 =	vmul.f32 v6, v40;
	v39 =	vadd.f32 $0.0e+00, v39  }
0x8f: {  	v44 =	vld [tilespmem:s21+$0x10];
	[tilespmem:$0x1FE40] =	vst v15;
	v15 =	vmov v31;
	v61 =	vmul.f32 v50, v61;
	v7 =	vmul.f32 v7, v43  }
0x90: {  	v35 =	vmul.f32 v35, v51;
	v62 =	vmul.f32 v54, v62;
	v31 =	vmovc v1;
	v37 =	vadd.f32 v37, v39;
	v39 =	vld [tilespmem:s21+$0xFFFFFFD0]  }
0x91: {  	v41 =	vmul.f32 v41, v50;
	v8 =	vmul.f32 v8, v45;
	v61 =	vadd.f32 $0.0e+00, v61;
	[tilespmem:$0x1FE20] =	vst v2;
	v2 =	vmovc v63;
	v63 =	vld [tilespmem:s12+$0xFFFFFFB0]  }
0x92: {  	v1 =	vmovc v12;
	v50 =	vld [tilespmem:s13+$0xFFFFFFF0];
	v33 =	vmul.f32 v33, v55;
	v12 =	vmul.f32 v57, v16;
	v35 =	vadd.f32 v35, v37  }
0x93: {  	v17 =	vmovc v4;
	v54 =	vmul.f32 v59, v54;
	v32 =	vmul.f32 v32, v60;
	v61 =	vadd.f32 v62, v61;
	v62 =	vld [tilespmem:s21+$0xFFFFFFE0]  }
0x94: {  	v47 =	vmul.f32 v47, v53;
	v49 =	vmul.f32 v49, v17;
	v33 =	vadd.f32 v33, v35;
	v35 =	vld [tilespmem:s12+$0xFFFFFFC0]  }
0x95: {  	v55 =	vmul.f32 v55, v26;
	[tilespmem:$0x1FE10] =	vst v3;
	v3 =	vmul.f32 v42, v58;
	v41 =	vadd.f32 $0.0e+00, v41;
	v37 =	vld [tilespmem:s21+$0xFFFFFFF0]  }
0x96: {  	v61 =	vadd.f32 v12, v61;
	v12 =	vmul.f32 v39, v28;
	v57 =	vmul.f32 v63, v57;
	v63 =	vld [tilespmem:s12+$0xFFFFFFD0]  }
0x97: {  	v46 =	vld [tilespmem:s21+$0x0];
	v47 =	vadd.f32 $0.0e+00, v47;
	v58 =	vmul.f32 v51, v1;
	v41 =	vadd.f32 v54, v41  }
0x98: {  	v9 =	vmul.f32 v9, v50;
	v32 =	vadd.f32 v32, v33;
	v54 =	vadd.f32 v12, v61;
	v61 =	vld [tilespmem:s12+$0xFFFFFFE0]  }
0x99: {  	v16 =	vld [tilespmem:$0x1FE70];
	v35 =	vmul.f32 v35, v39;
	v39 =	vmul.f32 v62, v31;
	v41 =	vadd.f32 v57, v41  }
0x9a: {  	v51 =	vld [tilespmem:s12+$0xFFFFFFF0];
	v47 =	vadd.f32 v49, v47;
	v9 =	vadd.f32 v9, v32;
	v57 =	vmul.f32 v37, v19  }
0x9b: {  	v4 =	vld [tilespmem:s12+$0xF8];
	v39 =	vadd.f32 v39, v54;
	v12 =	vadd.f32 v35, v41;
	v53 =	vmul.f32 v63, v62  }
0x9c: {  	v5 =	vld [tilespmem:s12+$0xE8];
	v33 =	vmul.f32 v46, v15;
	v8 =	vadd.f32 v8, v9;
	v54 =	vadd.f32 v58, v47  }
0x9d: {  	v34 =	vld [tilespmem:s21+$0x40];
	v62 =	vmul.f32 v61, v37;
	v63 =	vadd.f32 v57, v39;
	v9 =	vadd.f32 v53, v12  }
0x9e: {  	v38 =	vld [tilespmem:s21+$0x30];
	v59 =	vmul.f32 v44, v16;
	v7 =	vadd.f32 v7, v8;
	v12 =	vadd.f32 v55, v54  }
0x9f: {  	v36 =	vld [tilespmem:s13+$0x30];
	v54 =	vadd.f32 v33, v63;
	v8 =	vadd.f32 v62, v9;
	v9 =	vmul.f32 v51, v46  }
0xa0: {  	v58 =	vld [tilespmem:s12+$0x0];
	v6 =	vadd.f32 v6, v7  }
0xa1: {  	v11 =	vld [tilespmem:s13+$0x40];
	v7 =	vadd.f32 v9, v8;
	v9 =	vadd.f32 v59, v54  }
0xa2: {  	v53 =	vld [tilespmem:s12+$0x10]  }
0xa3: {  	[tilespmem:$0x1FE50] =	vst v14;
	v14 =	vmul.f32 v38, v29;
	v57 =	vld [tilespmem:s12+$0x20];
	v9 =	vadd.f32 v3, v9  }
0xa4: {  	v5 =	vmul.f32 v5, v36;
	v61 =	vmul.f32 v43, v2;
	v2 =	vld [tilespmem:$0x1FE20]  }
0xa5: {  	v48 =	vmul.f32 v34, v25;
	v1 =	vld [tilespmem:$0x1FE10];
	v8 =	vmul.f32 v58, v44;
	v9 =	vadd.f32 v14, v9  }
0xa6: {  	v4 =	vmul.f32 v4, v11;
	v47 =	vmul.f32 v60, v56;
	v60 =	vld [tilespmem:s12+$0x30];
	v5 =	vadd.f32 v5, v6  }
0xa7: {  	v13 =	vld [tilespmem:s21+$0x58];
	v6 =	vadd.f32 v8, v7;
	v7 =	vmul.f32 v53, v42;
	v9 =	vadd.f32 v48, v9  }
0xa8: {  	v56 =	vmul.f32 v50, v18;
	v55 =	vadd.f32 v47, v12;
	v4 =	vadd.f32 v4, v5;
	v8 =	vld [tilespmem:s12+$0x40]  }
0xa9: {  	v20 =	vmovc v27;
	v5 =	vadd.f32 v7, v6;
	v6 =	vmul.f32 v57, v38;
	v9 =	vadd.f32 v2, v9;
	v2 =	vld [tilespmem:$0x1FE30]  }
0xaa: {  	v58 =	vadd.f32 v56, v55;
	v59 =	vmul.f32 v45, v20;
	v7 =	vld [tilespmem:s12+$0x48]  }
0xab: {  	v20 =	vld [tilespmem:$0x1FEB0];
	v3 =	vadd.f32 v1, v4;
	v4 =	vadd.f32 v6, v5;
	v5 =	vmul.f32 v60, v34  }
0xac: {  	v50 =	vld [tilespmem:s12+$0xFFFFFF68];
	v32 =	vadd.f32 v59, v58  }
0xad: {  	s28 =	sadd.s32 $0xA260, s18;
	v52 =	vmul.f32 v13, v52;
	v41 =	vld [tilespmem:s12+$0xFFFFFED8];
	v4 =	vadd.f32 v5, v4;
	v5 =	vmul.f32 v0, v13  }
0xae: {  	v35 =	vld [tilespmem:s28+$0xFFFFFFD0];
	v62 =	vmul.f32 v40, v23;
	v32 =	vadd.f32 v61, v32;
	v2 =	vadd.f32 v2, v3  }
0xaf: {  	v6 =	vld [tilespmem:$0x1FE40];
	v1 =	vmul.f32 v8, v10;
	v3 =	vmul.f32 v7, v5;
	v5 =	vadd.f32 v52, v9  }
0xb0: {  	v39 =	vld [tilespmem:s12+$0xFFFFFEC8];
	v63 =	vmul.f32 v36, v20;
	v32 =	vadd.f32 v62, v32;
	(xrf2) =	vadd.scan.msk.f32 $0xffff, v2  }
0xb1: {  	v1 =	vadd.f32 v1, v4;
	(xrf2) =	vadd.scan.msk.f32 $0xffff, v5;
	v5 =	vld [tilespmem:$0x1FE50]  }
0xb2: {  	v27 =	vmovc v25;
	v25 =	vmov v30;
	v31 =	vmul.f32 v11, v21;
	v37 =	vld [tilespmem:s28+$0xFFFFFFB0];
	v30 =	vadd.f32 v63, v32  }
0xb3: {  	v43 =	vld [tilespmem:s28+$0x30];
	v1 =	vadd.f32 v3, v1  }
0xb4: {  	v46 =	vld [tilespmem:s28+$0x10];
	v7 =	vadd.f32 v31, v30;
	v9 =	vmul.f32 v6, v22  }
0xb5: {  	v40 =	vld [tilespmem:s28+$0x20];
	(xrf2) =	vadd.scan.msk.f32 $0xffff, v1  }
0xb6: {  	v51 =	vld [tilespmem:s28+$0x50];
	v3 =	vadd.f32 v9, v7;
	v5 =	vmul.f32 v5, v24  }
0xb7: {  	v47 =	vld [tilespmem:s28+$0x58]  }
0xb8: {  	v44 =	vld [tilespmem:s12+$0xFFFFFEE8];
	v3 =	vadd.f32 v5, v3  }
0xb9: {  	v45 =	vld [tilespmem:s12+$0xFFFFFF58]  }
0xba: {  	v42 =	vld [tilespmem:s12+$0xFFFFFF48];
	(xrf2) =	vadd.scan.msk.f32 $0xffff, v3  }
0xbb: {  	v53 =	vld [tilespmem:s12+$0xFFFFFF80]  }
0xbc: {  	v38 =	vld [tilespmem:s12+$0xFFFFFF38]  }
0xbd: {  	v36 =	vld [tilespmem:s28+$0xFFFFFFE0];
	v29, _, _ =	vpop (xrf2)  }
0xbe: {  	v34 =	vld [tilespmem:s28+$0xFFFFFFC0];
	v30, _, _ =	vpop (xrf2)  }
0xbf: {  	v3 =	vld [tilespmem:s12+$0x120];
	v31, _, _ =	vpop (xrf2)  }
0xc0: {  	v48 =	vld [tilespmem:s28+$0x40];
	v31 =	vbroadcast v31, $0xF  }
0xc1: {  	v4 =	vld [tilespmem:s12+$0xFFFFFEF8]  }
0xc2: {  	v52 =	vld [tilespmem:s12+$0xFFFFFF78]  }
0xc3: {  	v2 =	vld [tilespmem:s12+$0xFFFFFF08];
	v30 =	vbroadcast v30, $0xF  }
0xc4: {  	v7 =	vld [tilespmem:s28+$0xFFFFFFF0];
	v29 =	vbroadcast v29, $0xF;
	v3 =	vsel vm0, v31, v3;
	v31, _, _ =	vpop (xrf2)  }
0xc5: {  	s19 =	sshll.u32 s17, $0x8;
	v9 =	vld [tilespmem:s12+$0xFFFFFF28];
	v3 =	vsel vm1, v3, v30;
	v30 =	vbroadcast v31, $0xF  }
0xc6: {  	s18 =	sand.u32 $0x3FFFFF00, s19;
	v1 =	vld [tilespmem:s12+$0xFFFFFF18];
	v3 =	vsel vm2, v3, v29  }
0xc7: {  	s18 =	sadd.s32 $0x13990, s18;
	v5 =	vld [tilespmem:s28+$0x0];
	v3 =	vsel vm3, v3, v30  }
0xc8: {  	s19 =	sadd.s32 $0x280, s12;
	v31 =	vld [tilespmem:s28+$0xFFFFFFA0];
	[tilespmem:s18+$0x0] =	vst v3  }
0xc9: {  	v12 =	vld [tilespmem:s19+$0x110]  }
0xca: {  	v13 =	vld [tilespmem:s19+$0x108]  }
0xcb: {  	v14 =	vld [tilespmem:s19+$0xF8]  }
0xcc: {  	v6 =	vld [tilespmem:s19+$0xE8]  }
0xcd: {  	v8 =	vld [tilespmem:s19+$0xD8]  }
0xce: {  	s13 =	sadd.s32 $0xC8, s13;
	v11 =	vld [tilespmem:s19+$0xC8]  }
0xcf: {  	v29 =	vld [tilespmem:s13+$0x58]  }
0xd0: {  	v10 =	vld [tilespmem:s19+$0xB8];
	v3 =	vmul.f32 v39, v31  }
0xd1: {  	v30 =	vld [tilespmem:s13+$0x50]  }
0xd2: {  	s29 =	sadd.s32 $0xC8, s21;
	v63 =	vmul.f32 v41, v37;
	v56 =	vld [tilespmem:s19+$0xA8];
	v3 =	vadd.f32 $0.0e+00, v3  }
0xd3: {  	v33 =	vld [tilespmem:s29+$0x50]  }
0xd4: {  	v34 =	vmul.f32 v44, v34;
	v55 =	vld [tilespmem:s19+$0x98];
	v3 =	vadd.f32 v63, v3  }
0xd5: {  	v32 =	vld [tilespmem:s13+$0x40]  }
0xd6: {  	v4 =	vmul.f32 v4, v35;
	v57 =	vld [tilespmem:s19+$0x88];
	v3 =	vadd.f32 v34, v3  }
0xd7: {  	v35 =	vld [tilespmem:s29+$0x40]  }
0xd8: {  	v2 =	vmul.f32 v2, v36;
	v61 =	vld [tilespmem:s19+$0x78];
	v4 =	vadd.f32 v4, v3  }
0xd9: {  	v37 =	vld [tilespmem:s29+$0x30]  }
0xda: {  	v1 =	vmul.f32 v1, v7;
	v28 =	vld [tilespmem:s19+$0x58];
	v2 =	vadd.f32 v2, v4  }
0xdb: {  	v36 =	vld [tilespmem:s13+$0x20]  }
0xdc: {  	v41 =	vld [tilespmem:s29+$0x20];
	v4 =	vmul.f32 v9, v5;
	v1 =	vadd.f32 v1, v2  }
0xdd: {  	v44 =	vld [tilespmem:s13+$0x0]  }
0xde: {  	v49 =	vld [tilespmem:s29+$0x0];
	v2 =	vmul.f32 v38, v46;
	v1 =	vadd.f32 v4, v1  }
0xdf: {  	v54 =	vld [tilespmem:s29+$0xFFFFFFF0]  }
0xe0: {  	v7 =	vmul.f32 v52, v51;
	v52 =	vld [tilespmem:s13+$0xFFFFFFE0];
	v4 =	vmul.f32 v42, v40;
	v1 =	vadd.f32 v2, v1  }
0xe1: {  	v60 =	vld [tilespmem:s29+$0xFFFFFFE0]  }
0xe2: {  	v31 =	vld [tilespmem:s29+$0x58];
	v2 =	vmul.f32 v45, v43;
	v1 =	vadd.f32 v4, v1  }
0xe3: {  	v39 =	vld [tilespmem:s13+$0x10]  }
0xe4: {  	v63 =	vld [tilespmem:s19+$0xFFFFFF90];
	v1 =	vadd.f32 v2, v1;
	v2 =	vmul.f32 v0, v29  }
0xe5: {  	v46 =	vld [tilespmem:s29+$0x10]  }
0xe6: {  	v42 =	vmul.f32 v12, v2;
	v2 =	vld [tilespmem:$0x1FFB0]  }
0xe7: {  	v34 =	vld [tilespmem:s13+$0x30]  }
0xe8: {  	v58 =	vmul.f32 v8, v36;
	v8 =	vld [tilespmem:s29+$0xFFFFFFB0]  }
0xe9: {  	v3 =	vld [tilespmem:s19+$0x68];
	v5 =	vmul.f32 v50, v48  }
0xea: {  	v26 =	vmov v16;
	v59 =	vmul.f32 v46, v16;
	v16 =	vld [tilespmem:$0x1FE60];
	v4 =	vmul.f32 v0, v47  }
0xeb: {  	v38 =	vmul.f32 v31, v2;
	v2 =	vld [tilespmem:$0x1FFE0]  }
0xec: {  	v9 =	vmul.f32 v53, v4;
	v53 =	vmul.f32 v6, v34;
	v6 =	vld [tilespmem:$0x1FFF0];
	v1 =	vadd.f32 v5, v1  }
0xed: {  	v5 =	vld [tilespmem:s13+$0xFFFFFFA0]  }
0xee: {  	v62 =	vmul.f32 v11, v39;
	v47 =	vld [tilespmem:s13+$0xFFFFFFF0];
	v1 =	vadd.f32 v7, v1  }
0xef: {  	v50 =	vmul.f32 v14, v32;
	v40 =	vmul.f32 v33, v25;
	v4 =	vld [tilespmem:s13+$0xFFFFFFB0]  }
0xf0: {  	v43 =	vmul.f32 v13, v30;
	v7 =	vld [tilespmem:s29+$0xFFFFFFA0];
	v25 =	vmovc v2;
	v48 =	vmul.f32 v37, v2;
	v2 =	vadd.f32 v9, v1  }
0xf1: {  	p1 =	por p2, p2;
	v19 =	vmov v18;
	v45 =	vmul.f32 v35, v27;
	v51 =	vmul.f32 v41, v6;
	v1 =	vld [tilespmem:s13+$0xFFFFFFC0]  }
0xf2: {  	s30 =	simm.s32 $0x2;
	s21 =	simm.s32 $0x0;
	s12 =	simm.s32 $0x1;
	v27 =	vmovc v6;
	v6 =	vmul.f32 v10, v44;
	v9 =	vmul.f32 v28, v5;
	v28 =	vimm.f32 $0.0e+00;
	(xrf2) =	vadd.scan.msk.f32 $0xffff, v2;
	v2 =	vld [tilespmem:s13+$0xFFFFFFD0]  }
.LBB2_4:
0xf3: {  	_ =	sdelay $0x1  }
0xf4: {  	v12 =	vmul.f32 v7, v16;
	v16 =	vld [tilespmem:$0x1FF60];
	_ =	sdelay $0x3  }
0xf5: {  	v10 =	vld [tilespmem:s29+$0xFFFFFFC0];
	v9 =	vadd.f32 $0.0e+00, v9;
	v3 =	vmul.f32 v3, v4  }
0xf6: {  	v13 =	vld [tilespmem:s19+$0xFFFFFFA0];
	v12 =	vadd.f32 $0.0e+00, v12;
	v16 =	vmul.f32 v8, v16  }
0xf7: {  	v17 =	vld [tilespmem:s19+$0xFFFFFFB0];
	v3 =	vadd.f32 v3, v9;
	v9 =	vmul.f32 v61, v1  }
0xf8: {  	v12 =	vadd.f32 v16, v12;
	v16 =	vld [tilespmem:$0x1FF70]  }
0xf9: {  	v7 =	vmul.f32 v63, v7;
	v3 =	vadd.f32 v9, v3;
	v9 =	vmul.f32 v57, v2;
	_ =	sdelay $0x1  }
0xfa: {  	v7 =	vadd.f32 $0.0e+00, v7;
	v8 =	vmul.f32 v13, v8;
	v3 =	vadd.f32 v9, v3;
	v9 =	vld [tilespmem:$0x1FF90];
	_ =	sdelay $0x1  }
0xfb: {  	v7 =	vadd.f32 v8, v7;
	v8 =	vmul.f32 v17, v10;
	v16 =	vmul.f32 v10, v16;
	v10 =	vld [tilespmem:$0x1FF40];
	_ =	sdelay $0x2  }
0xfc: {  	v5 =	vmul.f32 v5, v9;
	_ =	sdelay $0x1  }
0xfd: {  	v5 =	vadd.f32 $0.0e+00, v5;
	v4 =	vmul.f32 v4, v10;
	_ =	sdelay $0x1  }
0xfe: {  	v4 =	vadd.f32 v4, v5;
	v5 =	vld [tilespmem:$0x1FF50];
	_ =	sdelay $0x4  }
0xff: {  	v1 =	vmul.f32 v1, v5;
	_ =	sdelay $0x1  }
0x100: {  	v1 =	vadd.f32 v1, v4;
	v4 =	vld [tilespmem:$0x1FF30];
	_ =	sdelay $0x4  }
0x101: {  	v2 =	vmul.f32 v2, v4;
	_ =	sdelay $0x1  }
0x102: {  	v1 =	vadd.f32 v2, v1;
	v2 =	vld [tilespmem:$0x1FF20]  }
0x103: {  	v61 =	vld [tilespmem:s29+$0xFFFFFFD0]  }
0x104: {  	v9 =	vadd.f32 v16, v12;
	v12 =	vld [tilespmem:$0x1FF80];
	_ =	sdelay $0x1  }
0x105: {  	v18 =	vld [tilespmem:$0x1FFA0]  }
0x106: {  	v63 =	vld [tilespmem:s19+$0xFFFFFFC0];
	v2 =	vmul.f32 v52, v2  }
0x107: {  	v15 =	vld [tilespmem:$0x1FF00];
	v55 =	vmul.f32 v55, v52  }
0x108: {  	v13 =	vld [tilespmem:s19+$0xFFFFFFD0];
	v12 =	vmul.f32 v61, v12;
	v1 =	vadd.f32 v2, v1;
	v2 =	vmul.f32 v47, v19  }
0x109: {  	v14 =	vmul.f32 v56, v47;
	v3 =	vadd.f32 v55, v3;
	v10 =	vld [tilespmem:s19+$0xFFFFFFE0]  }
0x10a: {  	v18 =	vmul.f32 v60, v18;
	v9 =	vadd.f32 v12, v9;
	v1 =	vadd.f32 v2, v1;
	v2 =	vld [tilespmem:$0x1FEF0]  }
0x10b: {  	v11 =	vld [tilespmem:$0x1FEE0];
	v7 =	vadd.f32 v8, v7;
	v8 =	vmul.f32 v63, v61  }
0x10c: {  	v15 =	vmul.f32 v54, v15;
	v3 =	vadd.f32 v14, v3;
	v5 =	vadd.f32 v18, v9;
	v9 =	vld [tilespmem:s19+$0xFFFFFFF0]  }
0x10d: {  	v7 =	vadd.f32 v8, v7;
	v8 =	vmul.f32 v13, v60  }
0x10e: {  	v3 =	vadd.f32 v6, v3;
	v4 =	vadd.f32 v15, v5;
	v5 =	vld [tilespmem:s19+$0x0]  }
0x10f: {  	v6 =	vadd.f32 v8, v7;
	v7 =	vmul.f32 v10, v54;
	v2 =	vmul.f32 v44, v2  }
0x110: {  	v11 =	vmul.f32 v49, v11;
	v8 =	vld [tilespmem:s19+$0x10];
	v3 =	vadd.f32 v62, v3  }
0x111: {  	v6 =	vadd.f32 v7, v6;
	v7 =	vmul.f32 v9, v49;
	v1 =	vadd.f32 v2, v1;
	v2 =	vld [tilespmem:$0x1FF10]  }
0x112: {  	v9 =	vld [tilespmem:s19+$0x20];
	v4 =	vadd.f32 v11, v4  }
0x113: {  	v3 =	vadd.f32 v58, v3;
	v6 =	vadd.f32 v7, v6;
	v5 =	vmul.f32 v5, v46  }
0x114: {  	v7 =	vld [tilespmem:s19+$0x30];
	v4 =	vadd.f32 v59, v4  }
0x115: {  	v3 =	vadd.f32 v53, v3;
	v5 =	vadd.f32 v5, v6;
	v6 =	vmul.f32 v8, v41  }
0x116: {  	s28 =	sadd.s32 $0xC8, s28;
	v4 =	vadd.f32 v51, v4;
	v8 =	vld [tilespmem:s19+$0x40];
	v2 =	vmul.f32 v39, v2  }
0x117: {  	v17 =	vld [tilespmem:s28+$0x40];
	v3 =	vadd.f32 v50, v3;
	v5 =	vadd.f32 v6, v5;
	v6 =	vmul.f32 v9, v37  }
0x118: {  	v4 =	vadd.f32 v48, v4;
	v9 =	vld [tilespmem:s19+$0x48];
	v1 =	vadd.f32 v2, v1;
	v2 =	vmul.f32 v36, v23  }
0x119: {  	v55 =	vld [tilespmem:s28+$0xFFFFFFD0];
	v3 =	vadd.f32 v43, v3;
	v5 =	vadd.f32 v6, v5;
	v6 =	vmul.f32 v7, v35  }
0x11a: {  	v63 =	vld [tilespmem:s28+$0xFFFFFFA0];
	v4 =	vadd.f32 v45, v4;
	v1 =	vadd.f32 v2, v1;
	v2 =	vmul.f32 v34, v20  }
0x11b: {  	v11 =	vld [tilespmem:s28+$0xFFFFFFB0];
	v5 =	vadd.f32 v6, v5;
	v6 =	vmul.f32 v8, v33;
	v8 =	vmul.f32 v0, v31  }
0x11c: {  	v7 =	vld [tilespmem:s19+$0xFFFFFED8];
	v4 =	vadd.f32 v40, v4;
	v1 =	vadd.f32 v2, v1;
	v2 =	vmul.f32 v32, v21  }
0x11d: {  	v60 =	vld [tilespmem:s19+$0xFFFFFF58];
	v3 =	vadd.f32 v42, v3;
	v5 =	vadd.f32 v6, v5;
	v6 =	vmul.f32 v9, v8  }
0x11e: {  	v58 =	vld [tilespmem:s19+$0xFFFFFF48];
	v4 =	vadd.f32 v38, v4;
	v1 =	vadd.f32 v2, v1;
	v2 =	vmul.f32 v30, v22  }
0x11f: {  	v56 =	vmov s21;
	v57, _, _ =	vpop (xrf2);
	(xrf2) =	vadd.scan.msk.f32 $0xffff, v3;
	v9 =	vld [tilespmem:s19+$0xFFFFFEF8];
	v5 =	vadd.f32 v6, v5  }
0x120: {  	v61 =	vld [tilespmem:s19+$0xFFFFFF68];
	(xrf2) =	vadd.scan.msk.f32 $0xffff, v4;
	v4 =	vlaneseq.u32;
	v1 =	vadd.f32 v2, v1;
	v2 =	vmul.f32 v29, v24  }
0x121: {  	vm4 =	veq.s32 v56, v4;
	v4 =	vmul.f32 v7, v11;
	v7 =	vld [tilespmem:s28+$0xFFFFFFE0];
	(xrf2) =	vadd.scan.msk.f32 $0xffff, v5  }
0x122: {  	v6 =	vld [tilespmem:s19+$0xFFFFFF08];
	v1 =	vadd.f32 v2, v1  }
0x123: {  	v11 =	vld [tilespmem:s19+$0xFFFFFF28]  }
0x124: {  	v2 =	vmul.f32 v9, v55;
	v9 =	vld [tilespmem:s28+$0x0];
	(xrf2) =	vadd.scan.msk.f32 $0xffff, v1  }
0x125: {  	v10 =	vld [tilespmem:s19+$0xFFFFFEC8]  }
0x126: {  	v54 =	vld [tilespmem:s28+$0xFFFFFFC0];
	v8 =	vbroadcast v57, $0xF  }
0x127: {  	v15 =	vld [tilespmem:s28+$0x30]  }
0x128: {  	v28 =	vsel vm4, v8, v28;
	v8 =	vld [tilespmem:s28+$0xFFFFFFF0]  }
0x129: {  	v1 =	vmul.f32 v6, v7;
	v7, _, _ =	vpop (xrf2);
	v9 =	vmul.f32 v11, v9;
	v11 =	vld [tilespmem:s19+$0x120]  }
0x12a: {  	v5 =	vld [tilespmem:s19+$0xFFFFFF18];
	v59, _, _ =	vpop (xrf2)  }
0x12b: {  	v18 =	vld [tilespmem:s28+$0x50];
	v16, _, _ =	vpop (xrf2)  }
0x12c: {  	v3 =	vld [tilespmem:s19+$0xFFFFFEE8];
	v29 =	vbroadcast v16, $0xF  }
0x12d: {  	v12 =	vmul.f32 v60, v15;
	v15 =	vld [tilespmem:s28+$0x58];
	v14 =	vbroadcast v59, $0xF  }
0x12e: {  	v57 =	vld [tilespmem:s19+$0xFFFFFF38];
	v7 =	vbroadcast v7, $0xF;
	v11 =	vsel vm0, v29, v11;
	v16, _, _ =	vpop (xrf2)  }
0x12f: {  	v5 =	vmul.f32 v5, v8;
	v8 =	vld [tilespmem:s28+$0x20];
	v11 =	vsel vm1, v11, v14;
	v62 =	vbroadcast v16, $0xF  }
0x130: {  	v29 =	vld [tilespmem:s19+$0xFFFFFF78];
	v7 =	vsel vm2, v11, v7  }
0x131: {  	s18 =	sadd.s32 $0x10, s18;
	v6 =	vld [tilespmem:s28+$0x10];
	v7 =	vsel vm3, v7, v62  }
0x132: {  	v11 =	vld [tilespmem:s19+$0xFFFFFF80];
	s19 =	sadd.s32 $0x280, s19;
	[tilespmem:s18+$0x0] =	vst v7  }
0x133: {  	v7 =	vld [tilespmem:s19+$0x110]  }
0x134: {  	v16 =	vld [tilespmem:s19+$0x108]  }
0x135: {  	v13 =	vmul.f32 v61, v17;
	v17 =	vmul.f32 v29, v18;
	v18 =	vld [tilespmem:s19+$0xF8]  }
0x136: {  	v51 =	vld [tilespmem:s19+$0xE8]  }
0x137: {  	v8 =	vmul.f32 v58, v8;
	v58 =	vld [tilespmem:s19+$0xD8]  }
0x138: {  	s13 =	sadd.s32 $0xC8, s13;
	v15 =	vmul.f32 v0, v15;
	v14 =	vld [tilespmem:s19+$0xC8]  }
0x139: {  	v29 =	vld [tilespmem:s13+$0x58]  }
0x13a: {  	v10 =	vmul.f32 v10, v63;
	v11 =	vmul.f32 v11, v15;
	v15 =	vld [tilespmem:s19+$0xB8]  }
0x13b: {  	s29 =	sadd.s32 $0xC8, s29;
	v30 =	vld [tilespmem:s13+$0x50]  }
0x13c: {  	v10 =	vadd.f32 $0.0e+00, v10;
	v31 =	vld [tilespmem:s29+$0x58]  }
0x13d: {  	v56 =	vld [tilespmem:s19+$0xA8]  }
0x13e: {  	v3 =	vmul.f32 v3, v54;
	v4 =	vadd.f32 v4, v10;
	v33 =	vld [tilespmem:s29+$0x50]  }
0x13f: {  	v55 =	vld [tilespmem:s19+$0x98]  }
0x140: {  	v3 =	vadd.f32 v3, v4;
	v32 =	vld [tilespmem:s13+$0x40]  }
0x141: {  	v6 =	vmul.f32 v57, v6;
	v57 =	vld [tilespmem:s19+$0x88]  }
0x142: {  	v2 =	vadd.f32 v2, v3;
	v35 =	vld [tilespmem:s29+$0x40]  }
0x143: {  	v61 =	vld [tilespmem:s19+$0x78]  }
0x144: {  	v1 =	vadd.f32 v1, v2;
	v34 =	vld [tilespmem:s13+$0x30]  }
0x145: {  	v3 =	vld [tilespmem:s19+$0x68]  }
0x146: {  	v1 =	vadd.f32 v5, v1;
	v37 =	vld [tilespmem:s29+$0x30]  }
0x147: {  	v2 =	vld [tilespmem:s19+$0x58]  }
0x148: {  	v1 =	vadd.f32 v9, v1;
	v36 =	vld [tilespmem:s13+$0x20]  }
0x149: {  	v63 =	vld [tilespmem:s19+$0xFFFFFF90]  }
0x14a: {  	v1 =	vadd.f32 v6, v1;
	v41 =	vld [tilespmem:s29+$0x20]  }
0x14b: {  	v39 =	vld [tilespmem:s13+$0x10]  }
0x14c: {  	v1 =	vadd.f32 v8, v1;
	v46 =	vld [tilespmem:s29+$0x10]  }
0x14d: {  	v44 =	vld [tilespmem:s13+$0x0]  }
0x14e: {  	v1 =	vadd.f32 v12, v1;
	v49 =	vld [tilespmem:s29+$0x0]  }
0x14f: {  	v47 =	vld [tilespmem:s13+$0xFFFFFFF0]  }
0x150: {  	v1 =	vadd.f32 v13, v1;
	v54 =	vld [tilespmem:s29+$0xFFFFFFF0];
	v4 =	vmul.f32 v0, v29  }
0x151: {  	v52 =	vld [tilespmem:s13+$0xFFFFFFE0]  }
0x152: {  	v1 =	vadd.f32 v17, v1;
	v42 =	vmul.f32 v7, v4;
	v4 =	vld [tilespmem:$0x1FFC0]  }
0x153: {  	v5 =	vld [tilespmem:s13+$0xFFFFFFA0]  }
0x154: {  	v60 =	vld [tilespmem:s29+$0xFFFFFFE0];
	v1 =	vadd.f32 v11, v1  }
0x155: {  	v8 =	vld [tilespmem:s29+$0xFFFFFFB0]  }
0x156: {  	v43 =	vmul.f32 v16, v30;
	(xrf2) =	vadd.scan.msk.f32 $0xffff, v1;
	v1 =	vld [tilespmem:$0x1FFD0]  }
0x157: {  	p2 =	sne.s32 s30, $0xF;
	v50 =	vmul.f32 v18, v32;
	v40 =	vmul.f32 v33, v4;
	v4 =	vld [tilespmem:$0x1FFB0]  }
.Ltmp2:
0x158: {  	v16 =	vld [tilespmem:$0x1FE60];
	v48 =	vmul.f32 v37, v25;
	v53 =	vmul.f32 v51, v34;
	(pc) =	sbr.rel @p2 .LBB2_4-.Ltmp2, $4  }
0x159: {  	v51 =	vmul.f32 v41, v27;
	v9 =	vmul.f32 v2, v5;
	v2 =	vld [tilespmem:s13+$0xFFFFFFD0]  }
0x15a: {  	v58 =	vmul.f32 v58, v36;
	v62 =	vmul.f32 v14, v39;
	v7 =	vld [tilespmem:s29+$0xFFFFFFA0]  }
0x15b: {  	v6 =	vmul.f32 v15, v44;
	v45 =	vmul.f32 v35, v1;
	v1 =	vld [tilespmem:s13+$0xFFFFFFC0]  }
0x15c: {  	s21 =	smov.u32 s12;
	s12 =	smov.u32 s30;
	s30 =	sadd.s32 $0x1, s30;
	v59 =	vmul.f32 v46, v26;
	v38 =	vmul.f32 v31, v4;
	v4 =	vld [tilespmem:s13+$0xFFFFFFB0]  }
0x15d: {  	v10 =	vld [tilespmem:s29+$0xFFFFFFC0]  }
0x15e: {  	v11 =	vld [tilespmem:s19+$0xFFFFFFA0]  }
0x15f: {  	v12 =	vld [tilespmem:s29+$0xFFFFFFD0]  }
0x160: {  	v13 =	vld [tilespmem:s19+$0xFFFFFFB0]  }
0x161: {  	v14 =	vld [tilespmem:s19+$0xFFFFFFC0]  }
0x162: {  	v26 =	vld [tilespmem:$0x1FF60]  }
0x163: {  	v16 =	vmul.f32 v7, v16;
	v7 =	vmul.f32 v63, v7;
	v63 =	vld [tilespmem:$0x1FF90]  }
0x164: {  	v15 =	vld [tilespmem:s19+$0xFFFFFFD0]  }
0x165: {  	v9 =	vadd.f32 $0.0e+00, v9;
	v17 =	vld [tilespmem:s19+$0xFFFFFFE0];
	v3 =	vmul.f32 v3, v4  }
0x166: {  	v18 =	vld [tilespmem:s19+$0xFFFFFFF0]  }
0x167: {  	v3 =	vadd.f32 v3, v9;
	v9 =	vmul.f32 v61, v1;
	v61 =	vmul.f32 v8, v26;
	v26 =	vld [tilespmem:s19+$0x0]  }
0x168: {  	v16 =	vadd.f32 $0.0e+00, v16;
	v5 =	vmul.f32 v5, v63;
	v63 =	vld [tilespmem:$0x1FF80]  }
0x169: {  	v8 =	vmul.f32 v11, v8;
	v11 =	vld [tilespmem:s19+$0x20]  }
0x16a: {  	v3 =	vadd.f32 v9, v3;
	v9 =	vmul.f32 v57, v2;
	v16 =	vadd.f32 v61, v16;
	v61 =	vld [tilespmem:$0x1FF70]  }
0x16b: {  	v7 =	vadd.f32 $0.0e+00, v7;
	v57 =	vld [tilespmem:s19+$0x10]  }
0x16c: {  	v55 =	vmul.f32 v55, v52;
	v3 =	vadd.f32 v9, v3;
	v9 =	vld [tilespmem:s19+$0x30]  }
0x16d: {  	v7 =	vadd.f32 v8, v7;
	v8 =	vmul.f32 v12, v63;
	v63 =	vld [tilespmem:$0x1FF40]  }
0x16e: {  	v56 =	vmul.f32 v56, v47;
	v3 =	vadd.f32 v55, v3;
	v55 =	vld [tilespmem:$0x1FF50]  }
0x16f: {  	v61 =	vmul.f32 v10, v61;
	v10 =	vmul.f32 v13, v10;
	v13 =	vld [tilespmem:s19+$0xFFFFFEC8]  }
0x170: {  	v3 =	vadd.f32 v56, v3;
	v56 =	vld [tilespmem:$0x1FEE0]  }
0x171: {  	v16 =	vadd.f32 v61, v16;
	v61 =	vld [tilespmem:s19+$0x40]  }
0x172: {  	v4 =	vmul.f32 v4, v63;
	v63 =	vld [tilespmem:s19+$0x48]  }
0x173: {  	s13 =	sadd.s32 $0xC8, s28;
	v8 =	vadd.f32 v8, v16;
	v16 =	vld [tilespmem:$0x1FFA0]  }
0x174: {  	v12 =	vmul.f32 v14, v12;
	v7 =	vadd.f32 v10, v7;
	v10 =	vld [tilespmem:s13+$0xFFFFFFB0]  }
0x175: {  	v3 =	vadd.f32 v6, v3;
	v6 =	vld [tilespmem:s13+$0xFFFFFFC0]  }
0x176: {  	v7 =	vadd.f32 v12, v7;
	v12 =	vmul.f32 v15, v60;
	v15 =	vld [tilespmem:s13+$0xFFFFFFD0]  }
0x177: {  	v3 =	vadd.f32 v62, v3;
	[tilespmem:$0x1FE00] =	vst v63;
	v63 =	vld [tilespmem:$0x1FF00]  }
0x178: {  	v5 =	vadd.f32 $0.0e+00, v5;
	v16 =	vmul.f32 v60, v16;
	v60 =	vld [tilespmem:$0x1FF30]  }
0x179: {  	v62 =	vld [tilespmem:s19+$0xFFFFFF18];
	v3 =	vadd.f32 v58, v3  }
0x17a: {  	v4 =	vadd.f32 v4, v5;
	v5 =	vld [tilespmem:s13+$0xFFFFFFA0]  }
0x17b: {  	v1 =	vmul.f32 v1, v55;
	v3 =	vadd.f32 v53, v3;
	v8 =	vadd.f32 v16, v8;
	v16 =	vld [tilespmem:s19+$0xFFFFFED8]  }
0x17c: {  	v58 =	vld [tilespmem:$0x1FE00];
	v14 =	vmul.f32 v54, v63  }
0x17d: {  	v1 =	vadd.f32 v1, v4;
	v3 =	vadd.f32 v50, v3;
	v50 =	vld [tilespmem:$0x1FF10];
	v2 =	vmul.f32 v2, v60  }
0x17e: {  	v7 =	vadd.f32 v12, v7;
	v4 =	vadd.f32 v14, v8;
	v8 =	vld [tilespmem:s19+$0xFFFFFEE8];
	v14 =	vmul.f32 v17, v54  }
0x17f: {  	v1 =	vadd.f32 v2, v1;
	v2 =	vmul.f32 v13, v5;
	v54 =	vld [tilespmem:$0x1FF20]  }
0x180: {  	v5 =	vld [tilespmem:s19+$0xFFFFFEF8];
	v10 =	vmul.f32 v16, v10;
	v16 =	vmul.f32 v18, v49;
	v7 =	vadd.f32 v14, v7  }
0x181: {  	[tilespmem:$0x1FDF0] =	vst v26;
	v13 =	vld [tilespmem:s13+$0xFFFFFFE0]  }
0x182: {  	v12 =	vmul.f32 v49, v56;
	v7 =	vadd.f32 v16, v7;
	v16 =	vld [tilespmem:$0x1FDF0]  }
0x183: {  	v17 =	vld [tilespmem:s13+$0x0];
	v2 =	vadd.f32 $0.0e+00, v2  }
0x184: {  	v4 =	vadd.f32 v12, v4;
	v14 =	vld [tilespmem:s19+$0xFFFFFF08];
	v12 =	vmul.f32 v52, v54  }
0x185: {  	v3 =	vadd.f32 v43, v3;
	v49 =	vld [tilespmem:s13+$0x20];
	v2 =	vadd.f32 v10, v2;
	v6 =	vmul.f32 v8, v6  }
0x186: {  	v11 =	vmul.f32 v11, v37;
	v4 =	vadd.f32 v59, v4;
	v1 =	vadd.f32 v12, v1;
	v12 =	vld [tilespmem:s13+$0xFFFFFFF0]  }
0x187: {  	v5 =	vmul.f32 v5, v15;
	v2 =	vadd.f32 v6, v2;
	v16 =	vmul.f32 v16, v46;
	v46 =	vld [tilespmem:$0x1FEF0]  }
0x188: {  	v9 =	vmul.f32 v9, v35;
	v53 =	vmul.f32 v61, v33;
	v4 =	vadd.f32 v51, v4;
	v6 =	vld [tilespmem:s19+$0xFFFFFF28]  }
0x189: {  	v3 =	vadd.f32 v42, v3;
	v15 =	vld [tilespmem:s13+$0x10];
	v13 =	vmul.f32 v14, v13;
	v2 =	vadd.f32 v5, v2  }
0x18a: {  	v59 =	vmul.f32 v47, v19;
	v14 =	vmul.f32 v57, v41;
	v4 =	vadd.f32 v48, v4;
	v5 =	vld [tilespmem:s19+$0xFFFFFF38]  }
0x18b: {  	v52 =	vld [tilespmem:s13+$0x40];
	v7 =	vadd.f32 v16, v7;
	v2 =	vadd.f32 v13, v2;
	v10 =	vmul.f32 v62, v12  }
0x18c: {  	v1 =	vadd.f32 v59, v1;
	v4 =	vadd.f32 v45, v4;
	v13 =	vld [tilespmem:s19+$0xFFFFFF48];
	v47 =	vmul.f32 v44, v46  }
0x18d: {  	v51 =	vld [tilespmem:s19+$0xFFFFFF58];
	v6 =	vmul.f32 v6, v17;
	v7 =	vadd.f32 v14, v7;
	v2 =	vadd.f32 v10, v2  }
0x18e: {  	v12 =	vmul.f32 v39, v50;
	v4 =	vadd.f32 v40, v4;
	v14 =	vld [tilespmem:s13+$0x30];
	v1 =	vadd.f32 v47, v1  }
0x18f: {  	v16 =	vld [tilespmem:s13+$0x58];
	v5 =	vmul.f32 v5, v15;
	v7 =	vadd.f32 v11, v7;
	v2 =	vadd.f32 v6, v2  }
0x190: {  	v15 =	vmul.f32 v0, v31;
	v6 =	vld [tilespmem:s19+$0xFFFFFF68];
	v1 =	vadd.f32 v12, v1;
	v12 =	vmul.f32 v36, v23  }
0x191: {  	v8 =	vmul.f32 v13, v49;
	v7 =	vadd.f32 v9, v7;
	v2 =	vadd.f32 v5, v2;
	v5 =	vld [tilespmem:s19+$0xFFFFFF78]  }
0x192: {  	v13 =	vmul.f32 v34, v20;
	v9 =	vmul.f32 v58, v15;
	v1 =	vadd.f32 v12, v1;
	v12 =	vld [tilespmem:s13+$0x50]  }
0x193: {  	v10 =	vmul.f32 v51, v14;
	v7 =	vadd.f32 v53, v7;
	v2 =	vadd.f32 v8, v2  }
0x194: {  	v57 =	vmul.f32 v32, v21;
	v4 =	vadd.f32 v38, v4;
	v1 =	vadd.f32 v13, v1;
	v13 =	vld [tilespmem:s19+$0xFFFFFF80]  }
0x195: {  	(xrf2) =	vadd.scan.msk.f32 $0xffff, v3;
	v6 =	vmul.f32 v6, v52;
	v7 =	vadd.f32 v9, v7;
	v2 =	vadd.f32 v10, v2  }
0x196: {  	v62 =	vmul.f32 v30, v22;
	(xrf2) =	vadd.scan.msk.f32 $0xffff, v4;
	v1 =	vadd.f32 v57, v1  }
0x197: {  	(xrf2) =	vadd.scan.msk.f32 $0xffff, v7;
	v2 =	vadd.f32 v6, v2;
	v3 =	vmul.f32 v5, v12;
	v5 =	vmul.f32 v0, v16  }
0x198: {  	v4 =	vmul.f32 v29, v24;
	v1 =	vadd.f32 v62, v1  }
0x199: {  	v5 =	vmul.f32 v13, v5;
	v2 =	vadd.f32 v3, v2  }
0x19a: {  	v1 =	vadd.f32 v4, v1  }
0x19b: {  	v2 =	vadd.f32 v5, v2  }
0x19c: {  	(xrf2) =	vadd.scan.msk.f32 $0xffff, v1  }
0x19d: {  	(xrf2) =	vadd.scan.msk.f32 $0xffff, v2  }
0x19e: {  	v1, _, _ =	vpop (xrf2)  }
0x19f: {  	v2, _, _ =	vpop (xrf2)  }
0x1a0: {  	v4, _, _ =	vpop (xrf2)  }
0x1a1: {  	v3 =	vld [tilespmem:s19+$0x120];
	v5, _, _ =	vpop (xrf2)  }
0x1a2: {  	v61 =	vld [tilespmem:$0x1FE60];
	v5 =	vbroadcast v5, $0xF  }
0x1a3: {  	v30 =	vld [tilespmem:$0x1FFC0]  }
0x1a4: {  	v29 =	vmov v25;
	v25 =	vld [tilespmem:$0x1FFD0]  }
0x1a5: {  	v53 =	vld [tilespmem:$0x1FF90];
	v7 =	vlaneseq.u32;
	v6 =	vmov s21;
	v4 =	vbroadcast v4, $0xF  }
0x1a6: {  	v52 =	vld [tilespmem:$0x1FFB0];
	vm4 =	veq.s32 v6, v7;
	v2 =	vbroadcast v2, $0xF;
	v3 =	vsel vm0, v5, v3;
	v5, _, _ =	vpop (xrf2)  }
.Ltmp3:
0x1a7: {  	v16 =	vld [tilespmem:$0x1FF70];
	v1 =	vbroadcast v1, $0xF;
	v3 =	vsel vm1, v3, v4;
	v4 =	vbroadcast v5, $0xF;
	v5, _, _ =	vpop (xrf2);
	(pc) =	sbr.rel @p1 .LBB2_3-.Ltmp3, $4  }
0x1a8: {  	v62 =	vld [tilespmem:$0x1FF60];
	v2 =	vsel vm2, v3, v2;
	v3 =	vmov s12;
	v5 =	vbroadcast v5, $0xF  }
0x1a9: {  	s28 =	sadd.s32 $0x10, s18;
	s29 =	sshll.u32 s17, $0x4;
	v1 =	vsel vm4, v1, v28;
	v28 =	vld [tilespmem:$0x1FF80];
	vm4 =	veq.s32 v3, v7;
	v2 =	vsel vm3, v2, v4  }
0x1aa: {  	s30 =	sand.u32 $0x3FFFFFF0, s29;
	v18 =	vmovc v19;
	v31 =	vmov v56;
	v56 =	vmov v54;
	v4 =	vld [tilespmem:$0x1FF40];
	[tilespmem:s28+$0x0] =	vst v2;
	v1 =	vsel vm4, v5, v1  }
0x1ab: {  	s17 =	simm.s32 $0x1;
	p2 =	por $0x0, $0x0;
	v58 =	vmovc v27;
	v27 =	vmovc v46;
	v57 =	vmov v63;
	v63 =	vmov v50;
	v12 =	vmov v55;
	[tilespmem:s30+$0x13D90] =	vst v1;
	v1 =	vld [tilespmem:$0x1FFA0]  }
0x1ac: {  	s12 =	sshll.u32 s16, $0x1  }
0x1ad: {  	s30 =	sshrl.u32 s16, $0x3;
	s12 =	sadd.s32 s10, s12  }
0x1ae: {  	[hbm4b:s12+s5] =	stream.linear.scatter [tilespmem:s2], [sflag:$0x5], $0x200, $0x38;
	[tilespmem:$0x13DD0] =	vst v63  }
0x1af: {  	p1 =	seq.s32 s14, $0x7;
	s12 =	sadd.s32 s3, s30  }
0x1b0: {  	[hbm4b:s12+s5] =	stream.linear.scatter [tilespmem:s20], [sflag:$0x5], $0x20, $0x38;
	[tilespmem:$0x13DD0] =	vst v63  }
0x1b1: {  	s12 =	sadd.s32 @!p1 $0x40, s15  }
0x1b2: {  	s13 =	sadd.s32 @!p1 s11, s12  }
0x1b3: {  	s17 =	simm.s32 @!p1 $0x20;
	s18 =	simm.s32 @!p1 $0x200;
	s13 =	smul.u32 @!p1 $0x19, s13  }
0x1b4: {  	[tilespmem:s18], [sflag:$0x1] =	stream.indirect.gather @!p1 [hbm4b:s9+s17], $0x280, s12, s17, $0xb8;
	[tilespmem:$0x13DD0] =	vst v63  }
0x1b5: {  	s17 =	simm.s32 @!p1 $0x0;
	s18 =	simm.s32 @!p1 $0xA200;
	s12 =	sadd.s32 @!p1 s6, s13  }
0x1b6: {  	[tilespmem:s18], [sflag:$0x3] =	stream.linear.gather @!p1 [hbm4b:s12+s17], $0x1900, $0x38;
	[tilespmem:$0x13DD0] =	vst v63  }
0x1b7: {  	s12 =	sadd.s32 @!p1 s7, s13;
	s18 =	simm.s32 @!p1 $0xD400  }
0x1b8: {  	[tilespmem:s18], [sflag:$0x3] =	stream.linear.gather @!p1 [hbm4b:s12+s17], $0x1900, $0x38;
	[tilespmem:$0x13DD0] =	vst v63  }
0x1b9: {  	s12 =	sadd.s32 @!p1 s8, s13;
	s13 =	simm.s32 @!p1 $0x10600  }
0x1ba: {  	[tilespmem:s13], [sflag:$0x3] =	stream.linear.gather @!p1 [hbm4b:s12+s17], $0x1900, $0x38;
	[tilespmem:$0x13DD0] =	vst v63  }
0x1bb: {  	_ =	swait.ge [sflag:s22], $0x5000  }
0x1bc: {  	[sflag:s22] =	ssyncset.done $0x0  }
0x1bd: {  	[sflag:s22] =	ssyncadd.s32 $0xFFFFB000  }
0x1be: {  	_ =	swait.ge [sflag:s24], $0x1900  }
0x1bf: {  	[sflag:s24] =	ssyncset.done $0x0  }
0x1c0: {  	[sflag:s24] =	ssyncadd.s32 $0xFFFFE700  }
0x1c1: {  	_ =	swait.ge [sflag:s24], $0x1900  }
0x1c2: {  	[sflag:s24] =	ssyncset.done $0x0  }
0x1c3: {  	[sflag:s24] =	ssyncadd.s32 $0xFFFFE700  }
0x1c4: {  	_ =	swait.ge [sflag:s24], $0x1900  }
0x1c5: {  	[sflag:s24] =	ssyncset.done $0x0  }
0x1c6: {  	s12 =	simm.s32 @!p0 $0x6;
	[sflag:s24] =	ssyncadd.s32 $0xFFFFE700  }
0x1c7: {  	_ =	swait.ge @!p0 [sflag:s12], $0x200  }
0x1c8: {  	[sflag:s12] =	ssyncset.done @!p0 $0x0  }
0x1c9: {  	[sflag:s12] =	ssyncadd.s32 @!p0 $0xFFFFFE00  }
0x1ca: {  	_ =	swait.ge @!p0 [sflag:s12], $0x20  }
0x1cb: {  	s16 =	sor.u32 $0x20, s16;
	[sflag:s12] =	ssyncset.done @!p0 $0x0  }
0x1cc: {  	p2 =	por $0x1, $0x1;
	v19 =	vmov v53;
	s17 =	simm.s32 $0x0;
	[sflag:s12] =	ssyncadd.s32 @!p0 $0xFFFFFFE0  }
.LBB2_7:
0x1cd: {  	s12 =	smul.u32 $0xA000, s17;
	_ =	sdelay $0x1  }
0x1ce: {  	s12 =	sshra.s32 s12, $0x2  }
0x1cf: {  	s12 =	sadd.s32 $0x5338, s12  }
0x1d0: {  	s13 =	smul.u32 $0x3200, s17;
	v2 =	vld [tilespmem:s12+$0x110]  }
0x1d1: {  	v3 =	vld [tilespmem:s12+$0x108]  }
0x1d2: {  	s18 =	sshra.s32 s13, $0x2;
	v6 =	vld [tilespmem:s12+$0xD8]  }
0x1d3: {  	s13 =	sadd.s32 $0x11F60, s18;
	v7 =	vld [tilespmem:s12+$0xC8]  }
0x1d4: {  	v39 =	vld [tilespmem:s13+$0x58]  }
0x1d5: {  	v8 =	vld [tilespmem:s12+$0xB8]  }
0x1d6: {  	s21 =	sadd.s32 $0xED60, s18;
	v41 =	vld [tilespmem:s13+$0x50]  }
0x1d7: {  	v55 =	vld [tilespmem:s21+$0x58]  }
0x1d8: {  	v9 =	vld [tilespmem:s12+$0xA8]  }
0x1d9: {  	v47 =	vld [tilespmem:s21+$0x50]  }
0x1da: {  	v10 =	vld [tilespmem:s12+$0x98]  }
0x1db: {  	v11 =	vld [tilespmem:s12+$0x88]  }
0x1dc: {  	v13 =	vld [tilespmem:s12+$0x78]  }
0x1dd: {  	v15 =	vld [tilespmem:s12+$0x68]  }
0x1de: {  	v17 =	vld [tilespmem:s12+$0x58]  }
0x1df: {  	v44 =	vld [tilespmem:s13+$0x20]  }
0x1e0: {  	v32 =	vld [tilespmem:s12+$0xFFFFFF90]  }
0x1e1: {  	v38 =	vld [tilespmem:s13+$0xFFFFFFA0]  }
0x1e2: {  	v33 =	vld [tilespmem:s21+$0x20]  }
0x1e3: {  	v40 =	vld [tilespmem:s13+$0xFFFFFFB0]  }
0x1e4: {  	v42 =	vld [tilespmem:s13+$0xFFFFFFC0]  }
0x1e5: {  	v45 =	vld [tilespmem:s21+$0xFFFFFFB0]  }
0x1e6: {  	[tilespmem:$0x1FDD0] =	vst v41;
	v3 =	vmul.f32 v3, v41;
	v41 =	vld [tilespmem:s21+$0xFFFFFFA0];
	v17 =	vmul.f32 v17, v38  }
0x1e7: {  	v46 =	vld [tilespmem:s13+$0xFFFFFFD0]  }
0x1e8: {  	v34 =	vld [tilespmem:s13+$0x10];
	v15 =	vmul.f32 v15, v40;
	v17 =	vadd.f32 $0.0e+00, v17  }
0x1e9: {  	v35 =	vld [tilespmem:s21+$0x10];
	[tilespmem:$0x1FDE0] =	vst v39;
	v39 =	vmul.f32 v0, v39  }
0x1ea: {  	v48 =	vld [tilespmem:s21+$0xFFFFFFC0];
	v49 =	vmul.f32 v33, v58;
	v13 =	vmul.f32 v13, v42;
	v15 =	vadd.f32 v15, v17  }
0x1eb: {  	v50 =	vld [tilespmem:s12+$0xFFFFFFA0];
	v2 =	vmul.f32 v2, v39;
	v58 =	vmul.f32 v41, v61  }
0x1ec: {  	v51 =	vld [tilespmem:s13+$0xFFFFFFE0];
	v53 =	vmul.f32 v45, v62;
	v11 =	vmul.f32 v11, v46;
	v13 =	vadd.f32 v13, v15  }
0x1ed: {  	[tilespmem:$0x1FDC0] =	vst v2;
	v2 =	vmul.f32 v47, v30;
	v30 =	vmul.f32 v55, v52;
	v17 =	vld [tilespmem:s21+$0xFFFFFFD0];
	v52 =	vadd.f32 $0.0e+00, v58  }
0x1ee: {  	v11 =	vadd.f32 v11, v13;
	v13 =	vld [tilespmem:s12+$0xFFFFFFC0]  }
0x1ef: {  	v52 =	vadd.f32 v53, v52;
	v53 =	vld [tilespmem:s21+$0xFFFFFFE0]  }
0x1f0: {  	v54 =	vld [tilespmem:s12+$0xFFFFFFB0]  }
0x1f1: {  	v12 =	vmov v4;
	v36 =	vld [tilespmem:s13+$0x0];
	v58 =	vmul.f32 v48, v16  }
0x1f2: {  	v45 =	vmul.f32 v50, v45;
	v32 =	vmul.f32 v32, v41;
	v41 =	vld [tilespmem:s13+$0xFFFFFFF0]  }
0x1f3: {  	v40 =	vmul.f32 v40, v12;
	v15 =	vld [tilespmem:s21+$0xFFFFFFF0];
	v52 =	vadd.f32 v58, v52;
	v58 =	vmul.f32 v17, v28  }
0x1f4: {  	v12 =	vmovc v1;
	v32 =	vadd.f32 $0.0e+00, v32;
	v13 =	vmul.f32 v13, v17;
	v17 =	vmul.f32 v53, v1;
	v1 =	vld [tilespmem:$0x1FF50]  }
0x1f5: {  	v10 =	vmul.f32 v10, v51;
	v48 =	vmul.f32 v54, v48;
	v54 =	vld [tilespmem:s12+$0xFFFFFFD0]  }
0x1f6: {  	v37 =	vld [tilespmem:s21+$0x0];
	v32 =	vadd.f32 v45, v32  }
0x1f7: {  	v10 =	vadd.f32 v10, v11;
	v9 =	vmul.f32 v9, v41;
	v45 =	vadd.f32 v58, v52;
	v52 =	vld [tilespmem:s12+$0xFFFFFFE0]  }
0x1f8: {  	v6 =	vmul.f32 v6, v44;
	v8 =	vmul.f32 v8, v36;
	v16 =	vld [tilespmem:$0x1FE70];
	v32 =	vadd.f32 v48, v32  }
0x1f9: {  	v48 =	vmul.f32 v15, v57;
	v9 =	vadd.f32 v9, v10;
	v58 =	vmul.f32 v42, v1;
	v42 =	vld [tilespmem:s12+$0xFFFFFFF0]  }
0x1fa: {  	v4 =	vld [tilespmem:s12+$0xF8];
	v57 =	vmul.f32 v54, v53;
	v10 =	vadd.f32 v13, v32;
	v17 =	vadd.f32 v17, v45  }
0x1fb: {  	v5 =	vld [tilespmem:s12+$0xE8];
	v7 =	vmul.f32 v7, v34;
	v11 =	vmul.f32 v37, v31;
	v8 =	vadd.f32 v8, v9  }
0x1fc: {  	v59 =	vld [tilespmem:s13+$0x40];
	v9 =	vadd.f32 v57, v10;
	v10 =	vmul.f32 v52, v15;
	v52 =	vadd.f32 v48, v17  }
0x1fd: {  	v14 =	vld [tilespmem:s21+$0x30];
	v38 =	vmul.f32 v38, v19;
	v50 =	vmul.f32 v35, v16;
	v7 =	vadd.f32 v7, v8  }
0x1fe: {  	v26 =	vld [tilespmem:s21+$0x40];
	v8 =	vadd.f32 v10, v9;
	v10 =	vadd.f32 v11, v52;
	v9 =	vmul.f32 v42, v37  }
0x1ff: {  	v43 =	vmov v21;
	v21 =	vld [tilespmem:s13+$0x30];
	v38 =	vadd.f32 $0.0e+00, v38;
	v6 =	vadd.f32 v6, v7  }
0x200: {  	v45 =	vmul.f32 v46, v60;
	v46 =	vld [tilespmem:s12+$0x0];
	v7 =	vadd.f32 v9, v8;
	v9 =	vadd.f32 v50, v10;
	_ =	sdelay $0x1  }
0x201: {  	v38 =	vadd.f32 v40, v38;
	[tilespmem:$0x1FDB0] =	vst v2;
	v2 =	vmul.f32 v14, v29;
	v54 =	vld [tilespmem:s12+$0x10];
	v9 =	vadd.f32 v49, v9  }
0x202: {  	v4 =	vmul.f32 v4, v59;
	v57 =	vld [tilespmem:s12+$0x20]  }
0x203: {  	v5 =	vmul.f32 v5, v21;
	v58 =	vadd.f32 v58, v38;
	v9 =	vadd.f32 v2, v9;
	v2 =	vld [tilespmem:$0x1FDB0]  }
0x204: {  	v39 =	vmul.f32 v26, v25;
	v8 =	vmul.f32 v46, v35  }
0x205: {  	v17 =	vmul.f32 v51, v56;
	v5 =	vadd.f32 v5, v6;
	v53 =	vadd.f32 v45, v58;
	v58 =	vld [tilespmem:s12+$0x30]  }
0x206: {  	v6 =	vadd.f32 v8, v7;
	v7 =	vmul.f32 v54, v33;
	v9 =	vadd.f32 v39, v9  }
0x207: {  	v56 =	vmul.f32 v41, v18;
	v4 =	vadd.f32 v4, v5;
	v11 =	vadd.f32 v17, v53;
	v8 =	vld [tilespmem:s12+$0x40]  }
0x208: {  	v5 =	vadd.f32 v7, v6;
	v6 =	vmul.f32 v57, v14;
	v9 =	vadd.f32 v2, v9;
	v2 =	vld [tilespmem:$0x1FDC0]  }
0x209: {  	v10 =	vadd.f32 v56, v11;
	v11 =	vmul.f32 v36, v27;
	v7 =	vld [tilespmem:s12+$0x48]  }
0x20a: {  	v3 =	vadd.f32 v3, v4;
	v4 =	vadd.f32 v6, v5;
	v5 =	vmul.f32 v58, v26  }
0x20b: {  	s28 =	sadd.s32 $0xBB60, s18;
	v40 =	vld [tilespmem:s12+$0xFFFFFF58];
	v10 =	vadd.f32 v11, v10;
	v11 =	vmul.f32 v34, v63  }
0x20c: {  	v31 =	vld [tilespmem:s28+$0xFFFFFFA0];
	v4 =	vadd.f32 v5, v4;
	v5 =	vmul.f32 v0, v55  }
0x20d: {  	v16 =	vld [tilespmem:s28+$0x20];
	v10 =	vadd.f32 v11, v10;
	v11 =	vmul.f32 v44, v23;
	v2 =	vadd.f32 v2, v3  }
0x20e: {  	v1 =	vmul.f32 v8, v47;
	v3 =	vmul.f32 v7, v5;
	v5 =	vadd.f32 v30, v9;
	v9 =	vld [tilespmem:$0x1FDD0]  }
0x20f: {  	v32 =	vld [tilespmem:s12+$0xFFFFFEC8];
	v10 =	vadd.f32 v11, v10;
	v11 =	vmul.f32 v21, v20;
	(xrf2) =	vadd.scan.msk.f32 $0xffff, v2  }
0x210: {  	v1 =	vadd.f32 v1, v4;
	(xrf2) =	vadd.scan.msk.f32 $0xffff, v5;
	v5 =	vld [tilespmem:$0x1FDE0]  }
0x211: {  	v13 =	vld [tilespmem:s28+$0xFFFFFFD0];
	v10 =	vadd.f32 v11, v10;
	v11 =	vmul.f32 v59, v43  }
0x212: {  	v18 =	vld [tilespmem:s12+$0xFFFFFF48];
	v1 =	vadd.f32 v3, v1  }
0x213: {  	v48 =	vld [tilespmem:s12+$0xFFFFFF78];
	v7 =	vadd.f32 v11, v10;
	v9 =	vmul.f32 v9, v22  }
0x214: {  	v38 =	vld [tilespmem:s28+$0x30];
	(xrf2) =	vadd.scan.msk.f32 $0xffff, v1  }
0x215: {  	v45 =	vld [tilespmem:s28+$0x50];
	v3 =	vadd.f32 v9, v7;
	v5 =	vmul.f32 v5, v24  }
0x216: {  	v42 =	vld [tilespmem:s28+$0x40]  }
0x217: {  	v35 =	vld [tilespmem:s28+$0xFFFFFFB0];
	v3 =	vadd.f32 v5, v3  }
0x218: {  	v14 =	vld [tilespmem:s12+$0xFFFFFF38]  }
0x219: {  	v6 =	vld [tilespmem:s12+$0xFFFFFED8];
	(xrf2) =	vadd.scan.msk.f32 $0xffff, v3  }
0x21a: {  	v20 =	vld [tilespmem:s28+$0xFFFFFFC0]  }
0x21b: {  	v8 =	vld [tilespmem:s12+$0xFFFFFEE8]  }
0x21c: {  	v25 =	vmov v28;
	v47 =	vld [tilespmem:s28+$0x58];
	v28, _, _ =	vpop (xrf2)  }
0x21d: {  	v43 =	vld [tilespmem:s12+$0xFFFFFF68];
	v29, _, _ =	vpop (xrf2)  }
0x21e: {  	v3 =	vld [tilespmem:s12+$0x120];
	v30, _, _ =	vpop (xrf2)  }
0x21f: {  	v4 =	vld [tilespmem:s12+$0xFFFFFEF8];
	v30 =	vbroadcast v30, $0xF  }
0x220: {  	v10 =	vld [tilespmem:s28+$0xFFFFFFE0]  }
0x221: {  	v11 =	vld [tilespmem:s28+$0x10]  }
0x222: {  	v2 =	vld [tilespmem:s12+$0xFFFFFF08];
	v29 =	vbroadcast v29, $0xF  }
0x223: {  	v1 =	vld [tilespmem:s12+$0xFFFFFF18];
	v28 =	vbroadcast v28, $0xF;
	v3 =	vsel vm0, v30, v3;
	v30, _, _ =	vpop (xrf2)  }
0x224: {  	s19 =	sshll.u32 s17, $0x8;
	v7 =	vld [tilespmem:s28+$0xFFFFFFF0];
	v3 =	vsel vm1, v3, v29;
	v29 =	vbroadcast v30, $0xF  }
0x225: {  	s18 =	sand.u32 $0x3FFFFF00, s19;
	v9 =	vld [tilespmem:s12+$0xFFFFFF28];
	v3 =	vsel vm2, v3, v28  }
0x226: {  	s18 =	sadd.s32 $0x13B90, s18;
	v5 =	vld [tilespmem:s28+$0x0];
	v3 =	vsel vm3, v3, v29  }
0x227: {  	v28 =	vld [tilespmem:s12+$0xFFFFFF80];
	[tilespmem:s18+$0x0] =	vst v3;
	v3 =	vmul.f32 v32, v31  }
0x228: {  	v23 =	vld [tilespmem:$0x1FF40]  }
0x229: {  	v6 =	vmul.f32 v6, v35;
	v8 =	vmul.f32 v8, v20;
	v20 =	vld [tilespmem:$0x1FF70];
	v3 =	vadd.f32 $0.0e+00, v3  }
0x22a: {  	v2 =	vmul.f32 v2, v10;
	v10 =	vld [tilespmem:$0x1FE70]  }
0x22b: {  	s19 =	sadd.s32 $0x280, s12;
	v24 =	vmov v25;
	v25 =	vld [tilespmem:$0x1FF90];
	v3 =	vadd.f32 v6, v3  }
0x22c: {  	v50 =	vld [tilespmem:s19+$0x110]  }
0x22d: {  	v4 =	vmul.f32 v4, v13;
	v51 =	vld [tilespmem:s19+$0x108];
	v3 =	vadd.f32 v8, v3  }
0x22e: {  	v53 =	vld [tilespmem:s19+$0xF8]  }
0x22f: {  	v58 =	vld [tilespmem:s19+$0xE8];
	v4 =	vadd.f32 v4, v3  }
0x230: {  	v59 =	vld [tilespmem:s19+$0xD8]  }
0x231: {  	s13 =	sadd.s32 $0xC8, s13;
	v22 =	vmov v62;
	v1 =	vmul.f32 v1, v7;
	v62 =	vld [tilespmem:s19+$0xC8];
	v2 =	vadd.f32 v2, v4  }
0x232: {  	v29 =	vld [tilespmem:s13+$0x58]  }
0x233: {  	v17 =	vld [tilespmem:s19+$0xB8];
	v4 =	vmul.f32 v9, v5;
	v1 =	vadd.f32 v1, v2  }
0x234: {  	s29 =	sadd.s32 $0xC8, s21;
	v30 =	vld [tilespmem:s13+$0x50]  }
0x235: {  	v31 =	vld [tilespmem:s29+$0x58];
	v2 =	vmul.f32 v14, v11;
	v1 =	vadd.f32 v4, v1  }
0x236: {  	v56 =	vld [tilespmem:s19+$0xA8]  }
0x237: {  	v33 =	vld [tilespmem:s29+$0x50];
	v4 =	vmul.f32 v18, v16;
	v1 =	vadd.f32 v2, v1  }
0x238: {  	v55 =	vld [tilespmem:s19+$0x98]  }
0x239: {  	v32 =	vld [tilespmem:s13+$0x40];
	v2 =	vmul.f32 v40, v38;
	v1 =	vadd.f32 v4, v1  }
0x23a: {  	v57 =	vld [tilespmem:s19+$0x88]  }
0x23b: {  	v35 =	vld [tilespmem:s29+$0x40];
	v1 =	vadd.f32 v2, v1;
	v2 =	vmul.f32 v0, v29  }
0x23c: {  	v19 =	vmov v61;
	v61 =	vld [tilespmem:s19+$0x78]  }
0x23d: {  	v5 =	vmul.f32 v43, v42;
	v42 =	vmul.f32 v50, v2;
	v2 =	vld [tilespmem:$0x1FFC0]  }
0x23e: {  	v34 =	vld [tilespmem:s13+$0x30]  }
0x23f: {  	v37 =	vld [tilespmem:s29+$0x30]  }
0x240: {  	v36 =	vld [tilespmem:s13+$0x20]  }
0x241: {  	v63 =	vld [tilespmem:s19+$0xFFFFFF90]  }
0x242: {  	v40 =	vmul.f32 v33, v2;
	v2 =	vld [tilespmem:$0x1FFB0]  }
0x243: {  	v41 =	vld [tilespmem:s29+$0x20]  }
0x244: {  	v39 =	vld [tilespmem:s13+$0x10]  }
0x245: {  	v46 =	vld [tilespmem:s29+$0x10]  }
0x246: {  	v44 =	vld [tilespmem:s13+$0x0]  }
0x247: {  	v38 =	vmul.f32 v31, v2;
	v2 =	vld [tilespmem:$0x1FFD0]  }
0x248: {  	v49 =	vld [tilespmem:s29+$0x0]  }
0x249: {  	v54 =	vld [tilespmem:s29+$0xFFFFFFF0]  }
0x24a: {  	v52 =	vld [tilespmem:s13+$0xFFFFFFE0]  }
0x24b: {  	v26 =	vmov v60;
	v60 =	vld [tilespmem:s29+$0xFFFFFFE0]  }
0x24c: {  	v7 =	vmul.f32 v48, v45;
	v45 =	vmul.f32 v35, v2;
	v2 =	vld [tilespmem:$0x1FFE0]  }
0x24d: {  	v6 =	vld [tilespmem:s19+$0x58];
	v4 =	vmul.f32 v0, v47;
	v1 =	vadd.f32 v5, v1  }
0x24e: {  	v3 =	vld [tilespmem:s19+$0x68]  }
0x24f: {  	v47 =	vld [tilespmem:s13+$0xFFFFFFF0];
	v8 =	vmul.f32 v28, v4;
	v1 =	vadd.f32 v7, v1  }
0x250: {  	v5 =	vld [tilespmem:s13+$0xFFFFFFA0]  }
0x251: {  	v48 =	vmul.f32 v37, v2;
	v2 =	vadd.f32 v8, v1;
	v8 =	vld [tilespmem:$0x1FFF0]  }
0x252: {  	v62 =	vmul.f32 v62, v39;
	v4 =	vld [tilespmem:s13+$0xFFFFFFB0]  }
0x253: {  	v43 =	vmul.f32 v51, v30;
	v50 =	vmul.f32 v53, v32;
	v7 =	vld [tilespmem:s29+$0xFFFFFFA0]  }
0x254: {  	v53 =	vmul.f32 v58, v34;
	v58 =	vmul.f32 v59, v36;
	v1 =	vld [tilespmem:s13+$0xFFFFFFC0]  }
0x255: {  	p0 =	por p2, p2;
	v59 =	vmul.f32 v46, v10;
	v9 =	vmul.f32 v6, v5;
	(xrf2) =	vadd.scan.msk.f32 $0xffff, v2;
	v2 =	vld [tilespmem:s13+$0xFFFFFFD0]  }
0x256: {  	s30 =	simm.s32 $0x2;
	s21 =	simm.s32 $0x0;
	v27 =	vmovc v12;
	v21 =	vmovc v10;
	s12 =	simm.s32 $0x1;
	v28 =	vimm.f32 $0.0e+00;
	v6 =	vmul.f32 v17, v44;
	v51 =	vmul.f32 v41, v8;
	v8 =	vld [tilespmem:s29+$0xFFFFFFB0]  }
.LBB2_8:
0x257: {  	_ =	sdelay $0x1  }
0x258: {  	v5 =	vmul.f32 v5, v25;
	_ =	sdelay $0x1  }
0x259: {  	v5 =	vadd.f32 $0.0e+00, v5;
	v3 =	vmul.f32 v3, v4;
	v4 =	vmul.f32 v4, v23;
	_ =	sdelay $0x1  }
0x25a: {  	v4 =	vadd.f32 v4, v5;
	v5 =	vld [tilespmem:$0x1FF50];
	_ =	sdelay $0x1  }
0x25b: {  	v9 =	vadd.f32 $0.0e+00, v9;
	_ =	sdelay $0x1  }
0x25c: {  	v3 =	vadd.f32 v3, v9;
	v9 =	vmul.f32 v61, v1  }
0x25d: {  	v1 =	vmul.f32 v1, v5  }
0x25e: {  	v3 =	vadd.f32 v9, v3  }
0x25f: {  	v9 =	vmul.f32 v57, v2;
	v2 =	vmul.f32 v2, v26;
	v1 =	vadd.f32 v1, v4;
	_ =	sdelay $0x1  }
0x260: {  	v1 =	vadd.f32 v2, v1;
	v2 =	vld [tilespmem:$0x1FF20];
	_ =	sdelay $0x4  }
0x261: {  	v2 =	vmul.f32 v52, v2;
	_ =	sdelay $0x1  }
0x262: {  	v1 =	vadd.f32 v2, v1;
	v2 =	vld [tilespmem:$0x1FED0];
	_ =	sdelay $0x4  }
0x263: {  	v2 =	vmul.f32 v47, v2;
	_ =	sdelay $0x1  }
0x264: {  	v1 =	vadd.f32 v2, v1;
	v2 =	vld [tilespmem:$0x1FEF0];
	_ =	sdelay $0x4  }
0x265: {  	v2 =	vmul.f32 v44, v2;
	_ =	sdelay $0x1  }
0x266: {  	v1 =	vadd.f32 v2, v1;
	v2 =	vld [tilespmem:$0x1FF10];
	_ =	sdelay $0x4  }
0x267: {  	v2 =	vmul.f32 v39, v2  }
0x268: {  	v10 =	vld [tilespmem:s29+$0xFFFFFFC0]  }
0x269: {  	v1 =	vadd.f32 v2, v1;
	v2 =	vld [tilespmem:$0x1FEC0]  }
0x26a: {  	v13 =	vld [tilespmem:s19+$0xFFFFFFA0];
	v12 =	vmul.f32 v7, v19  }
0x26b: {  	v15 =	vld [tilespmem:s29+$0xFFFFFFD0]  }
0x26c: {  	v18 =	vld [tilespmem:s19+$0xFFFFFFB0];
	v17 =	vmul.f32 v8, v22;
	v12 =	vadd.f32 $0.0e+00, v12  }
0x26d: {  	v7 =	vmul.f32 v63, v7  }
0x26e: {  	v61 =	vld [tilespmem:s19+$0xFFFFFFC0];
	v12 =	vadd.f32 v17, v12;
	v17 =	vmul.f32 v10, v20;
	v2 =	vmul.f32 v36, v2  }
0x26f: {  	v16 =	vld [tilespmem:$0x1FF00];
	v8 =	vmul.f32 v13, v8;
	v7 =	vadd.f32 $0.0e+00, v7;
	v3 =	vadd.f32 v9, v3  }
0x270: {  	v9 =	vadd.f32 v17, v12;
	v12 =	vmul.f32 v15, v24;
	v1 =	vadd.f32 v2, v1;
	v2 =	vld [tilespmem:$0x1FEB0]  }
0x271: {  	v13 =	vld [tilespmem:s19+$0xFFFFFFD0];
	v7 =	vadd.f32 v8, v7;
	v8 =	vmul.f32 v18, v10  }
0x272: {  	v55 =	vmul.f32 v55, v52;
	v63 =	vmul.f32 v60, v27;
	v9 =	vadd.f32 v12, v9  }
0x273: {  	v14 =	vmul.f32 v56, v47;
	v10 =	vld [tilespmem:s19+$0xFFFFFFE0];
	v7 =	vadd.f32 v8, v7;
	v8 =	vmul.f32 v61, v15  }
0x274: {  	v11 =	vld [tilespmem:$0x1FEE0];
	v16 =	vmul.f32 v54, v16;
	v3 =	vadd.f32 v55, v3;
	v5 =	vadd.f32 v63, v9  }
0x275: {  	v7 =	vadd.f32 v8, v7;
	v9 =	vld [tilespmem:s19+$0xFFFFFFF0];
	v2 =	vmul.f32 v34, v2  }
0x276: {  	v8 =	vmul.f32 v13, v60;
	v3 =	vadd.f32 v14, v3;
	v4 =	vadd.f32 v16, v5;
	v5 =	vld [tilespmem:s19+$0x0]  }
0x277: {  	v1 =	vadd.f32 v2, v1;
	v2 =	vld [tilespmem:$0x1FEA0]  }
0x278: {  	v3 =	vadd.f32 v6, v3;
	v6 =	vadd.f32 v8, v7;
	v7 =	vmul.f32 v10, v54  }
0x279: {  	v11 =	vmul.f32 v49, v11;
	v8 =	vld [tilespmem:s19+$0x10]  }
0x27a: {  	v6 =	vadd.f32 v7, v6;
	v7 =	vmul.f32 v9, v49  }
0x27b: {  	s28 =	sadd.s32 $0xC8, s28;
	v3 =	vadd.f32 v62, v3;
	v4 =	vadd.f32 v11, v4;
	v9 =	vld [tilespmem:s19+$0x20]  }
0x27c: {  	v18 =	vld [tilespmem:s28+$0x50];
	v6 =	vadd.f32 v7, v6;
	v5 =	vmul.f32 v5, v46;
	v2 =	vmul.f32 v32, v2  }
0x27d: {  	v3 =	vadd.f32 v58, v3;
	v4 =	vadd.f32 v59, v4;
	v7 =	vld [tilespmem:s19+$0x30]  }
0x27e: {  	v5 =	vadd.f32 v5, v6;
	v6 =	vmul.f32 v8, v41;
	v1 =	vadd.f32 v2, v1;
	v2 =	vld [tilespmem:$0x1FE90]  }
0x27f: {  	v17 =	vld [tilespmem:s28+$0x40];
	v3 =	vadd.f32 v53, v3  }
0x280: {  	v4 =	vadd.f32 v51, v4;
	v8 =	vld [tilespmem:s19+$0x40];
	v5 =	vadd.f32 v6, v5;
	v6 =	vmul.f32 v9, v37  }
0x281: {  	v63 =	vld [tilespmem:s28+$0xFFFFFFA0];
	v3 =	vadd.f32 v50, v3  }
0x282: {  	v4 =	vadd.f32 v48, v4;
	v9 =	vld [tilespmem:s19+$0x48];
	v5 =	vadd.f32 v6, v5;
	v6 =	vmul.f32 v7, v35  }
0x283: {  	v10 =	vld [tilespmem:s19+$0xFFFFFEC8];
	v3 =	vadd.f32 v43, v3;
	v2 =	vmul.f32 v30, v2  }
0x284: {  	v11 =	vld [tilespmem:s28+$0xFFFFFFB0];
	v4 =	vadd.f32 v45, v4;
	v5 =	vadd.f32 v6, v5  }
0x285: {  	v6 =	vmul.f32 v8, v33;
	v8 =	vmul.f32 v0, v31;
	v1 =	vadd.f32 v2, v1;
	v2 =	vld [tilespmem:$0x1FE80]  }
0x286: {  	v7 =	vld [tilespmem:s19+$0xFFFFFED8];
	v4 =	vadd.f32 v40, v4  }
0x287: {  	v54 =	vld [tilespmem:s28+$0xFFFFFFD0];
	v3 =	vadd.f32 v42, v3;
	v5 =	vadd.f32 v6, v5;
	v6 =	vmul.f32 v9, v8  }
0x288: {  	v53 =	vld [tilespmem:s28+$0xFFFFFFC0];
	v4 =	vadd.f32 v38, v4  }
0x289: {  	v57, _, _ =	vpop (xrf2);
	(xrf2) =	vadd.scan.msk.f32 $0xffff, v3;
	v9 =	vld [tilespmem:s19+$0xFFFFFEF8];
	v5 =	vadd.f32 v6, v5  }
0x28a: {  	v56 =	vmov s21;
	v3 =	vld [tilespmem:s19+$0xFFFFFEE8];
	(xrf2) =	vadd.scan.msk.f32 $0xffff, v4;
	v4 =	vlaneseq.u32;
	v2 =	vmul.f32 v29, v2  }
0x28b: {  	v10 =	vmul.f32 v10, v63;
	vm4 =	veq.s32 v56, v4;
	v4 =	vmul.f32 v7, v11;
	v7 =	vld [tilespmem:s28+$0xFFFFFFE0];
	(xrf2) =	vadd.scan.msk.f32 $0xffff, v5  }
0x28c: {  	v6 =	vld [tilespmem:s19+$0xFFFFFF08];
	v1 =	vadd.f32 v2, v1  }
0x28d: {  	v10 =	vadd.f32 $0.0e+00, v10;
	v8 =	vbroadcast v57, $0xF;
	v11 =	vld [tilespmem:s19+$0xFFFFFF28]  }
0x28e: {  	v2 =	vmul.f32 v9, v54;
	v9 =	vld [tilespmem:s28+$0x0];
	(xrf2) =	vadd.scan.msk.f32 $0xffff, v1  }
0x28f: {  	v28 =	vsel vm4, v8, v28;
	v8 =	vld [tilespmem:s28+$0xFFFFFFF0];
	v3 =	vmul.f32 v3, v53;
	v4 =	vadd.f32 v4, v10  }
0x290: {  	v5 =	vld [tilespmem:s19+$0xFFFFFF18]  }
0x291: {  	v55 =	vld [tilespmem:s19+$0xFFFFFF38];
	v3 =	vadd.f32 v3, v4  }
0x292: {  	v1 =	vmul.f32 v6, v7;
	v6 =	vld [tilespmem:s28+$0x10]  }
0x293: {  	v7, _, _ =	vpop (xrf2);
	v2 =	vadd.f32 v2, v3;
	v9 =	vmul.f32 v11, v9;
	v11 =	vld [tilespmem:s19+$0x120]  }
0x294: {  	v60 =	vld [tilespmem:s19+$0xFFFFFF68];
	v57, _, _ =	vpop (xrf2)  }
0x295: {  	v62 =	vld [tilespmem:s28+$0x58];
	v5 =	vmul.f32 v5, v8;
	v16, _, _ =	vpop (xrf2);
	v1 =	vadd.f32 v1, v2  }
0x296: {  	v58 =	vld [tilespmem:s28+$0x30];
	v29 =	vbroadcast v16, $0xF  }
0x297: {  	v59 =	vld [tilespmem:s19+$0xFFFFFF58];
	v14 =	vbroadcast v57, $0xF;
	v1 =	vadd.f32 v5, v1  }
0x298: {  	v56 =	vld [tilespmem:s19+$0xFFFFFF48];
	v7 =	vbroadcast v7, $0xF;
	v6 =	vmul.f32 v55, v6;
	v11 =	vsel vm0, v29, v11;
	v16, _, _ =	vpop (xrf2)  }
0x299: {  	v8 =	vld [tilespmem:s28+$0x20];
	v1 =	vadd.f32 v9, v1;
	v11 =	vsel vm1, v11, v14;
	v61 =	vbroadcast v16, $0xF  }
0x29a: {  	v29 =	vld [tilespmem:s19+$0xFFFFFF78];
	v7 =	vsel vm2, v11, v7  }
0x29b: {  	s18 =	sadd.s32 $0x10, s18;
	v1 =	vadd.f32 v6, v1;
	v6 =	vld [tilespmem:$0x1FFF0];
	v7 =	vsel vm3, v7, v61  }
0x29c: {  	v11 =	vld [tilespmem:s19+$0xFFFFFF80];
	s19 =	sadd.s32 $0x280, s19;
	[tilespmem:s18+$0x0] =	vst v7  }
0x29d: {  	v7 =	vld [tilespmem:s19+$0x110]  }
0x29e: {  	v16 =	vld [tilespmem:s19+$0x108]  }
0x29f: {  	v13 =	vmul.f32 v60, v17;
	v17 =	vmul.f32 v29, v18;
	v18 =	vld [tilespmem:s19+$0xF8]  }
0x2a0: {  	v51 =	vld [tilespmem:s19+$0xE8]  }
0x2a1: {  	v12 =	vmul.f32 v59, v58;
	v58 =	vld [tilespmem:s19+$0xD8]  }
0x2a2: {  	s13 =	sadd.s32 $0xC8, s13;
	v15 =	vmul.f32 v0, v62;
	v14 =	vld [tilespmem:s19+$0xC8]  }
0x2a3: {  	v29 =	vld [tilespmem:s13+$0x58]  }
0x2a4: {  	v11 =	vmul.f32 v11, v15;
	v15 =	vld [tilespmem:s19+$0xB8]  }
0x2a5: {  	s29 =	sadd.s32 $0xC8, s29;
	v30 =	vld [tilespmem:s13+$0x50]  }
0x2a6: {  	v31 =	vld [tilespmem:s29+$0x58]  }
0x2a7: {  	v8 =	vmul.f32 v56, v8;
	v56 =	vld [tilespmem:s19+$0xA8]  }
0x2a8: {  	v33 =	vld [tilespmem:s29+$0x50]  }
0x2a9: {  	v55 =	vld [tilespmem:s19+$0x98]  }
0x2aa: {  	v32 =	vld [tilespmem:s13+$0x40]  }
0x2ab: {  	v57 =	vld [tilespmem:s19+$0x88]  }
0x2ac: {  	v35 =	vld [tilespmem:s29+$0x40]  }
0x2ad: {  	v61 =	vld [tilespmem:s19+$0x78]  }
0x2ae: {  	v34 =	vld [tilespmem:s13+$0x30]  }
0x2af: {  	v3 =	vld [tilespmem:s19+$0x68]  }
0x2b0: {  	v37 =	vld [tilespmem:s29+$0x30]  }
0x2b1: {  	v1 =	vadd.f32 v8, v1;
	v2 =	vld [tilespmem:s19+$0x58]  }
0x2b2: {  	v36 =	vld [tilespmem:s13+$0x20]  }
0x2b3: {  	v1 =	vadd.f32 v12, v1;
	v63 =	vld [tilespmem:s19+$0xFFFFFF90]  }
0x2b4: {  	v41 =	vld [tilespmem:s29+$0x20]  }
0x2b5: {  	v1 =	vadd.f32 v13, v1;
	v39 =	vld [tilespmem:s13+$0x10]  }
0x2b6: {  	v46 =	vld [tilespmem:s29+$0x10]  }
0x2b7: {  	v44 =	vld [tilespmem:s13+$0x0];
	v1 =	vadd.f32 v17, v1  }
0x2b8: {  	v49 =	vld [tilespmem:s29+$0x0]  }
0x2b9: {  	v47 =	vld [tilespmem:s13+$0xFFFFFFF0];
	v1 =	vadd.f32 v11, v1  }
0x2ba: {  	v54 =	vld [tilespmem:s29+$0xFFFFFFF0];
	v4 =	vmul.f32 v0, v29  }
0x2bb: {  	(xrf2) =	vadd.scan.msk.f32 $0xffff, v1;
	v1 =	vld [tilespmem:$0x1FFD0]  }
0x2bc: {  	v42 =	vmul.f32 v7, v4;
	v4 =	vld [tilespmem:$0x1FFC0]  }
0x2bd: {  	v52 =	vld [tilespmem:s13+$0xFFFFFFE0]  }
0x2be: {  	v5 =	vld [tilespmem:s13+$0xFFFFFFA0]  }
0x2bf: {  	v60 =	vld [tilespmem:s29+$0xFFFFFFE0]  }
0x2c0: {  	v45 =	vmul.f32 v35, v1;
	v1 =	vld [tilespmem:$0x1FFE0]  }
0x2c1: {  	p2 =	sne.s32 s30, $0xF;
	v43 =	vmul.f32 v16, v30;
	v40 =	vmul.f32 v33, v4;
	v4 =	vld [tilespmem:$0x1FFB0]  }
.Ltmp4:
0x2c2: {  	v8 =	vld [tilespmem:s29+$0xFFFFFFB0];
	v50 =	vmul.f32 v18, v32;
	v53 =	vmul.f32 v51, v34;
	(pc) =	sbr.rel @p2 .LBB2_8-.Ltmp4, $4  }
0x2c3: {  	v51 =	vmul.f32 v41, v6;
	v9 =	vmul.f32 v2, v5;
	v2 =	vld [tilespmem:s13+$0xFFFFFFD0]  }
0x2c4: {  	v58 =	vmul.f32 v58, v36;
	v62 =	vmul.f32 v14, v39;
	v7 =	vld [tilespmem:s29+$0xFFFFFFA0]  }
0x2c5: {  	v6 =	vmul.f32 v15, v44;
	v48 =	vmul.f32 v37, v1;
	v1 =	vld [tilespmem:s13+$0xFFFFFFC0]  }
0x2c6: {  	s21 =	smov.u32 s12;
	s12 =	smov.u32 s30;
	s30 =	sadd.s32 $0x1, s30;
	v59 =	vmul.f32 v46, v21;
	v38 =	vmul.f32 v31, v4;
	v4 =	vld [tilespmem:s13+$0xFFFFFFB0]  }
0x2c7: {  	v10 =	vld [tilespmem:s29+$0xFFFFFFC0]  }
0x2c8: {  	v11 =	vld [tilespmem:s19+$0xFFFFFFA0]  }
0x2c9: {  	v12 =	vld [tilespmem:s29+$0xFFFFFFD0]  }
0x2ca: {  	v13 =	vld [tilespmem:s19+$0xFFFFFFB0]  }
0x2cb: {  	v14 =	vld [tilespmem:s19+$0xFFFFFFC0]  }
0x2cc: {  	v15 =	vld [tilespmem:s19+$0xFFFFFFD0]  }
0x2cd: {  	v17 =	vld [tilespmem:s19+$0xFFFFFFE0];
	v5 =	vmul.f32 v5, v25  }
0x2ce: {  	v9 =	vadd.f32 $0.0e+00, v9;
	v18 =	vld [tilespmem:s19+$0xFFFFFFF0];
	v3 =	vmul.f32 v3, v4  }
0x2cf: {  	v21 =	vld [tilespmem:$0x1FF50];
	v16 =	vmul.f32 v7, v19;
	v7 =	vmul.f32 v63, v7;
	v5 =	vadd.f32 $0.0e+00, v5  }
0x2d0: {  	v19 =	vld [tilespmem:s19+$0x0];
	v4 =	vmul.f32 v4, v23;
	v3 =	vadd.f32 v3, v9;
	v9 =	vmul.f32 v61, v1  }
0x2d1: {  	s13 =	sadd.s32 $0xC8, s28;
	v61 =	vmul.f32 v8, v22;
	v8 =	vmul.f32 v11, v8;
	v11 =	vld [tilespmem:s19+$0x20]  }
0x2d2: {  	v16 =	vadd.f32 $0.0e+00, v16;
	v4 =	vadd.f32 v4, v5;
	v5 =	vld [tilespmem:s13+$0xFFFFFFA0]  }
0x2d3: {  	v7 =	vadd.f32 $0.0e+00, v7;
	v3 =	vadd.f32 v9, v3;
	v9 =	vmul.f32 v57, v2;
	v57 =	vld [tilespmem:s19+$0x10]  }
0x2d4: {  	v16 =	vadd.f32 v61, v16;
	v61 =	vmul.f32 v10, v20;
	v10 =	vmul.f32 v13, v10;
	v13 =	vld [tilespmem:s19+$0xFFFFFEC8]  }
0x2d5: {  	v7 =	vadd.f32 v8, v7;
	v3 =	vadd.f32 v9, v3;
	v9 =	vld [tilespmem:s19+$0x30]  }
0x2d6: {  	v55 =	vmul.f32 v55, v52;
	v16 =	vadd.f32 v61, v16;
	v61 =	vld [tilespmem:s19+$0x40]  }
0x2d7: {  	v63 =	vmul.f32 v12, v24;
	v7 =	vadd.f32 v10, v7;
	v10 =	vld [tilespmem:s13+$0xFFFFFFB0]  }
0x2d8: {  	v12 =	vmul.f32 v14, v12;
	v1 =	vmul.f32 v1, v21;
	v3 =	vadd.f32 v55, v3;
	v55 =	vld [tilespmem:s19+$0x48]  }
0x2d9: {  	[tilespmem:$0x1FDA0] =	vst v19;
	v19 =	vmovc v25;
	v25 =	vmov v27;
	v8 =	vadd.f32 v63, v16;
	v16 =	vmul.f32 v60, v27;
	v27 =	vld [tilespmem:$0x1FF00]  }
0x2da: {  	v1 =	vadd.f32 v1, v4;
	v63 =	vld [tilespmem:s19+$0xFFFFFEE8]  }
0x2db: {  	v2 =	vmul.f32 v2, v26;
	v7 =	vadd.f32 v12, v7;
	v12 =	vmul.f32 v15, v60;
	v15 =	vld [tilespmem:s13+$0xFFFFFFD0]  }
0x2dc: {  	v60 =	vmov v26;
	v26 =	vld [tilespmem:$0x1FF20]  }
0x2dd: {  	v56 =	vmul.f32 v56, v47;
	v1 =	vadd.f32 v2, v1;
	v2 =	vmul.f32 v13, v5;
	v5 =	vld [tilespmem:s19+$0xFFFFFEF8]  }
0x2de: {  	v8 =	vadd.f32 v16, v8;
	v16 =	vld [tilespmem:s19+$0xFFFFFED8]  }
0x2df: {  	v13 =	vld [tilespmem:s13+$0xFFFFFFE0];
	v3 =	vadd.f32 v56, v3  }
0x2e0: {  	v56 =	vld [tilespmem:$0x1FEE0]  }
0x2e1: {  	v3 =	vadd.f32 v6, v3;
	v6 =	vld [tilespmem:s13+$0xFFFFFFC0]  }
0x2e2: {  	v14 =	vmul.f32 v54, v27;
	v5 =	vmul.f32 v5, v15;
	v15 =	vld [tilespmem:s13+$0x10]  }
0x2e3: {  	v3 =	vadd.f32 v62, v3;
	v10 =	vmul.f32 v16, v10;
	v16 =	vmul.f32 v18, v49;
	v18 =	vld [tilespmem:$0x1FED0]  }
0x2e4: {  	v7 =	vadd.f32 v12, v7;
	v4 =	vadd.f32 v14, v8;
	v14 =	vmul.f32 v17, v54;
	v17 =	vld [tilespmem:s13+$0x0]  }
0x2e5: {  	v12 =	vmul.f32 v49, v56;
	v3 =	vadd.f32 v58, v3;
	v58 =	vld [tilespmem:s13+$0x20]  }
0x2e6: {  	v7 =	vadd.f32 v14, v7;
	v14 =	vld [tilespmem:s19+$0xFFFFFF08]  }
0x2e7: {  	v2 =	vadd.f32 $0.0e+00, v2;
	v4 =	vadd.f32 v12, v4;
	v12 =	vmul.f32 v52, v26;
	v52 =	vld [tilespmem:s19+$0xFFFFFF18]  }
0x2e8: {  	v7 =	vadd.f32 v16, v7;
	v16 =	vld [tilespmem:$0x1FDA0]  }
0x2e9: {  	v6 =	vmul.f32 v63, v6;
	v2 =	vadd.f32 v10, v2;
	v63 =	vld [tilespmem:$0x1FF10]  }
0x2ea: {  	v3 =	vadd.f32 v53, v3;
	v53 =	vld [tilespmem:$0x1FEF0]  }
0x2eb: {  	v1 =	vadd.f32 v12, v1;
	v12 =	vld [tilespmem:s13+$0xFFFFFFF0];
	v2 =	vadd.f32 v6, v2  }
0x2ec: {  	v6 =	vld [tilespmem:s19+$0xFFFFFF28]  }
0x2ed: {  	v3 =	vadd.f32 v50, v3;
	v2 =	vadd.f32 v5, v2;
	v5 =	vld [tilespmem:s19+$0xFFFFFF38];
	v16 =	vmul.f32 v16, v46  }
0x2ee: {  	v4 =	vadd.f32 v59, v4;
	v13 =	vmul.f32 v14, v13;
	v14 =	vmul.f32 v57, v41;
	v41 =	vld [tilespmem:s19+$0xFFFFFF58]  }
0x2ef: {  	v49 =	vmul.f32 v47, v18;
	v3 =	vadd.f32 v43, v3;
	v43 =	vld [tilespmem:$0x1FEC0];
	v7 =	vadd.f32 v16, v7  }
0x2f0: {  	v4 =	vadd.f32 v51, v4;
	v54 =	vmul.f32 v44, v53;
	v44 =	vld [tilespmem:s13+$0x40]  }
0x2f1: {  	v11 =	vmul.f32 v11, v37;
	v1 =	vadd.f32 v49, v1;
	v7 =	vadd.f32 v14, v7;
	v14 =	vld [tilespmem:s13+$0x30]  }
0x2f2: {  	v4 =	vadd.f32 v48, v4;
	v48 =	vld [tilespmem:$0x1FE90];
	v10 =	vmul.f32 v52, v12;
	v2 =	vadd.f32 v13, v2  }
0x2f3: {  	v9 =	vmul.f32 v9, v35;
	v12 =	vmul.f32 v39, v63;
	v13 =	vld [tilespmem:s19+$0xFFFFFF48];
	v1 =	vadd.f32 v54, v1  }
0x2f4: {  	v6 =	vmul.f32 v6, v17;
	v17 =	vld [tilespmem:$0x1FEB0];
	v4 =	vadd.f32 v45, v4;
	v2 =	vadd.f32 v10, v2  }
0x2f5: {  	v5 =	vmul.f32 v5, v15;
	v16 =	vld [tilespmem:s13+$0x58];
	v1 =	vadd.f32 v12, v1;
	v12 =	vmul.f32 v36, v43  }
0x2f6: {  	v2 =	vadd.f32 v6, v2;
	v7 =	vadd.f32 v11, v7;
	v10 =	vmul.f32 v41, v14;
	v14 =	vld [tilespmem:$0x1FEA0]  }
0x2f7: {  	v45 =	vmul.f32 v61, v33;
	v15 =	vmul.f32 v0, v31;
	v6 =	vld [tilespmem:s19+$0xFFFFFF68];
	v1 =	vadd.f32 v12, v1  }
0x2f8: {  	v12 =	vld [tilespmem:s13+$0x50];
	v8 =	vmul.f32 v13, v58;
	v2 =	vadd.f32 v5, v2;
	v7 =	vadd.f32 v9, v7  }
0x2f9: {  	v3 =	vadd.f32 v42, v3;
	v4 =	vadd.f32 v40, v4;
	v13 =	vmul.f32 v34, v17;
	v5 =	vld [tilespmem:s19+$0xFFFFFF78]  }
0x2fa: {  	v50 =	vld [tilespmem:$0x1FE80];
	v47 =	vmul.f32 v55, v15;
	v2 =	vadd.f32 v8, v2;
	v7 =	vadd.f32 v45, v7  }
0x2fb: {  	v4 =	vadd.f32 v38, v4;
	v1 =	vadd.f32 v13, v1;
	v13 =	vld [tilespmem:s19+$0xFFFFFF80];
	v46 =	vmul.f32 v32, v14  }
0x2fc: {  	(xrf2) =	vadd.scan.msk.f32 $0xffff, v3;
	v6 =	vmul.f32 v6, v44;
	v2 =	vadd.f32 v10, v2;
	v7 =	vadd.f32 v47, v7  }
0x2fd: {  	v49 =	vmul.f32 v30, v48;
	(xrf2) =	vadd.scan.msk.f32 $0xffff, v4;
	v1 =	vadd.f32 v46, v1  }
0x2fe: {  	v3 =	vmul.f32 v5, v12;
	v5 =	vmul.f32 v0, v16;
	v2 =	vadd.f32 v6, v2;
	(xrf2) =	vadd.scan.msk.f32 $0xffff, v7  }
0x2ff: {  	v4 =	vmul.f32 v29, v50;
	v1 =	vadd.f32 v49, v1  }
0x300: {  	v5 =	vmul.f32 v13, v5;
	v2 =	vadd.f32 v3, v2  }
0x301: {  	v1 =	vadd.f32 v4, v1  }
0x302: {  	v2 =	vadd.f32 v5, v2  }
0x303: {  	(xrf2) =	vadd.scan.msk.f32 $0xffff, v1  }
0x304: {  	(xrf2) =	vadd.scan.msk.f32 $0xffff, v2  }
0x305: {  	v1, _, _ =	vpop (xrf2)  }
0x306: {  	v2, _, _ =	vpop (xrf2)  }
0x307: {  	v4, _, _ =	vpop (xrf2)  }
0x308: {  	v3 =	vld [tilespmem:s19+$0x120];
	v5, _, _ =	vpop (xrf2)  }
0x309: {  	v5 =	vbroadcast v5, $0xF;
	_ =	sdelay $0x2  }
0x30a: {  	v6 =	vmov s21;
	v7 =	vlaneseq.u32;
	v4 =	vbroadcast v4, $0xF  }
0x30b: {  	vm4 =	veq.s32 v6, v7;
	v2 =	vbroadcast v2, $0xF;
	v3 =	vsel vm0, v5, v3;
	v5, _, _ =	vpop (xrf2)  }
0x30c: {  	v1 =	vbroadcast v1, $0xF;
	v3 =	vsel vm1, v3, v4;
	v4 =	vbroadcast v5, $0xF;
	v5, _, _ =	vpop (xrf2)  }
0x30d: {  	v52 =	vld [tilespmem:$0x1FFB0];
	v2 =	vsel vm2, v3, v2;
	v3 =	vmov s12;
	v5 =	vbroadcast v5, $0xF  }
.Ltmp5:
0x30e: {  	v61 =	vld [tilespmem:$0x1FE60];
	v1 =	vsel vm4, v1, v28;
	vm4 =	veq.s32 v3, v7;
	(pc) =	sbr.rel @p0 .LBB2_7-.Ltmp5, $4  }
0x30f: {  	v62 =	vmov v22;
	v30 =	vld [tilespmem:$0x1FFC0];
	v1 =	vsel vm4, v5, v1  }
0x310: {  	s28 =	sadd.s32 $0x10, s18;
	s29 =	sshll.u32 s17, $0x4;
	v57 =	vmovc v27;
	v27 =	vmovc v53;
	v31 =	vmov v56;
	v56 =	vmov v26;
	v58 =	vld [tilespmem:$0x1FFF0];
	v2 =	vsel vm3, v2, v4  }
0x311: {  	s30 =	sand.u32 $0x3FFFFFF0, s29;
	v22 =	vmovc v48;
	v29 =	vld [tilespmem:$0x1FFE0];
	v16 =	vmovc v20;
	v12 =	vmov v21;
	v20 =	vmov v17;
	v21 =	vmov v14;
	[tilespmem:s28+$0x0] =	vst v2  }
0x312: {  	s17 =	simm.s32 $0x1;
	p2 =	por $0x0, $0x0;
	v28 =	vmovc v24;
	v24 =	vmovc v50;
	[tilespmem:s30+$0x13DB0] =	vst v1;
	v4 =	vmov v23;
	v23 =	vmov v43;
	v1 =	vmov v25;
	v25 =	vld [tilespmem:$0x1FFD0]  }
0x313: {  	s12 =	sshll.u32 s16, $0x1  }
.Ltmp6:
0x314: {  	s12 =	sand.u32 $0x1FFFFFC0, s12;
	(pc) =	sbr.rel @p1 .LBB2_12-.Ltmp6, $4  }
0x315: {  	s30 =	sshrl.u32 s16, $0x3;
	s12 =	sadd.s32 s10, s12  }
0x316: {  	[hbm4b:s12+s5] =	stream.linear.scatter [tilespmem:s25], [sflag:$0x6], $0x200, $0x38;
	[tilespmem:$0x13DD0] =	vst v63  }
0x317: {  	s12 =	sadd.s32 s3, s30  }
0x318: {  	[hbm4b:s12+s5] =	stream.linear.scatter [tilespmem:s26], [sflag:$0x6], $0x20, $0x38;
	[tilespmem:$0x13DD0] =	vst v63  }
0x319: {  	s12 =	sadd.s32 $0x60, s15  }
0x31a: {  	s13 =	sadd.s32 s11, s12  }
0x31b: {  	s19 =	simm.s32 $0x5200;
	s13 =	smul.u32 $0x19, s13  }
0x31c: {  	[tilespmem:s19], [sflag:$0x2] =	stream.indirect.gather [hbm4b:s9+s23], $0x280, s12, s23, $0xb8;
	[tilespmem:$0x13DD0] =	vst v63  }
0x31d: {  	s28 =	simm.s32 $0xBB00;
	s21 =	sadd.s32 s6, s13  }
0x31e: {  	[tilespmem:s28], [sflag:$0x4] =	stream.linear.gather [hbm4b:s21+s5], $0x1900, $0x38;
	[tilespmem:$0x13DD0] =	vst v63  }
.Ltmp7:
0x31f: {  	_ = 	snop;
	(pc) =	sbr.rel .LBB2_2-.Ltmp7, $4  }
0x320: {  	s29 =	sadd.s32 s7, s13  }
0x321: {  	[tilespmem:s31], [sflag:$0x4] =	stream.linear.gather [hbm4b:s29+s5], $0x1900, $0x38;
	[tilespmem:$0x13DD0] =	vst v63  }
0x322: {  	s14 =	sadd.s32 $0x1, s14;
	s30 =	sadd.s32 s8, s13  }
0x323: {  	v53 =	vmov v19;
	[tilespmem:s0], [sflag:$0x4] =	stream.linear.gather [hbm4b:s30+s5], $0x1900, $0x38;
	[tilespmem:$0x13DD0] =	vst v63  }
.LBB2_13:
0x324: {  	_ =	sfence.sel $0x180000  }
0x325: {  	[bflag:$0x0] =	sbarrier.arrive $0xFFFF  }
0x326: {  	_ =	strace $0x90000047  }
0x327: {  	s0 =	stileid.u32;
	[bflag:$0x2] =	sbarrier.arrive $0xFFFF  }
0x328: {  	p0 =	sne.s32 s0, $0x0;
	s0 =	rddreg [dreg:$0x5]  }
0x329: {  	s0 =	sadd.s32 @!p0 $0x100000, s0  }
0x32a: {  	[sflag:s0] =	ssyncadd.tile.s32 @!p0 $0x1;
	_ =	shalt  }
.Lfunc_end2:
_tile_overlayer_lowered:
.L_overlay_start_2:
0x32b: {  	(tag) =	ssettag $0x2  }
0x32c: {  	s0 =	rddreg [dreg:$0x0];
	s2 =	stileid.u32  }
0x32d: {  	s1 =	rddreg [dreg:$0x1];
	p0 =	sne.s32 s2, $0x0  }
0x32e: {  	s3 =	rddreg [dreg:$0x2];
	[bflag:$0x3] =	sbarrier.arrive $0xFFFF;
	s2 =	simm.s32 @!p0 $0x1C07  }
0x32f: {  	[timem:s3], [sflag:s2] =	dma.local @!p0 [hbm:s0], s1  }
0x330: {  	s0 =	simm.s32 @!p0 $0x7  }
0x331: {  	_ =	swait.ge @!p0 [sflag:s0], s1  }
0x332: {  	s1 =	ssub.s32 @!p0 $0x0, s1;
	[sflag:s0] =	ssyncset.done @!p0 $0x0  }
0x333: {  	[sflag:s0] =	ssyncadd.s32 @!p0 s1  }
0x334: {  	[bflag:$0x3] =	sbarrier.arrive $0xFFFF  }
0x335: {  	_ =	shalt  }

</sc_bundles>
